<compile_context>
chip_gen: v7x
topology: tpu7x:2x2x1
jax: 0.10.2.dev20260603
libtpu: 0.0.44.dev20260713+nightly
codegen_flags: <defaults>
</compile_context>

<pallas_src>
import jax
import jax.numpy as jnp
from jax import lax
from jax.experimental import pallas as pl
from jax.experimental.pallas import tpu as pltpu
from jax.experimental.pallas import tpu_sc as plsc

N = 10000
E = 320000
D = 128

NC = 2
NS = 16
NW = NC * NS
K = 80
EPW = E // NW
NCHUNK = EPW // K
NBUF = 4
NR = (NCHUNK - 1) // NBUF
ACCR = N
DR = 624
TAIL = N - DR * NS
DEGW = 128
Z0 = 128

_MESH = plsc.VectorSubcoreMesh(
    core_axis_name="c", subcore_axis_name="s", num_cores=NC, num_subcores=NS
)


def _zero_rows(ref, nrows, width):
    zv = jnp.zeros((16,), jnp.float32)
    groups = width // 16

    def body(i, _):
        ref[i // groups, pl.ds((i % groups) * 16, 16)] = zv
        return 0

    lax.fori_loop(0, nrows * groups, body, 0)


def _zero_acc(acc_sh, stage_v, s):
    for z in range(4):
        pltpu.sync_copy(stage_v, acc_sh.at[pl.ds(s * DR + z * Z0, Z0)])
    pltpu.sync_copy(
        stage_v.at[pl.ds(0, DR - 4 * Z0)],
        acc_sh.at[pl.ds(s * DR + 4 * Z0, DR - 4 * Z0)],
    )

    @pl.when(s == NS - 1)
    def _():
        pltpu.sync_copy(stage_v.at[pl.ds(0, TAIL)], acc_sh.at[pl.ds(DR * NS, TAIL)])


def _zero_acc80(acc_sh, stage80, s):
    for z in range(7):
        pltpu.sync_copy(stage80, acc_sh.at[pl.ds(s * DR + z * 80, 80)])
    pltpu.sync_copy(stage80.at[pl.ds(0, 64)], acc_sh.at[pl.ds(s * DR + 560, 64)])

    @pl.when(s == NS - 1)
    def _():
        pltpu.sync_copy(stage80.at[pl.ds(0, TAIL)], acc_sh.at[pl.ds(DR * NS, TAIL)])


def _drain_acc(acc_sh, hbm, c, s):
    pltpu.sync_copy(acc_sh.at[pl.ds(s * DR, DR)], hbm.at[c, pl.ds(s * DR, DR)])

    @pl.when(s == NS - 1)
    def _():
        pltpu.sync_copy(
            acc_sh.at[pl.ds(DR * NS, TAIL)], hbm.at[c, pl.ds(DR * NS, TAIL)]
        )


def _deg_body(dst_hbm, degp_hbm, dst_v0, dst_v1, ones_v, stage_v, acc_sh,
              ssem0, ssem1):
    c = lax.axis_index("c")
    s = lax.axis_index("s")
    wid = s * NC + c
    base = wid * EPW

    onev = jnp.full((16,), 1.0, jnp.float32)
    groups = DEGW // 16

    def fill_ones(i, _):
        ones_v[i // groups, pl.ds((i % groups) * 16, 16)] = onev
        return 0

    lax.fori_loop(0, K * groups, fill_ones, 0)
    _zero_rows(stage_v, Z0, DEGW)
    _zero_acc(acc_sh, stage_v, s)
    plsc.subcore_barrier()

    pltpu.sync_copy(dst_hbm.at[pl.ds(base, K)], dst_v0)

    def rnd(r, _):
        sc0 = pltpu.async_copy(ones_v, acc_sh.at[dst_v0], ssem0, add=True)
        pltpu.sync_copy(dst_hbm.at[pl.ds(base + (2 * r + 1) * K, K)], dst_v1)
        sc1 = pltpu.async_copy(ones_v, acc_sh.at[dst_v1], ssem1, add=True)
        sc0.wait()
        pltpu.sync_copy(dst_hbm.at[pl.ds(base + (2 * r + 2) * K, K)], dst_v0)
        sc1.wait()
        return 0

    lax.fori_loop(0, NR, rnd, 0)
    pltpu.sync_copy(ones_v, acc_sh.at[dst_v0], add=True)
    plsc.subcore_barrier()
    _drain_acc(acc_sh, degp_hbm, c, s)


def _agg_body(g_hbm, src_hbm, dst_hbm, accp_hbm,
              src_vs, dst_vs, rows_vs, acc_sh, gsems, ssems):
    c = lax.axis_index("c")
    s = lax.axis_index("s")
    wid = s * NC + c
    base = wid * EPW

    _zero_rows(rows_vs[0], K, D)
    _zero_acc80(acc_sh, rows_vs[0], s)
    plsc.subcore_barrier()

    for b in range(NBUF):
        pltpu.sync_copy(src_hbm.at[pl.ds(base + b * K, K)], src_vs[b])
        pltpu.sync_copy(dst_hbm.at[pl.ds(base + b * K, K)], dst_vs[b])
        pltpu.async_copy(g_hbm.at[src_vs[b]], rows_vs[b], gsems[b])

    def rnd(r, _):
        for b in range(NBUF):
            pltpu.make_async_copy(g_hbm.at[src_vs[b]], rows_vs[b], gsems[b]).wait()
            pltpu.async_copy(rows_vs[b], acc_sh.at[dst_vs[b]], ssems[b], add=True)
        for b in range(NBUF):
            pltpu.make_async_copy(rows_vs[b], acc_sh.at[dst_vs[b]], ssems[b]).wait()
            nxt = base + (NBUF * r + NBUF + b) * K

            def refill():
                pltpu.sync_copy(src_hbm.at[pl.ds(nxt, K)], src_vs[b])
                pltpu.sync_copy(dst_hbm.at[pl.ds(nxt, K)], dst_vs[b])
                pltpu.async_copy(g_hbm.at[src_vs[b]], rows_vs[b], gsems[b])

            if b == 0:
                refill()
            else:
                pl.when(r < NR - 1)(refill)
        return 0

    lax.fori_loop(0, NR, rnd, 0)
    pltpu.make_async_copy(g_hbm.at[src_vs[0]], rows_vs[0], gsems[0]).wait()
    pltpu.sync_copy(rows_vs[0], acc_sh.at[dst_vs[0]], add=True)
    plsc.subcore_barrier()
    _drain_acc(acc_sh, accp_hbm, c, s)


_DEG_SCRATCH = [
    pltpu.VMEM((K,), jnp.int32),
    pltpu.VMEM((K,), jnp.int32),
    pltpu.VMEM((K, DEGW), jnp.float32),
    pltpu.VMEM((Z0, DEGW), jnp.float32),
    pltpu.VMEM_SHARED((ACCR, DEGW), jnp.float32),
    pltpu.SemaphoreType.DMA,
    pltpu.SemaphoreType.DMA,
]

_AGG_SCRATCH = [
    [pltpu.VMEM((K,), jnp.int32) for _ in range(NBUF)],
    [pltpu.VMEM((K,), jnp.int32) for _ in range(NBUF)],
    [pltpu.VMEM((K, D), jnp.float32) for _ in range(NBUF)],
    pltpu.VMEM_SHARED((ACCR, D), jnp.float32),
    [pltpu.SemaphoreType.DMA for _ in range(NBUF)],
    [pltpu.SemaphoreType.DMA for _ in range(NBUF)],
]

_deg_kernel = pl.kernel(
    _deg_body,
    out_type=jax.ShapeDtypeStruct((NC, N, DEGW), jnp.float32),
    mesh=_MESH,
    scratch_types=_DEG_SCRATCH,
)

_agg_kernel = pl.kernel(
    _agg_body,
    out_type=jax.ShapeDtypeStruct((NC, N, D), jnp.float32),
    mesh=_MESH,
    scratch_types=_AGG_SCRATCH,
)


def _tc1_body(feat_ref, w1_ref, degp_ref, g1_ref, dinv_ref):
    deg = degp_ref[0] + degp_ref[1] + 1.0
    dinv16 = lax.rsqrt(deg)
    h = jnp.dot(feat_ref[...], w1_ref[...], preferred_element_type=jnp.float32)
    g1_ref[...] = h * dinv16[:, 0:1]
    dinv_ref[...] = dinv16


def _tc2_body(accp_ref, g1_ref, dinv_ref, b1_ref, w2_ref, g2_ref):
    dinv = dinv_ref[:, 0:1]
    x = (accp_ref[0] + accp_ref[1] + g1_ref[...]) * dinv + b1_ref[...]
    x = jnp.where(x > 0.0, x, jnp.exp(x) - 1.0)
    h2 = jnp.dot(x, w2_ref[...], preferred_element_type=jnp.float32)
    g2_ref[...] = h2 * dinv


def _tc3_body(accp_ref, g2_ref, dinv_ref, b2_ref, out_ref):
    dinv = dinv_ref[:, 0:1]
    out_ref[...] = (accp_ref[0] + accp_ref[1] + g2_ref[...]) * dinv + b2_ref[...]


_tc1 = pl.pallas_call(
    _tc1_body,
    out_shape=[
        jax.ShapeDtypeStruct((N, D), jnp.float32),
        jax.ShapeDtypeStruct((N, DEGW), jnp.float32),
    ],
)

_tc2 = pl.pallas_call(
    _tc2_body,
    out_shape=jax.ShapeDtypeStruct((N, D), jnp.float32),
)

_tc3 = pl.pallas_call(
    _tc3_body,
    out_shape=jax.ShapeDtypeStruct((N, D), jnp.float32),
)


def kernel(feature, edge_index, W1, b1, W2, b2):
    src = edge_index[0]
    dst = edge_index[1]
    degp = _deg_kernel(dst)
    g1, dinv16 = _tc1(feature, W1, degp)
    acc1 = _agg_kernel(g1, src, dst)
    g2 = _tc2(acc1, g1, dinv16, b1.reshape(1, D), W2)
    acc2 = _agg_kernel(g2, src, dst)
    return _tc3(acc2, g2, dinv16, b2.reshape(1, D))

# --- scband reference (transcript-rebuilt; emitter-appended) ---
"""Pipeline reference for scband-gcnnet-9156870275402 (READ-ONLY COPY).

The authoritative reference and input builder live on the scoring server;
editing this copy changes nothing except your own understanding.
"""

import jax, jax.numpy as jnp
import numpy as np

N_NODES = 10000
N_EDGES = 320000
D_IN = 128
D_HID = 128
D_OUT = 128


def setup_inputs(seed: int = 0) -> dict:
    key = jax.random.key(seed)
    k1, k2, k3, k4 = jax.random.split(key, 4)
    feature = jax.random.normal(k1, (N_NODES, D_IN), dtype=jnp.float32)
    edge_index = jax.random.randint(k2, (2, N_EDGES), 0, N_NODES, dtype=jnp.int32)
    W1 = jax.random.normal(k3, (D_IN, D_HID), dtype=jnp.float32) * 0.05
    b1 = jnp.zeros((D_HID,), dtype=jnp.float32)
    W2 = jax.random.normal(k4, (D_HID, D_OUT), dtype=jnp.float32) * 0.05
    b2 = jnp.zeros((D_OUT,), dtype=jnp.float32)
    return {"feature": feature, "edge_index": edge_index, "W1": W1, "b1": b1, "W2": W2, "b2": b2}


def gcn_conv(x, edge_index, W, b):
    n = x.shape[0]
    src = edge_index[0]
    dst = edge_index[1]
    loop = jnp.arange(n, dtype=src.dtype)
    src = jnp.concatenate([src, loop])
    dst = jnp.concatenate([dst, loop])
    deg = jnp.zeros((n,), dtype=x.dtype).at[dst].add(1.0)
    dinv = jnp.where(deg > 0, 1.0 / jnp.sqrt(deg), 0.0)
    norm = dinv[src] * dinv[dst]
    h = x @ W
    msg = h[src] * norm[:, None]
    out = jnp.zeros((n, h.shape[1]), dtype=x.dtype).at[dst].add(msg)
    return out + b


def reference(feature, edge_index, W1, b1, W2, b2):
    # eval mode: dropout(p=0.5, training=False) is identity
    x = gcn_conv(feature, edge_index, W1, b1)
    x = jax.nn.elu(x)
    x = gcn_conv(x, edge_index, W2, b2)
    return x

if __name__ == "__main__":
    import jax
    _d = setup_inputs()
    print(jax.jit(kernel)(*tuple(_d.values())))

</pallas_src>

<mosaic_0001>
#map = affine_map<(d0, d1) -> (0)>
#map1 = affine_map<(d0, d1) -> (0, 0, 0)>
module attributes {stable_mosaic.version = 14 : i64} {
  func.func @_deg_body(%arg0: i32, %arg1: i32, %arg2: memref<320000xi32, #tpu.memory_space<hbm>>, %arg3: memref<2x10000x128xf32, #tpu.memory_space<hbm>>, %arg4: memref<80xi32, #tpu.memory_space<vmem>>, %arg5: memref<80xi32, #tpu.memory_space<vmem>>, %arg6: memref<80x128xf32, #tpu.memory_space<vmem>>, %arg7: memref<128x128xf32, #tpu.memory_space<vmem>>, %arg8: memref<10000x128xf32, #tpu.memory_space<vmem_shared>>, %arg9: memref<!tpu.dma_semaphore, #tpu.memory_space<semaphore_mem>>, %arg10: memref<!tpu.dma_semaphore, #tpu.memory_space<semaphore_mem>>) attributes {dimension_semantics = [#tpu.dimension_semantics<core_parallel>, #tpu.dimension_semantics<subcore_parallel>], iteration_bounds = array<i64: 2, 16>, scalar_prefetch = 0 : i64, scratch_operands = 7 : i64, tpu.core_type = #tpu.core_type<sc_vector_subcore>, window_params = [{transform_indices = #map}, {transform_indices = #map1}]} {
    %mul3A = arith.constant 2 : i32
    %mul3A_0 = arith.muli %arg1, %mul3A : i32
    %add3A = arith.addi %mul3A_0, %arg0 : i32
    %mul3A_1 = arith.constant 10000 : i32
    %mul3A_2 = arith.muli %add3A, %mul3A_1 : i32
    %broadcast_in_dim3A = arith.constant 1.000000e+00 : f32
    %broadcast_in_dim3A_3 = vector.broadcast %broadcast_in_dim3A : f32 to vector<16xf32>
    %scan3A = arith.constant 0 : i32
    %scan3A_4 = arith.constant 0 : i32
    %scan3A_5 = arith.constant 640 : i32
    %scan3A_6 = arith.addi %scan3A_4, %scan3A_5 : i32
    %scan3A_7 = arith.constant 1 : i32
    %scan3A_8 = scf.for %scan3A_58 = %scan3A_4 to %scan3A_6 step %scan3A_7 iter_args(%scan3A_59 = %scan3A) -> (i32)  : i32 {
      %jit3A = arith.constant 8 : i32
      %div3A = arith.divsi %scan3A_58, %jit3A : i32
      %sign3A = arith.constant 0 : i32
      %sign3A_60 = arith.cmpi sgt, %scan3A_58, %sign3A : i32
      %sign3A_61 = arith.extui %sign3A_60 : i1 to i32
      %sign3A_62 = arith.constant 0 : i32
      %sign3A_63 = arith.cmpi slt, %scan3A_58, %sign3A_62 : i32
      %sign3A_64 = arith.extui %sign3A_63 : i1 to i32
      %sign3A_65 = arith.subi %sign3A_61, %sign3A_64 : i32
      %sign3A_66 = arith.constant 0 : i32
      %sign3A_67 = arith.cmpi sgt, %jit3A, %sign3A_66 : i32
      %sign3A_68 = arith.extui %sign3A_67 : i1 to i32
      %sign3A_69 = arith.constant 0 : i32
      %sign3A_70 = arith.cmpi slt, %jit3A, %sign3A_69 : i32
      %sign3A_71 = arith.extui %sign3A_70 : i1 to i32
      %sign3A_72 = arith.subi %sign3A_68, %sign3A_71 : i32
      %ne3A = arith.cmpi ne, %sign3A_65, %sign3A_72 : i32
      %rem3A = arith.remsi %scan3A_58, %jit3A : i32
      %ne3A_73 = arith.constant 0 : i32
      %ne3A_74 = arith.cmpi ne, %rem3A, %ne3A_73 : i32
      %and3A = arith.andi %ne3A, %ne3A_74 : i1
      %sub3A = arith.constant 1 : i32
      %sub3A_75 = arith.subi %div3A, %sub3A : i32
      %select_n3A = arith.select %and3A, %sub3A_75, %div3A : i32
      %jit3A_76 = arith.constant 8 : i32
      %eq3A_77 = arith.constant 0 : i32
      %eq3A_78 = arith.cmpi eq, %jit3A_76, %eq3A_77 : i32
      %jit3A_79 = arith.constant 1 : i32
      %select_n3A_80 = arith.select %eq3A_78, %jit3A_79, %jit3A_76 : i32
      %rem3A_81 = arith.remsi %scan3A_58, %select_n3A_80 : i32
      %ne3A_82 = arith.constant 0 : i32
      %ne3A_83 = arith.cmpi ne, %rem3A_81, %ne3A_82 : i32
      %lt3A = arith.constant 0 : i32
      %lt3A_84 = arith.cmpi slt, %rem3A_81, %lt3A : i32
      %lt3A_85 = arith.constant 0 : i32
      %lt3A_86 = arith.cmpi slt, %select_n3A_80, %lt3A_85 : i32
      %ne3A_87 = arith.xori %lt3A_84, %lt3A_86 : i1
      %and3A_88 = arith.andi %ne3A_87, %ne3A_83 : i1
      %add3A_89 = arith.addi %rem3A_81, %select_n3A_80 : i32
      %select_n3A_90 = arith.select %and3A_88, %add3A_89, %rem3A_81 : i32
      %mul3A_91 = arith.constant 16 : i32
      %mul3A_92 = arith.muli %select_n3A_90, %mul3A_91 : i32
      %swap3A = arith.index_cast %select_n3A : i32 to index
      %swap3A_93 = arith.index_cast %mul3A_92 : i32 to index
      %swap3A_94 = tpu.vector_load %arg6[%swap3A, %swap3A_93] {strides = array<i32>} : memref<80x128xf32, #tpu.memory_space<vmem>>, vector<1x16xf32>,
      %swap3A_95 = vector.shape_cast %swap3A_94 : vector<1x16xf32> to vector<16xf32>
      %swap3A_96 = vector.shape_cast %broadcast_in_dim3A_3 : vector<16xf32> to vector<1x16xf32>
      tpu.vector_store %arg6[%swap3A, %swap3A_93], %swap3A_96 {strides = array<i32>} : memref<80x128xf32, #tpu.memory_space<vmem>>, vector<1x16xf32>,
      %scan3A_97 = arith.constant 0 : i32
      scf.yield %scan3A_97 : i32
    }
    %scan3A_9 = arith.constant 640 : i32
    %broadcast_in_dim3A_10 = arith.constant 0.000000e+00 : f32
    %broadcast_in_dim3A_11 = vector.broadcast %broadcast_in_dim3A_10 : f32 to vector<16xf32>
    %scan3A_12 = arith.constant 0 : i32
    %scan3A_13 = arith.constant 0 : i32
    %scan3A_14 = arith.constant 1024 : i32
    %scan3A_15 = arith.addi %scan3A_13, %scan3A_14 : i32
    %scan3A_16 = arith.constant 1 : i32
    %scan3A_17 = scf.for %scan3A_58 = %scan3A_13 to %scan3A_15 step %scan3A_16 iter_args(%scan3A_59 = %scan3A_12) -> (i32)  : i32 {
      %jit3A = arith.constant 8 : i32
      %div3A = arith.divsi %scan3A_58, %jit3A : i32
      %sign3A = arith.constant 0 : i32
      %sign3A_60 = arith.cmpi sgt, %scan3A_58, %sign3A : i32
      %sign3A_61 = arith.extui %sign3A_60 : i1 to i32
      %sign3A_62 = arith.constant 0 : i32
      %sign3A_63 = arith.cmpi slt, %scan3A_58, %sign3A_62 : i32
      %sign3A_64 = arith.extui %sign3A_63 : i1 to i32
      %sign3A_65 = arith.subi %sign3A_61, %sign3A_64 : i32
      %sign3A_66 = arith.constant 0 : i32
      %sign3A_67 = arith.cmpi sgt, %jit3A, %sign3A_66 : i32
      %sign3A_68 = arith.extui %sign3A_67 : i1 to i32
      %sign3A_69 = arith.constant 0 : i32
      %sign3A_70 = arith.cmpi slt, %jit3A, %sign3A_69 : i32
      %sign3A_71 = arith.extui %sign3A_70 : i1 to i32
      %sign3A_72 = arith.subi %sign3A_68, %sign3A_71 : i32
      %ne3A = arith.cmpi ne, %sign3A_65, %sign3A_72 : i32
      %rem3A = arith.remsi %scan3A_58, %jit3A : i32
      %ne3A_73 = arith.constant 0 : i32
      %ne3A_74 = arith.cmpi ne, %rem3A, %ne3A_73 : i32
      %and3A = arith.andi %ne3A, %ne3A_74 : i1
      %sub3A = arith.constant 1 : i32
      %sub3A_75 = arith.subi %div3A, %sub3A : i32
      %select_n3A = arith.select %and3A, %sub3A_75, %div3A : i32
      %jit3A_76 = arith.constant 8 : i32
      %eq3A_77 = arith.constant 0 : i32
      %eq3A_78 = arith.cmpi eq, %jit3A_76, %eq3A_77 : i32
      %jit3A_79 = arith.constant 1 : i32
      %select_n3A_80 = arith.select %eq3A_78, %jit3A_79, %jit3A_76 : i32
      %rem3A_81 = arith.remsi %scan3A_58, %select_n3A_80 : i32
      %ne3A_82 = arith.constant 0 : i32
      %ne3A_83 = arith.cmpi ne, %rem3A_81, %ne3A_82 : i32
      %lt3A = arith.constant 0 : i32
      %lt3A_84 = arith.cmpi slt, %rem3A_81, %lt3A : i32
      %lt3A_85 = arith.constant 0 : i32
      %lt3A_86 = arith.cmpi slt, %select_n3A_80, %lt3A_85 : i32
      %ne3A_87 = arith.xori %lt3A_84, %lt3A_86 : i1
      %and3A_88 = arith.andi %ne3A_87, %ne3A_83 : i1
      %add3A_89 = arith.addi %rem3A_81, %select_n3A_80 : i32
      %select_n3A_90 = arith.select %and3A_88, %add3A_89, %rem3A_81 : i32
      %mul3A_91 = arith.constant 16 : i32
      %mul3A_92 = arith.muli %select_n3A_90, %mul3A_91 : i32
      %swap3A = arith.index_cast %select_n3A : i32 to index
      %swap3A_93 = arith.index_cast %mul3A_92 : i32 to index
      %swap3A_94 = tpu.vector_load %arg7[%swap3A, %swap3A_93] {strides = array<i32>} : memref<128x128xf32, #tpu.memory_space<vmem>>, vector<1x16xf32>,
      %swap3A_95 = vector.shape_cast %swap3A_94 : vector<1x16xf32> to vector<16xf32>
      %swap3A_96 = vector.shape_cast %broadcast_in_dim3A_11 : vector<16xf32> to vector<1x16xf32>
      tpu.vector_store %arg7[%swap3A, %swap3A_93], %swap3A_96 {strides = array<i32>} : memref<128x128xf32, #tpu.memory_space<vmem>>, vector<1x16xf32>,
      %scan3A_97 = arith.constant 0 : i32
      scf.yield %scan3A_97 : i32
    }
    %scan3A_18 = arith.constant 1024 : i32
    %mul3A_19 = arith.constant 624 : i32
    %mul3A_20 = arith.muli %arg1, %mul3A_19 : i32
    %add3A_21 = arith.constant 0 : i32
    %add3A_22 = arith.addi %mul3A_20, %add3A_21 : i32
    "tpu.region"() ({
      %run_scoped3A = tpu.sem_alloc : memref<!tpu.dma_semaphore, #tpu.memory_space<semaphore_mem>>
      %dma_start3A = arith.constant 0 : i32
      %dma_start3A_58 = tpu.memref_slice %arg8[%add3A_22, %dma_start3A] : memref<10000x128xf32, #tpu.memory_space<vmem_shared>> -> memref<128x128xf32, #tpu.memory_space<vmem_shared>>
      %dma_start3A_59 = arith.constant 0 : i32
      %dma_start3A_60 = tpu.memref_slice %arg8[%add3A_22, %dma_start3A_59] : memref<10000x128xf32, #tpu.memory_space<vmem_shared>> -> memref<128x128xf32, #tpu.memory_space<vmem_shared>>
      tpu.enqueue_dma source(%arg7 : memref<128x128xf32, #tpu.memory_space<vmem>>) target(%dma_start3A_60 : memref<128x128xf32, #tpu.memory_space<vmem_shared>>) target_semaphore(%run_scoped3A : memref<!tpu.dma_semaphore, #tpu.memory_space<semaphore_mem>>)
      %dma_wait3A = arith.constant 0 : i32
      %dma_wait3A_61 = tpu.memref_slice %arg8[%add3A_22, %dma_wait3A] : memref<10000x128xf32, #tpu.memory_space<vmem_shared>> -> memref<128x128xf32, #tpu.memory_space<vmem_shared>>
      %dma_wait3A_62 = arith.constant 0 : i32
      %dma_wait3A_63 = tpu.memref_slice %arg8[%add3A_22, %dma_wait3A_62] : memref<10000x128xf32, #tpu.memory_space<vmem_shared>> -> memref<128x128xf32, #tpu.memory_space<vmem_shared>>
      tpu.wait_dma2 semaphore(%run_scoped3A : memref<!tpu.dma_semaphore, #tpu.memory_space<semaphore_mem>>) src(%arg7 : memref<128x128xf32, #tpu.memory_space<vmem>>) dst(%dma_wait3A_63 : memref<128x128xf32, #tpu.memory_space<vmem_shared>>)
      tpu.yield
    }) : () -> ()
    %mul3A_23 = arith.constant 624 : i32
    %mul3A_24 = arith.muli %arg1, %mul3A_23 : i32
    %add3A_25 = arith.constant 128 : i32
    %add3A_26 = arith.addi %mul3A_24, %add3A_25 : i32
    "tpu.region"() ({
      %run_scoped3A = tpu.sem_alloc : memref<!tpu.dma_semaphore, #tpu.memory_space<semaphore_mem>>
      %dma_start3A = arith.constant 0 : i32
      %dma_start3A_58 = tpu.memref_slice %arg8[%add3A_26, %dma_start3A] : memref<10000x128xf32, #tpu.memory_space<vmem_shared>> -> memref<128x128xf32, #tpu.memory_space<vmem_shared>>
      %dma_start3A_59 = arith.constant 0 : i32
      %dma_start3A_60 = tpu.memref_slice %arg8[%add3A_26, %dma_start3A_59] : memref<10000x128xf32, #tpu.memory_space<vmem_shared>> -> memref<128x128xf32, #tpu.memory_space<vmem_shared>>
      tpu.enqueue_dma source(%arg7 : memref<128x128xf32, #tpu.memory_space<vmem>>) target(%dma_start3A_60 : memref<128x128xf32, #tpu.memory_space<vmem_shared>>) target_semaphore(%run_scoped3A : memref<!tpu.dma_semaphore, #tpu.memory_space<semaphore_mem>>)
      %dma_wait3A = arith.constant 0 : i32
      %dma_wait3A_61 = tpu.memref_slice %arg8[%add3A_26, %dma_wait3A] : memref<10000x128xf32, #tpu.memory_space<vmem_shared>> -> memref<128x128xf32, #tpu.memory_space<vmem_shared>>
      %dma_wait3A_62 = arith.constant 0 : i32
      %dma_wait3A_63 = tpu.memref_slice %arg8[%add3A_26, %dma_wait3A_62] : memref<10000x128xf32, #tpu.memory_space<vmem_shared>> -> memref<128x128xf32, #tpu.memory_space<vmem_shared>>
      tpu.wait_dma2 semaphore(%run_scoped3A : memref<!tpu.dma_semaphore, #tpu.memory_space<semaphore_mem>>) src(%arg7 : memref<128x128xf32, #tpu.memory_space<vmem>>) dst(%dma_wait3A_63 : memref<128x128xf32, #tpu.memory_space<vmem_shared>>)
      tpu.yield
    }) : () -> ()
    %mul3A_27 = arith.constant 624 : i32
    %mul3A_28 = arith.muli %arg1, %mul3A_27 : i32
    %add3A_29 = arith.constant 256 : i32
    %add3A_30 = arith.addi %mul3A_28, %add3A_29 : i32
    "tpu.region"() ({
      %run_scoped3A = tpu.sem_alloc : memref<!tpu.dma_semaphore, #tpu.memory_space<semaphore_mem>>
      %dma_start3A = arith.constant 0 : i32
      %dma_start3A_58 = tpu.memref_slice %arg8[%add3A_30, %dma_start3A] : memref<10000x128xf32, #tpu.memory_space<vmem_shared>> -> memref<128x128xf32, #tpu.memory_space<vmem_shared>>
      %dma_start3A_59 = arith.constant 0 : i32
      %dma_start3A_60 = tpu.memref_slice %arg8[%add3A_30, %dma_start3A_59] : memref<10000x128xf32, #tpu.memory_space<vmem_shared>> -> memref<128x128xf32, #tpu.memory_space<vmem_shared>>
      tpu.enqueue_dma source(%arg7 : memref<128x128xf32, #tpu.memory_space<vmem>>) target(%dma_start3A_60 : memref<128x128xf32, #tpu.memory_space<vmem_shared>>) target_semaphore(%run_scoped3A : memref<!tpu.dma_semaphore, #tpu.memory_space<semaphore_mem>>)
      %dma_wait3A = arith.constant 0 : i32
      %dma_wait3A_61 = tpu.memref_slice %arg8[%add3A_30, %dma_wait3A] : memref<10000x128xf32, #tpu.memory_space<vmem_shared>> -> memref<128x128xf32, #tpu.memory_space<vmem_shared>>
      %dma_wait3A_62 = arith.constant 0 : i32
      %dma_wait3A_63 = tpu.memref_slice %arg8[%add3A_30, %dma_wait3A_62] : memref<10000x128xf32, #tpu.memory_space<vmem_shared>> -> memref<128x128xf32, #tpu.memory_space<vmem_shared>>
      tpu.wait_dma2 semaphore(%run_scoped3A : memref<!tpu.dma_semaphore, #tpu.memory_space<semaphore_mem>>) src(%arg7 : memref<128x128xf32, #tpu.memory_space<vmem>>) dst(%dma_wait3A_63 : memref<128x128xf32, #tpu.memory_space<vmem_shared>>)
      tpu.yield
    }) : () -> ()
    %mul3A_31 = arith.constant 624 : i32
    %mul3A_32 = arith.muli %arg1, %mul3A_31 : i32
    %add3A_33 = arith.constant 384 : i32
    %add3A_34 = arith.addi %mul3A_32, %add3A_33 : i32
    "tpu.region"() ({
      %run_scoped3A = tpu.sem_alloc : memref<!tpu.dma_semaphore, #tpu.memory_space<semaphore_mem>>
      %dma_start3A = arith.constant 0 : i32
      %dma_start3A_58 = tpu.memref_slice %arg8[%add3A_34, %dma_start3A] : memref<10000x128xf32, #tpu.memory_space<vmem_shared>> -> memref<128x128xf32, #tpu.memory_space<vmem_shared>>
      %dma_start3A_59 = arith.constant 0 : i32
      %dma_start3A_60 = tpu.memref_slice %arg8[%add3A_34, %dma_start3A_59] : memref<10000x128xf32, #tpu.memory_space<vmem_shared>> -> memref<128x128xf32, #tpu.memory_space<vmem_shared>>
      tpu.enqueue_dma source(%arg7 : memref<128x128xf32, #tpu.memory_space<vmem>>) target(%dma_start3A_60 : memref<128x128xf32, #tpu.memory_space<vmem_shared>>) target_semaphore(%run_scoped3A : memref<!tpu.dma_semaphore, #tpu.memory_space<semaphore_mem>>)
      %dma_wait3A = arith.constant 0 : i32
      %dma_wait3A_61 = tpu.memref_slice %arg8[%add3A_34, %dma_wait3A] : memref<10000x128xf32, #tpu.memory_space<vmem_shared>> -> memref<128x128xf32, #tpu.memory_space<vmem_shared>>
      %dma_wait3A_62 = arith.constant 0 : i32
      %dma_wait3A_63 = tpu.memref_slice %arg8[%add3A_34, %dma_wait3A_62] : memref<10000x128xf32, #tpu.memory_space<vmem_shared>> -> memref<128x128xf32, #tpu.memory_space<vmem_shared>>
      tpu.wait_dma2 semaphore(%run_scoped3A : memref<!tpu.dma_semaphore, #tpu.memory_space<semaphore_mem>>) src(%arg7 : memref<128x128xf32, #tpu.memory_space<vmem>>) dst(%dma_wait3A_63 : memref<128x128xf32, #tpu.memory_space<vmem_shared>>)
      tpu.yield
    }) : () -> ()
    %mul3A_35 = arith.constant 624 : i32
    %mul3A_36 = arith.muli %arg1, %mul3A_35 : i32
    %add3A_37 = arith.constant 512 : i32
    %add3A_38 = arith.addi %mul3A_36, %add3A_37 : i32
    "tpu.region"() ({
      %run_scoped3A = tpu.sem_alloc : memref<!tpu.dma_semaphore, #tpu.memory_space<semaphore_mem>>
      %dma_start3A = arith.constant 0 : i32
      %dma_start3A_58 = arith.constant 0 : i32
      %dma_start3A_59 = tpu.memref_slice %arg7[%dma_start3A, %dma_start3A_58] : memref<128x128xf32, #tpu.memory_space<vmem>> -> memref<112x128xf32, #tpu.memory_space<vmem>>
      %dma_start3A_60 = arith.constant 0 : i32
      %dma_start3A_61 = tpu.memref_slice %arg8[%add3A_38, %dma_start3A_60] : memref<10000x128xf32, #tpu.memory_space<vmem_shared>> -> memref<112x128xf32, #tpu.memory_space<vmem_shared>>
      %dma_start3A_62 = arith.constant 0 : i32
      %dma_start3A_63 = tpu.memref_slice %arg8[%add3A_38, %dma_start3A_62] : memref<10000x128xf32, #tpu.memory_space<vmem_shared>> -> memref<112x128xf32, #tpu.memory_space<vmem_shared>>
      %dma_start3A_64 = arith.constant 0 : i32
      %dma_start3A_65 = arith.constant 0 : i32
      %dma_start3A_66 = tpu.memref_slice %arg7[%dma_start3A_64, %dma_start3A_65] : memref<128x128xf32, #tpu.memory_space<vmem>> -> memref<112x128xf32, #tpu.memory_space<vmem>>
      tpu.enqueue_dma source(%dma_start3A_66 : memref<112x128xf32, #tpu.memory_space<vmem>>) target(%dma_start3A_63 : memref<112x128xf32, #tpu.memory_space<vmem_shared>>) target_semaphore(%run_scoped3A : memref<!tpu.dma_semaphore, #tpu.memory_space<semaphore_mem>>)
      %dma_wait3A = arith.constant 0 : i32
      %dma_wait3A_67 = arith.constant 0 : i32
      %dma_wait3A_68 = tpu.memref_slice %arg7[%dma_wait3A, %dma_wait3A_67] : memref<128x128xf32, #tpu.memory_space<vmem>> -> memref<112x128xf32, #tpu.memory_space<vmem>>
      %dma_wait3A_69 = arith.constant 0 : i32
      %dma_wait3A_70 = tpu.memref_slice %arg8[%add3A_38, %dma_wait3A_69] : memref<10000x128xf32, #tpu.memory_space<vmem_shared>> -> memref<112x128xf32, #tpu.memory_space<vmem_shared>>
      %dma_wait3A_71 = arith.constant 0 : i32
      %dma_wait3A_72 = tpu.memref_slice %arg8[%add3A_38, %dma_wait3A_71] : memref<10000x128xf32, #tpu.memory_space<vmem_shared>> -> memref<112x128xf32, #tpu.memory_space<vmem_shared>>
      %dma_wait3A_73 = arith.constant 0 : i32
      %dma_wait3A_74 = arith.constant 0 : i32
      %dma_wait3A_75 = tpu.memref_slice %arg7[%dma_wait3A_73, %dma_wait3A_74] : memref<128x128xf32, #tpu.memory_space<vmem>> -> memref<112x128xf32, #tpu.memory_space<vmem>>
      tpu.wait_dma2 semaphore(%run_scoped3A : memref<!tpu.dma_semaphore, #tpu.memory_space<semaphore_mem>>) src(%dma_wait3A_75 : memref<112x128xf32, #tpu.memory_space<vmem>>) dst(%dma_wait3A_72 : memref<112x128xf32, #tpu.memory_space<vmem_shared>>)
      tpu.yield
    }) : () -> ()
    %eq3A = arith.constant 15 : i32
    %eq3A_39 = arith.cmpi eq, %arg1, %eq3A : i32
    %convert_element_type3A = arith.extui %eq3A_39 : i1 to i32
    %cond3A = arith.constant 0 : i32
    %cond3A_40 = arith.cmpi ne, %convert_element_type3A, %cond3A : i32
    scf.if %cond3A_40 {
      "tpu.region"() ({
        %run_scoped3A = tpu.sem_alloc : memref<!tpu.dma_semaphore, #tpu.memory_space<semaphore_mem>>
        %dma_start3A = arith.constant 0 : i32
        %dma_start3A_58 = arith.constant 0 : i32
        %dma_start3A_59 = tpu.memref_slice %arg7[%dma_start3A, %dma_start3A_58] : memref<128x128xf32, #tpu.memory_space<vmem>> -> memref<16x128xf32, #tpu.memory_space<vmem>>
        %dma_start3A_60 = arith.constant 9984 : i32
        %dma_start3A_61 = arith.constant 0 : i32
        %dma_start3A_62 = tpu.memref_slice %arg8[%dma_start3A_60, %dma_start3A_61] : memref<10000x128xf32, #tpu.memory_space<vmem_shared>> -> memref<16x128xf32, #tpu.memory_space<vmem_shared>>
        %dma_start3A_63 = arith.constant 9984 : i32
        %dma_start3A_64 = arith.constant 0 : i32
        %dma_start3A_65 = tpu.memref_slice %arg8[%dma_start3A_63, %dma_start3A_64] : memref<10000x128xf32, #tpu.memory_space<vmem_shared>> -> memref<16x128xf32, #tpu.memory_space<vmem_shared>>
        %dma_start3A_66 = arith.constant 0 : i32
        %dma_start3A_67 = arith.constant 0 : i32
        %dma_start3A_68 = tpu.memref_slice %arg7[%dma_start3A_66, %dma_start3A_67] : memref<128x128xf32, #tpu.memory_space<vmem>> -> memref<16x128xf32, #tpu.memory_space<vmem>>
        tpu.enqueue_dma source(%dma_start3A_68 : memref<16x128xf32, #tpu.memory_space<vmem>>) target(%dma_start3A_65 : memref<16x128xf32, #tpu.memory_space<vmem_shared>>) target_semaphore(%run_scoped3A : memref<!tpu.dma_semaphore, #tpu.memory_space<semaphore_mem>>)
        %dma_wait3A = arith.constant 0 : i32
        %dma_wait3A_69 = arith.constant 0 : i32
        %dma_wait3A_70 = tpu.memref_slice %arg7[%dma_wait3A, %dma_wait3A_69] : memref<128x128xf32, #tpu.memory_space<vmem>> -> memref<16x128xf32, #tpu.memory_space<vmem>>
        %dma_wait3A_71 = arith.constant 9984 : i32
        %dma_wait3A_72 = arith.constant 0 : i32
        %dma_wait3A_73 = tpu.memref_slice %arg8[%dma_wait3A_71, %dma_wait3A_72] : memref<10000x128xf32, #tpu.memory_space<vmem_shared>> -> memref<16x128xf32, #tpu.memory_space<vmem_shared>>
        %dma_wait3A_74 = arith.constant 9984 : i32
        %dma_wait3A_75 = arith.constant 0 : i32
        %dma_wait3A_76 = tpu.memref_slice %arg8[%dma_wait3A_74, %dma_wait3A_75] : memref<10000x128xf32, #tpu.memory_space<vmem_shared>> -> memref<16x128xf32, #tpu.memory_space<vmem_shared>>
        %dma_wait3A_77 = arith.constant 0 : i32
        %dma_wait3A_78 = arith.constant 0 : i32
        %dma_wait3A_79 = tpu.memref_slice %arg7[%dma_wait3A_77, %dma_wait3A_78] : memref<128x128xf32, #tpu.memory_space<vmem>> -> memref<16x128xf32, #tpu.memory_space<vmem>>
        tpu.wait_dma2 semaphore(%run_scoped3A : memref<!tpu.dma_semaphore, #tpu.memory_space<semaphore_mem>>) src(%dma_wait3A_79 : memref<16x128xf32, #tpu.memory_space<vmem>>) dst(%dma_wait3A_76 : memref<16x128xf32, #tpu.memory_space<vmem_shared>>)
        tpu.yield
      }) : () -> ()
    } else {
    }
    %barrier3A = arith.constant 0 : index
    tpu.barrier barrier_id(%barrier3A)
    "tpu.region"() ({
      %run_scoped3A = tpu.sem_alloc : memref<!tpu.dma_semaphore, #tpu.memory_space<semaphore_mem>>
      %dma_start3A = tpu.memref_slice %arg2[%mul3A_2] : memref<320000xi32, #tpu.memory_space<hbm>> -> memref<80xi32, #tpu.memory_space<hbm>>
      %dma_start3A_58 = tpu.memref_slice %arg2[%mul3A_2] : memref<320000xi32, #tpu.memory_space<hbm>> -> memref<80xi32, #tpu.memory_space<hbm>>
      tpu.enqueue_dma source(%dma_start3A_58 : memref<80xi32, #tpu.memory_space<hbm>>) target(%arg4 : memref<80xi32, #tpu.memory_space<vmem>>) target_semaphore(%run_scoped3A : memref<!tpu.dma_semaphore, #tpu.memory_space<semaphore_mem>>)
      %dma_wait3A = tpu.memref_slice %arg2[%mul3A_2] : memref<320000xi32, #tpu.memory_space<hbm>> -> memref<80xi32, #tpu.memory_space<hbm>>
      %dma_wait3A_59 = tpu.memref_slice %arg2[%mul3A_2] : memref<320000xi32, #tpu.memory_space<hbm>> -> memref<80xi32, #tpu.memory_space<hbm>>
      tpu.wait_dma2 semaphore(%run_scoped3A : memref<!tpu.dma_semaphore, #tpu.memory_space<semaphore_mem>>) src(%dma_wait3A_59 : memref<80xi32, #tpu.memory_space<hbm>>) dst(%arg4 : memref<80xi32, #tpu.memory_space<vmem>>)
      tpu.yield
    }) : () -> ()
    %scan3A_41 = arith.constant 0 : i32
    %scan3A_42 = arith.constant 0 : i32
    %scan3A_43 = arith.constant 31 : i32
    %scan3A_44 = arith.addi %scan3A_42, %scan3A_43 : i32
    %scan3A_45 = arith.constant 1 : i32
    %scan3A_46 = scf.for %scan3A_58 = %scan3A_42 to %scan3A_44 step %scan3A_45 iter_args(%scan3A_59 = %scan3A_41) -> (i32)  : i32 {
      %dma_start3A = arith.constant 0 : i32
      %dma_start3A_60 = arith.constant 0 : i32
      %dma_start3A_61 = tpu.memref_slice %arg8[%dma_start3A, %dma_start3A_60] : memref<10000x128xf32, #tpu.memory_space<vmem_shared>> -> memref<10000x128xf32, #tpu.memory_space<vmem_shared>>
      tpu.enqueue_indirect_dma source(%arg6 : memref<80x128xf32, #tpu.memory_space<vmem>>) target(%dma_start3A_61 : memref<10000x128xf32, #tpu.memory_space<vmem_shared>>) offsets(%arg4 : memref<80xi32, #tpu.memory_space<vmem>>) semaphore(%arg9 : memref<!tpu.dma_semaphore, #tpu.memory_space<semaphore_mem>>) {add = true}
      %mul3A_62 = arith.constant 2 : i32
      %mul3A_63 = arith.muli %mul3A_62, %scan3A_58 : i32
      %add3A_64 = arith.constant 1 : i32
      %add3A_65 = arith.addi %mul3A_63, %add3A_64 : i32
      %mul3A_66 = arith.constant 80 : i32
      %mul3A_67 = arith.muli %add3A_65, %mul3A_66 : i32
      %add3A_68 = arith.addi %mul3A_2, %mul3A_67 : i32
      "tpu.region"() ({
        %run_scoped3A = tpu.sem_alloc : memref<!tpu.dma_semaphore, #tpu.memory_space<semaphore_mem>>
        %dma_start3A_85 = tpu.memref_slice %arg2[%add3A_68] : memref<320000xi32, #tpu.memory_space<hbm>> -> memref<80xi32, #tpu.memory_space<hbm>>
        %dma_start3A_86 = tpu.memref_slice %arg2[%add3A_68] : memref<320000xi32, #tpu.memory_space<hbm>> -> memref<80xi32, #tpu.memory_space<hbm>>
        tpu.enqueue_dma source(%dma_start3A_86 : memref<80xi32, #tpu.memory_space<hbm>>) target(%arg5 : memref<80xi32, #tpu.memory_space<vmem>>) target_semaphore(%run_scoped3A : memref<!tpu.dma_semaphore, #tpu.memory_space<semaphore_mem>>)
        %dma_wait3A_87 = tpu.memref_slice %arg2[%add3A_68] : memref<320000xi32, #tpu.memory_space<hbm>> -> memref<80xi32, #tpu.memory_space<hbm>>
        %dma_wait3A_88 = tpu.memref_slice %arg2[%add3A_68] : memref<320000xi32, #tpu.memory_space<hbm>> -> memref<80xi32, #tpu.memory_space<hbm>>
        tpu.wait_dma2 semaphore(%run_scoped3A : memref<!tpu.dma_semaphore, #tpu.memory_space<semaphore_mem>>) src(%dma_wait3A_88 : memref<80xi32, #tpu.memory_space<hbm>>) dst(%arg5 : memref<80xi32, #tpu.memory_space<vmem>>)
        tpu.yield
      }) : () -> ()
      %dma_start3A_69 = arith.constant 0 : i32
      %dma_start3A_70 = arith.constant 0 : i32
      %dma_start3A_71 = tpu.memref_slice %arg8[%dma_start3A_69, %dma_start3A_70] : memref<10000x128xf32, #tpu.memory_space<vmem_shared>> -> memref<10000x128xf32, #tpu.memory_space<vmem_shared>>
      tpu.enqueue_indirect_dma source(%arg6 : memref<80x128xf32, #tpu.memory_space<vmem>>) target(%dma_start3A_71 : memref<10000x128xf32, #tpu.memory_space<vmem_shared>>) offsets(%arg5 : memref<80xi32, #tpu.memory_space<vmem>>) semaphore(%arg10 : memref<!tpu.dma_semaphore, #tpu.memory_space<semaphore_mem>>) {add = true}
      %dma_wait3A = arith.constant 0 : i32
      %dma_wait3A_72 = arith.constant 0 : i32
      %dma_wait3A_73 = tpu.memref_slice %arg8[%dma_wait3A, %dma_wait3A_72] : memref<10000x128xf32, #tpu.memory_space<vmem_shared>> -> memref<10000x128xf32, #tpu.memory_space<vmem_shared>>
      tpu.wait_indirect_dma semaphore(%arg9 : memref<!tpu.dma_semaphore, #tpu.memory_space<semaphore_mem>>) src(%arg6 : memref<80x128xf32, #tpu.memory_space<vmem>>) dst(%dma_wait3A_73 : memref<10000x128xf32, #tpu.memory_space<vmem_shared>>)
      %mul3A_74 = arith.constant 2 : i32
      %mul3A_75 = arith.muli %mul3A_74, %scan3A_58 : i32
      %add3A_76 = arith.constant 2 : i32
      %add3A_77 = arith.addi %mul3A_75, %add3A_76 : i32
      %mul3A_78 = arith.constant 80 : i32
      %mul3A_79 = arith.muli %add3A_77, %mul3A_78 : i32
      %add3A_80 = arith.addi %mul3A_2, %mul3A_79 : i32
      "tpu.region"() ({
        %run_scoped3A = tpu.sem_alloc : memref<!tpu.dma_semaphore, #tpu.memory_space<semaphore_mem>>
        %dma_start3A_85 = tpu.memref_slice %arg2[%add3A_80] : memref<320000xi32, #tpu.memory_space<hbm>> -> memref<80xi32, #tpu.memory_space<hbm>>
        %dma_start3A_86 = tpu.memref_slice %arg2[%add3A_80] : memref<320000xi32, #tpu.memory_space<hbm>> -> memref<80xi32, #tpu.memory_space<hbm>>
        tpu.enqueue_dma source(%dma_start3A_86 : memref<80xi32, #tpu.memory_space<hbm>>) target(%arg4 : memref<80xi32, #tpu.memory_space<vmem>>) target_semaphore(%run_scoped3A : memref<!tpu.dma_semaphore, #tpu.memory_space<semaphore_mem>>)
        %dma_wait3A_87 = tpu.memref_slice %arg2[%add3A_80] : memref<320000xi32, #tpu.memory_space<hbm>> -> memref<80xi32, #tpu.memory_space<hbm>>
        %dma_wait3A_88 = tpu.memref_slice %arg2[%add3A_80] : memref<320000xi32, #tpu.memory_space<hbm>> -> memref<80xi32, #tpu.memory_space<hbm>>
        tpu.wait_dma2 semaphore(%run_scoped3A : memref<!tpu.dma_semaphore, #tpu.memory_space<semaphore_mem>>) src(%dma_wait3A_88 : memref<80xi32, #tpu.memory_space<hbm>>) dst(%arg4 : memref<80xi32, #tpu.memory_space<vmem>>)
        tpu.yield
      }) : () -> ()
      %dma_wait3A_81 = arith.constant 0 : i32
      %dma_wait3A_82 = arith.constant 0 : i32
      %dma_wait3A_83 = tpu.memref_slice %arg8[%dma_wait3A_81, %dma_wait3A_82] : memref<10000x128xf32, #tpu.memory_space<vmem_shared>> -> memref<10000x128xf32, #tpu.memory_space<vmem_shared>>
      tpu.wait_indirect_dma semaphore(%arg10 : memref<!tpu.dma_semaphore, #tpu.memory_space<semaphore_mem>>) src(%arg6 : memref<80x128xf32, #tpu.memory_space<vmem>>) dst(%dma_wait3A_83 : memref<10000x128xf32, #tpu.memory_space<vmem_shared>>)
      %scan3A_84 = arith.constant 0 : i32
      scf.yield %scan3A_84 : i32
    }
    %scan3A_47 = arith.constant 31 : i32
    "tpu.region"() ({
      %run_scoped3A = tpu.sem_alloc : memref<!tpu.dma_semaphore, #tpu.memory_space<semaphore_mem>>
      %dma_start3A = arith.constant 0 : i32
      %dma_start3A_58 = arith.constant 0 : i32
      %dma_start3A_59 = tpu.memref_slice %arg8[%dma_start3A, %dma_start3A_58] : memref<10000x128xf32, #tpu.memory_space<vmem_shared>> -> memref<10000x128xf32, #tpu.memory_space<vmem_shared>>
      tpu.enqueue_indirect_dma source(%arg6 : memref<80x128xf32, #tpu.memory_space<vmem>>) target(%dma_start3A_59 : memref<10000x128xf32, #tpu.memory_space<vmem_shared>>) offsets(%arg4 : memref<80xi32, #tpu.memory_space<vmem>>) semaphore(%run_scoped3A : memref<!tpu.dma_semaphore, #tpu.memory_space<semaphore_mem>>) {add = true}
      %dma_wait3A = arith.constant 0 : i32
      %dma_wait3A_60 = arith.constant 0 : i32
      %dma_wait3A_61 = tpu.memref_slice %arg8[%dma_wait3A, %dma_wait3A_60] : memref<10000x128xf32, #tpu.memory_space<vmem_shared>> -> memref<10000x128xf32, #tpu.memory_space<vmem_shared>>
      tpu.wait_indirect_dma semaphore(%run_scoped3A : memref<!tpu.dma_semaphore, #tpu.memory_space<semaphore_mem>>) src(%arg6 : memref<80x128xf32, #tpu.memory_space<vmem>>) dst(%dma_wait3A_61 : memref<10000x128xf32, #tpu.memory_space<vmem_shared>>)
      tpu.yield
    }) : () -> ()
    %barrier3A_48 = arith.constant 0 : index
    tpu.barrier barrier_id(%barrier3A_48)
    %mul3A_49 = arith.constant 624 : i32
    %mul3A_50 = arith.muli %arg1, %mul3A_49 : i32
    %mul3A_51 = arith.constant 624 : i32
    %mul3A_52 = arith.muli %arg1, %mul3A_51 : i32
    "tpu.region"() ({
      %run_scoped3A = tpu.sem_alloc : memref<!tpu.dma_semaphore, #tpu.memory_space<semaphore_mem>>
      %dma_start3A = arith.constant 0 : i32
      %dma_start3A_58 = tpu.memref_slice %arg3[%arg0, %mul3A_52, %dma_start3A] : memref<2x10000x128xf32, #tpu.memory_space<hbm>> -> memref<1x624x128xf32, #tpu.memory_space<hbm>>
      %dma_start3A_59 = tpu.memref_squeeze %dma_start3A_58 : memref<1x624x128xf32, #tpu.memory_space<hbm>> -> memref<624x128xf32, #tpu.memory_space<hbm>>
      %dma_start3A_60 = arith.constant 0 : i32
      %dma_start3A_61 = tpu.memref_slice %arg8[%mul3A_50, %dma_start3A_60] : memref<10000x128xf32, #tpu.memory_space<vmem_shared>> -> memref<624x128xf32, #tpu.memory_space<vmem_shared>>
      tpu.enqueue_dma source(%dma_start3A_61 : memref<624x128xf32, #tpu.memory_space<vmem_shared>>) target(%dma_start3A_59 : memref<624x128xf32, #tpu.memory_space<hbm>>) target_semaphore(%run_scoped3A : memref<!tpu.dma_semaphore, #tpu.memory_space<semaphore_mem>>)
      %dma_wait3A = arith.constant 0 : i32
      %dma_wait3A_62 = tpu.memref_slice %arg3[%arg0, %mul3A_52, %dma_wait3A] : memref<2x10000x128xf32, #tpu.memory_space<hbm>> -> memref<1x624x128xf32, #tpu.memory_space<hbm>>
      %dma_wait3A_63 = tpu.memref_squeeze %dma_wait3A_62 : memref<1x624x128xf32, #tpu.memory_space<hbm>> -> memref<624x128xf32, #tpu.memory_space<hbm>>
      %dma_wait3A_64 = arith.constant 0 : i32
      %dma_wait3A_65 = tpu.memref_slice %arg8[%mul3A_50, %dma_wait3A_64] : memref<10000x128xf32, #tpu.memory_space<vmem_shared>> -> memref<624x128xf32, #tpu.memory_space<vmem_shared>>
      tpu.wait_dma2 semaphore(%run_scoped3A : memref<!tpu.dma_semaphore, #tpu.memory_space<semaphore_mem>>) src(%dma_wait3A_65 : memref<624x128xf32, #tpu.memory_space<vmem_shared>>) dst(%dma_wait3A_63 : memref<624x128xf32, #tpu.memory_space<hbm>>)
      tpu.yield
    }) : () -> ()
    %eq3A_53 = arith.constant 15 : i32
    %eq3A_54 = arith.cmpi eq, %arg1, %eq3A_53 : i32
    %convert_element_type3A_55 = arith.extui %eq3A_54 : i1 to i32
    %cond3A_56 = arith.constant 0 : i32
    %cond3A_57 = arith.cmpi ne, %convert_element_type3A_55, %cond3A_56 : i32
    scf.if %cond3A_57 {
      "tpu.region"() ({
        %run_scoped3A = tpu.sem_alloc : memref<!tpu.dma_semaphore, #tpu.memory_space<semaphore_mem>>
        %dma_start3A = arith.constant 9984 : i32
        %dma_start3A_58 = arith.constant 0 : i32
        %dma_start3A_59 = tpu.memref_slice %arg3[%arg0, %dma_start3A, %dma_start3A_58] : memref<2x10000x128xf32, #tpu.memory_space<hbm>> -> memref<1x16x128xf32, #tpu.memory_space<hbm>>
        %dma_start3A_60 = tpu.memref_squeeze %dma_start3A_59 : memref<1x16x128xf32, #tpu.memory_space<hbm>> -> memref<16x128xf32, #tpu.memory_space<hbm>>
        %dma_start3A_61 = arith.constant 9984 : i32
        %dma_start3A_62 = arith.constant 0 : i32
        %dma_start3A_63 = tpu.memref_slice %arg8[%dma_start3A_61, %dma_start3A_62] : memref<10000x128xf32, #tpu.memory_space<vmem_shared>> -> memref<16x128xf32, #tpu.memory_space<vmem_shared>>
        tpu.enqueue_dma source(%dma_start3A_63 : memref<16x128xf32, #tpu.memory_space<vmem_shared>>) target(%dma_start3A_60 : memref<16x128xf32, #tpu.memory_space<hbm>>) target_semaphore(%run_scoped3A : memref<!tpu.dma_semaphore, #tpu.memory_space<semaphore_mem>>)
        %dma_wait3A = arith.constant 9984 : i32
        %dma_wait3A_64 = arith.constant 0 : i32
        %dma_wait3A_65 = tpu.memref_slice %arg3[%arg0, %dma_wait3A, %dma_wait3A_64] : memref<2x10000x128xf32, #tpu.memory_space<hbm>> -> memref<1x16x128xf32, #tpu.memory_space<hbm>>
        %dma_wait3A_66 = tpu.memref_squeeze %dma_wait3A_65 : memref<1x16x128xf32, #tpu.memory_space<hbm>> -> memref<16x128xf32, #tpu.memory_space<hbm>>
        %dma_wait3A_67 = arith.constant 9984 : i32
        %dma_wait3A_68 = arith.constant 0 : i32
        %dma_wait3A_69 = tpu.memref_slice %arg8[%dma_wait3A_67, %dma_wait3A_68] : memref<10000x128xf32, #tpu.memory_space<vmem_shared>> -> memref<16x128xf32, #tpu.memory_space<vmem_shared>>
        tpu.wait_dma2 semaphore(%run_scoped3A : memref<!tpu.dma_semaphore, #tpu.memory_space<semaphore_mem>>) src(%dma_wait3A_69 : memref<16x128xf32, #tpu.memory_space<vmem_shared>>) dst(%dma_wait3A_66 : memref<16x128xf32, #tpu.memory_space<hbm>>)
        tpu.yield
      }) : () -> ()
    } else {
    }
    return
  }
}

#map = affine_map<(d0, d1) -> (0, 0)>
#map1 = affine_map<(d0, d1) -> (0)>
#map2 = affine_map<(d0, d1) -> (0, 0, 0)>
module attributes {stable_mosaic.version = 14 : i64} {
  func.func @_agg_body(%arg0: i32, %arg1: i32, %arg2: memref<10000x128xf32, #tpu.memory_space<hbm>>, %arg3: memref<320000xi32, #tpu.memory_space<hbm>>, %arg4: memref<320000xi32, #tpu.memory_space<hbm>>, %arg5: memref<2x10000x128xf32, #tpu.memory_space<hbm>>, %arg6: memref<80xi32, #tpu.memory_space<vmem>>, %arg7: memref<80xi32, #tpu.memory_space<vmem>>, %arg8: memref<80xi32, #tpu.memory_space<vmem>>, %arg9: memref<80xi32, #tpu.memory_space<vmem>>, %arg10: memref<80xi32, #tpu.memory_space<vmem>>, %arg11: memref<80xi32, #tpu.memory_space<vmem>>, %arg12: memref<80xi32, #tpu.memory_space<vmem>>, %arg13: memref<80xi32, #tpu.memory_space<vmem>>, %arg14: memref<80x128xf32, #tpu.memory_space<vmem>>, %arg15: memref<80x128xf32, #tpu.memory_space<vmem>>, %arg16: memref<80x128xf32, #tpu.memory_space<vmem>>, %arg17: memref<80x128xf32, #tpu.memory_space<vmem>>, %arg18: memref<10000x128xf32, #tpu.memory_space<vmem_shared>>, %arg19: memref<!tpu.dma_semaphore, #tpu.memory_space<semaphore_mem>>, %arg20: memref<!tpu.dma_semaphore, #tpu.memory_space<semaphore_mem>>, %arg21: memref<!tpu.dma_semaphore, #tpu.memory_space<semaphore_mem>>, %arg22: memref<!tpu.dma_semaphore, #tpu.memory_space<semaphore_mem>>, %arg23: memref<!tpu.dma_semaphore, #tpu.memory_space<semaphore_mem>>, %arg24: memref<!tpu.dma_semaphore, #tpu.memory_space<semaphore_mem>>, %arg25: memref<!tpu.dma_semaphore, #tpu.memory_space<semaphore_mem>>, %arg26: memref<!tpu.dma_semaphore, #tpu.memory_space<semaphore_mem>>) attributes {dimension_semantics = [#tpu.dimension_semantics<core_parallel>, #tpu.dimension_semantics<subcore_parallel>], iteration_bounds = array<i64: 2, 16>, scalar_prefetch = 0 : i64, scratch_operands = 21 : i64, tpu.core_type = #tpu.core_type<sc_vector_subcore>, window_params = [{transform_indices = #map}, {transform_indices = #map1}, {transform_indices = #map1}, {transform_indices = #map2}]} {
    %mul3A = arith.constant 2 : i32
    %mul3A_0 = arith.muli %arg1, %mul3A : i32
    %add3A = arith.addi %mul3A_0, %arg0 : i32
    %mul3A_1 = arith.constant 10000 : i32
    %mul3A_2 = arith.muli %add3A, %mul3A_1 : i32
    %broadcast_in_dim3A = arith.constant 0.000000e+00 : f32
    %broadcast_in_dim3A_3 = vector.broadcast %broadcast_in_dim3A : f32 to vector<16xf32>
    %scan3A = arith.constant 0 : i32
    %scan3A_4 = arith.constant 0 : i32
    %scan3A_5 = arith.constant 640 : i32
    %scan3A_6 = arith.addi %scan3A_4, %scan3A_5 : i32
    %scan3A_7 = arith.constant 1 : i32
    %scan3A_8 = scf.for %scan3A_90 = %scan3A_4 to %scan3A_6 step %scan3A_7 iter_args(%scan3A_91 = %scan3A) -> (i32)  : i32 {
      %jit3A = arith.constant 8 : i32
      %div3A = arith.divsi %scan3A_90, %jit3A : i32
      %sign3A = arith.constant 0 : i32
      %sign3A_92 = arith.cmpi sgt, %scan3A_90, %sign3A : i32
      %sign3A_93 = arith.extui %sign3A_92 : i1 to i32
      %sign3A_94 = arith.constant 0 : i32
      %sign3A_95 = arith.cmpi slt, %scan3A_90, %sign3A_94 : i32
      %sign3A_96 = arith.extui %sign3A_95 : i1 to i32
      %sign3A_97 = arith.subi %sign3A_93, %sign3A_96 : i32
      %sign3A_98 = arith.constant 0 : i32
      %sign3A_99 = arith.cmpi sgt, %jit3A, %sign3A_98 : i32
      %sign3A_100 = arith.extui %sign3A_99 : i1 to i32
      %sign3A_101 = arith.constant 0 : i32
      %sign3A_102 = arith.cmpi slt, %jit3A, %sign3A_101 : i32
      %sign3A_103 = arith.extui %sign3A_102 : i1 to i32
      %sign3A_104 = arith.subi %sign3A_100, %sign3A_103 : i32
      %ne3A = arith.cmpi ne, %sign3A_97, %sign3A_104 : i32
      %rem3A = arith.remsi %scan3A_90, %jit3A : i32
      %ne3A_105 = arith.constant 0 : i32
      %ne3A_106 = arith.cmpi ne, %rem3A, %ne3A_105 : i32
      %and3A = arith.andi %ne3A, %ne3A_106 : i1
      %sub3A = arith.constant 1 : i32
      %sub3A_107 = arith.subi %div3A, %sub3A : i32
      %select_n3A = arith.select %and3A, %sub3A_107, %div3A : i32
      %jit3A_108 = arith.constant 8 : i32
      %eq3A_109 = arith.constant 0 : i32
      %eq3A_110 = arith.cmpi eq, %jit3A_108, %eq3A_109 : i32
      %jit3A_111 = arith.constant 1 : i32
      %select_n3A_112 = arith.select %eq3A_110, %jit3A_111, %jit3A_108 : i32
      %rem3A_113 = arith.remsi %scan3A_90, %select_n3A_112 : i32
      %ne3A_114 = arith.constant 0 : i32
      %ne3A_115 = arith.cmpi ne, %rem3A_113, %ne3A_114 : i32
      %lt3A = arith.constant 0 : i32
      %lt3A_116 = arith.cmpi slt, %rem3A_113, %lt3A : i32
      %lt3A_117 = arith.constant 0 : i32
      %lt3A_118 = arith.cmpi slt, %select_n3A_112, %lt3A_117 : i32
      %ne3A_119 = arith.xori %lt3A_116, %lt3A_118 : i1
      %and3A_120 = arith.andi %ne3A_119, %ne3A_115 : i1
      %add3A_121 = arith.addi %rem3A_113, %select_n3A_112 : i32
      %select_n3A_122 = arith.select %and3A_120, %add3A_121, %rem3A_113 : i32
      %mul3A_123 = arith.constant 16 : i32
      %mul3A_124 = arith.muli %select_n3A_122, %mul3A_123 : i32
      %swap3A = arith.index_cast %select_n3A : i32 to index
      %swap3A_125 = arith.index_cast %mul3A_124 : i32 to index
      %swap3A_126 = tpu.vector_load %arg14[%swap3A, %swap3A_125] {strides = array<i32>} : memref<80x128xf32, #tpu.memory_space<vmem>>, vector<1x16xf32>,
      %swap3A_127 = vector.shape_cast %swap3A_126 : vector<1x16xf32> to vector<16xf32>
      %swap3A_128 = vector.shape_cast %broadcast_in_dim3A_3 : vector<16xf32> to vector<1x16xf32>
      tpu.vector_store %arg14[%swap3A, %swap3A_125], %swap3A_128 {strides = array<i32>} : memref<80x128xf32, #tpu.memory_space<vmem>>, vector<1x16xf32>,
      %scan3A_129 = arith.constant 0 : i32
      scf.yield %scan3A_129 : i32
    }
    %scan3A_9 = arith.constant 640 : i32
    %mul3A_10 = arith.constant 624 : i32
    %mul3A_11 = arith.muli %arg1, %mul3A_10 : i32
    %add3A_12 = arith.constant 0 : i32
    %add3A_13 = arith.addi %mul3A_11, %add3A_12 : i32
    "tpu.region"() ({
      %run_scoped3A = tpu.sem_alloc : memref<!tpu.dma_semaphore, #tpu.memory_space<semaphore_mem>>
      %dma_start3A_90 = arith.constant 0 : i32
      %dma_start3A_91 = tpu.memref_slice %arg18[%add3A_13, %dma_start3A_90] : memref<10000x128xf32, #tpu.memory_space<vmem_shared>> -> memref<80x128xf32, #tpu.memory_space<vmem_shared>>
      %dma_start3A_92 = arith.constant 0 : i32
      %dma_start3A_93 = tpu.memref_slice %arg18[%add3A_13, %dma_start3A_92] : memref<10000x128xf32, #tpu.memory_space<vmem_shared>> -> memref<80x128xf32, #tpu.memory_space<vmem_shared>>
      tpu.enqueue_dma source(%arg14 : memref<80x128xf32, #tpu.memory_space<vmem>>) target(%dma_start3A_93 : memref<80x128xf32, #tpu.memory_space<vmem_shared>>) target_semaphore(%run_scoped3A : memref<!tpu.dma_semaphore, #tpu.memory_space<semaphore_mem>>)
      %dma_wait3A_94 = arith.constant 0 : i32
      %dma_wait3A_95 = tpu.memref_slice %arg18[%add3A_13, %dma_wait3A_94] : memref<10000x128xf32, #tpu.memory_space<vmem_shared>> -> memref<80x128xf32, #tpu.memory_space<vmem_shared>>
      %dma_wait3A_96 = arith.constant 0 : i32
      %dma_wait3A_97 = tpu.memref_slice %arg18[%add3A_13, %dma_wait3A_96] : memref<10000x128xf32, #tpu.memory_space<vmem_shared>> -> memref<80x128xf32, #tpu.memory_space<vmem_shared>>
      tpu.wait_dma2 semaphore(%run_scoped3A : memref<!tpu.dma_semaphore, #tpu.memory_space<semaphore_mem>>) src(%arg14 : memref<80x128xf32, #tpu.memory_space<vmem>>) dst(%dma_wait3A_97 : memref<80x128xf32, #tpu.memory_space<vmem_shared>>)
      tpu.yield
    }) : () -> ()
    %mul3A_14 = arith.constant 624 : i32
    %mul3A_15 = arith.muli %arg1, %mul3A_14 : i32
    %add3A_16 = arith.constant 80 : i32
    %add3A_17 = arith.addi %mul3A_15, %add3A_16 : i32
    "tpu.region"() ({
      %run_scoped3A = tpu.sem_alloc : memref<!tpu.dma_semaphore, #tpu.memory_space<semaphore_mem>>
      %dma_start3A_90 = arith.constant 0 : i32
      %dma_start3A_91 = tpu.memref_slice %arg18[%add3A_17, %dma_start3A_90] : memref<10000x128xf32, #tpu.memory_space<vmem_shared>> -> memref<80x128xf32, #tpu.memory_space<vmem_shared>>
      %dma_start3A_92 = arith.constant 0 : i32
      %dma_start3A_93 = tpu.memref_slice %arg18[%add3A_17, %dma_start3A_92] : memref<10000x128xf32, #tpu.memory_space<vmem_shared>> -> memref<80x128xf32, #tpu.memory_space<vmem_shared>>
      tpu.enqueue_dma source(%arg14 : memref<80x128xf32, #tpu.memory_space<vmem>>) target(%dma_start3A_93 : memref<80x128xf32, #tpu.memory_space<vmem_shared>>) target_semaphore(%run_scoped3A : memref<!tpu.dma_semaphore, #tpu.memory_space<semaphore_mem>>)
      %dma_wait3A_94 = arith.constant 0 : i32
      %dma_wait3A_95 = tpu.memref_slice %arg18[%add3A_17, %dma_wait3A_94] : memref<10000x128xf32, #tpu.memory_space<vmem_shared>> -> memref<80x128xf32, #tpu.memory_space<vmem_shared>>
      %dma_wait3A_96 = arith.constant 0 : i32
      %dma_wait3A_97 = tpu.memref_slice %arg18[%add3A_17, %dma_wait3A_96] : memref<10000x128xf32, #tpu.memory_space<vmem_shared>> -> memref<80x128xf32, #tpu.memory_space<vmem_shared>>
      tpu.wait_dma2 semaphore(%run_scoped3A : memref<!tpu.dma_semaphore, #tpu.memory_space<semaphore_mem>>) src(%arg14 : memref<80x128xf32, #tpu.memory_space<vmem>>) dst(%dma_wait3A_97 : memref<80x128xf32, #tpu.memory_space<vmem_shared>>)
      tpu.yield
    }) : () -> ()
    %mul3A_18 = arith.constant 624 : i32
    %mul3A_19 = arith.muli %arg1, %mul3A_18 : i32
    %add3A_20 = arith.constant 160 : i32
    %add3A_21 = arith.addi %mul3A_19, %add3A_20 : i32
    "tpu.region"() ({
      %run_scoped3A = tpu.sem_alloc : memref<!tpu.dma_semaphore, #tpu.memory_space<semaphore_mem>>
      %dma_start3A_90 = arith.constant 0 : i32
      %dma_start3A_91 = tpu.memref_slice %arg18[%add3A_21, %dma_start3A_90] : memref<10000x128xf32, #tpu.memory_space<vmem_shared>> -> memref<80x128xf32, #tpu.memory_space<vmem_shared>>
      %dma_start3A_92 = arith.constant 0 : i32
      %dma_start3A_93 = tpu.memref_slice %arg18[%add3A_21, %dma_start3A_92] : memref<10000x128xf32, #tpu.memory_space<vmem_shared>> -> memref<80x128xf32, #tpu.memory_space<vmem_shared>>
      tpu.enqueue_dma source(%arg14 : memref<80x128xf32, #tpu.memory_space<vmem>>) target(%dma_start3A_93 : memref<80x128xf32, #tpu.memory_space<vmem_shared>>) target_semaphore(%run_scoped3A : memref<!tpu.dma_semaphore, #tpu.memory_space<semaphore_mem>>)
      %dma_wait3A_94 = arith.constant 0 : i32
      %dma_wait3A_95 = tpu.memref_slice %arg18[%add3A_21, %dma_wait3A_94] : memref<10000x128xf32, #tpu.memory_space<vmem_shared>> -> memref<80x128xf32, #tpu.memory_space<vmem_shared>>
      %dma_wait3A_96 = arith.constant 0 : i32
      %dma_wait3A_97 = tpu.memref_slice %arg18[%add3A_21, %dma_wait3A_96] : memref<10000x128xf32, #tpu.memory_space<vmem_shared>> -> memref<80x128xf32, #tpu.memory_space<vmem_shared>>
      tpu.wait_dma2 semaphore(%run_scoped3A : memref<!tpu.dma_semaphore, #tpu.memory_space<semaphore_mem>>) src(%arg14 : memref<80x128xf32, #tpu.memory_space<vmem>>) dst(%dma_wait3A_97 : memref<80x128xf32, #tpu.memory_space<vmem_shared>>)
      tpu.yield
    }) : () -> ()
    %mul3A_22 = arith.constant 624 : i32
    %mul3A_23 = arith.muli %arg1, %mul3A_22 : i32
    %add3A_24 = arith.constant 240 : i32
    %add3A_25 = arith.addi %mul3A_23, %add3A_24 : i32
    "tpu.region"() ({
      %run_scoped3A = tpu.sem_alloc : memref<!tpu.dma_semaphore, #tpu.memory_space<semaphore_mem>>
      %dma_start3A_90 = arith.constant 0 : i32
      %dma_start3A_91 = tpu.memref_slice %arg18[%add3A_25, %dma_start3A_90] : memref<10000x128xf32, #tpu.memory_space<vmem_shared>> -> memref<80x128xf32, #tpu.memory_space<vmem_shared>>
      %dma_start3A_92 = arith.constant 0 : i32
      %dma_start3A_93 = tpu.memref_slice %arg18[%add3A_25, %dma_start3A_92] : memref<10000x128xf32, #tpu.memory_space<vmem_shared>> -> memref<80x128xf32, #tpu.memory_space<vmem_shared>>
      tpu.enqueue_dma source(%arg14 : memref<80x128xf32, #tpu.memory_space<vmem>>) target(%dma_start3A_93 : memref<80x128xf32, #tpu.memory_space<vmem_shared>>) target_semaphore(%run_scoped3A : memref<!tpu.dma_semaphore, #tpu.memory_space<semaphore_mem>>)
      %dma_wait3A_94 = arith.constant 0 : i32
      %dma_wait3A_95 = tpu.memref_slice %arg18[%add3A_25, %dma_wait3A_94] : memref<10000x128xf32, #tpu.memory_space<vmem_shared>> -> memref<80x128xf32, #tpu.memory_space<vmem_shared>>
      %dma_wait3A_96 = arith.constant 0 : i32
      %dma_wait3A_97 = tpu.memref_slice %arg18[%add3A_25, %dma_wait3A_96] : memref<10000x128xf32, #tpu.memory_space<vmem_shared>> -> memref<80x128xf32, #tpu.memory_space<vmem_shared>>
      tpu.wait_dma2 semaphore(%run_scoped3A : memref<!tpu.dma_semaphore, #tpu.memory_space<semaphore_mem>>) src(%arg14 : memref<80x128xf32, #tpu.memory_space<vmem>>) dst(%dma_wait3A_97 : memref<80x128xf32, #tpu.memory_space<vmem_shared>>)
      tpu.yield
    }) : () -> ()
    %mul3A_26 = arith.constant 624 : i32
    %mul3A_27 = arith.muli %arg1, %mul3A_26 : i32
    %add3A_28 = arith.constant 320 : i32
    %add3A_29 = arith.addi %mul3A_27, %add3A_28 : i32
    "tpu.region"() ({
      %run_scoped3A = tpu.sem_alloc : memref<!tpu.dma_semaphore, #tpu.memory_space<semaphore_mem>>
      %dma_start3A_90 = arith.constant 0 : i32
      %dma_start3A_91 = tpu.memref_slice %arg18[%add3A_29, %dma_start3A_90] : memref<10000x128xf32, #tpu.memory_space<vmem_shared>> -> memref<80x128xf32, #tpu.memory_space<vmem_shared>>
      %dma_start3A_92 = arith.constant 0 : i32
      %dma_start3A_93 = tpu.memref_slice %arg18[%add3A_29, %dma_start3A_92] : memref<10000x128xf32, #tpu.memory_space<vmem_shared>> -> memref<80x128xf32, #tpu.memory_space<vmem_shared>>
      tpu.enqueue_dma source(%arg14 : memref<80x128xf32, #tpu.memory_space<vmem>>) target(%dma_start3A_93 : memref<80x128xf32, #tpu.memory_space<vmem_shared>>) target_semaphore(%run_scoped3A : memref<!tpu.dma_semaphore, #tpu.memory_space<semaphore_mem>>)
      %dma_wait3A_94 = arith.constant 0 : i32
      %dma_wait3A_95 = tpu.memref_slice %arg18[%add3A_29, %dma_wait3A_94] : memref<10000x128xf32, #tpu.memory_space<vmem_shared>> -> memref<80x128xf32, #tpu.memory_space<vmem_shared>>
      %dma_wait3A_96 = arith.constant 0 : i32
      %dma_wait3A_97 = tpu.memref_slice %arg18[%add3A_29, %dma_wait3A_96] : memref<10000x128xf32, #tpu.memory_space<vmem_shared>> -> memref<80x128xf32, #tpu.memory_space<vmem_shared>>
      tpu.wait_dma2 semaphore(%run_scoped3A : memref<!tpu.dma_semaphore, #tpu.memory_space<semaphore_mem>>) src(%arg14 : memref<80x128xf32, #tpu.memory_space<vmem>>) dst(%dma_wait3A_97 : memref<80x128xf32, #tpu.memory_space<vmem_shared>>)
      tpu.yield
    }) : () -> ()
    %mul3A_30 = arith.constant 624 : i32
    %mul3A_31 = arith.muli %arg1, %mul3A_30 : i32
    %add3A_32 = arith.constant 400 : i32
    %add3A_33 = arith.addi %mul3A_31, %add3A_32 : i32
    "tpu.region"() ({
      %run_scoped3A = tpu.sem_alloc : memref<!tpu.dma_semaphore, #tpu.memory_space<semaphore_mem>>
      %dma_start3A_90 = arith.constant 0 : i32
      %dma_start3A_91 = tpu.memref_slice %arg18[%add3A_33, %dma_start3A_90] : memref<10000x128xf32, #tpu.memory_space<vmem_shared>> -> memref<80x128xf32, #tpu.memory_space<vmem_shared>>
      %dma_start3A_92 = arith.constant 0 : i32
      %dma_start3A_93 = tpu.memref_slice %arg18[%add3A_33, %dma_start3A_92] : memref<10000x128xf32, #tpu.memory_space<vmem_shared>> -> memref<80x128xf32, #tpu.memory_space<vmem_shared>>
      tpu.enqueue_dma source(%arg14 : memref<80x128xf32, #tpu.memory_space<vmem>>) target(%dma_start3A_93 : memref<80x128xf32, #tpu.memory_space<vmem_shared>>) target_semaphore(%run_scoped3A : memref<!tpu.dma_semaphore, #tpu.memory_space<semaphore_mem>>)
      %dma_wait3A_94 = arith.constant 0 : i32
      %dma_wait3A_95 = tpu.memref_slice %arg18[%add3A_33, %dma_wait3A_94] : memref<10000x128xf32, #tpu.memory_space<vmem_shared>> -> memref<80x128xf32, #tpu.memory_space<vmem_shared>>
      %dma_wait3A_96 = arith.constant 0 : i32
      %dma_wait3A_97 = tpu.memref_slice %arg18[%add3A_33, %dma_wait3A_96] : memref<10000x128xf32, #tpu.memory_space<vmem_shared>> -> memref<80x128xf32, #tpu.memory_space<vmem_shared>>
      tpu.wait_dma2 semaphore(%run_scoped3A : memref<!tpu.dma_semaphore, #tpu.memory_space<semaphore_mem>>) src(%arg14 : memref<80x128xf32, #tpu.memory_space<vmem>>) dst(%dma_wait3A_97 : memref<80x128xf32, #tpu.memory_space<vmem_shared>>)
      tpu.yield
    }) : () -> ()
    %mul3A_34 = arith.constant 624 : i32
    %mul3A_35 = arith.muli %arg1, %mul3A_34 : i32
    %add3A_36 = arith.constant 480 : i32
    %add3A_37 = arith.addi %mul3A_35, %add3A_36 : i32
    "tpu.region"() ({
      %run_scoped3A = tpu.sem_alloc : memref<!tpu.dma_semaphore, #tpu.memory_space<semaphore_mem>>
      %dma_start3A_90 = arith.constant 0 : i32
      %dma_start3A_91 = tpu.memref_slice %arg18[%add3A_37, %dma_start3A_90] : memref<10000x128xf32, #tpu.memory_space<vmem_shared>> -> memref<80x128xf32, #tpu.memory_space<vmem_shared>>
      %dma_start3A_92 = arith.constant 0 : i32
      %dma_start3A_93 = tpu.memref_slice %arg18[%add3A_37, %dma_start3A_92] : memref<10000x128xf32, #tpu.memory_space<vmem_shared>> -> memref<80x128xf32, #tpu.memory_space<vmem_shared>>
      tpu.enqueue_dma source(%arg14 : memref<80x128xf32, #tpu.memory_space<vmem>>) target(%dma_start3A_93 : memref<80x128xf32, #tpu.memory_space<vmem_shared>>) target_semaphore(%run_scoped3A : memref<!tpu.dma_semaphore, #tpu.memory_space<semaphore_mem>>)
      %dma_wait3A_94 = arith.constant 0 : i32
      %dma_wait3A_95 = tpu.memref_slice %arg18[%add3A_37, %dma_wait3A_94] : memref<10000x128xf32, #tpu.memory_space<vmem_shared>> -> memref<80x128xf32, #tpu.memory_space<vmem_shared>>
      %dma_wait3A_96 = arith.constant 0 : i32
      %dma_wait3A_97 = tpu.memref_slice %arg18[%add3A_37, %dma_wait3A_96] : memref<10000x128xf32, #tpu.memory_space<vmem_shared>> -> memref<80x128xf32, #tpu.memory_space<vmem_shared>>
      tpu.wait_dma2 semaphore(%run_scoped3A : memref<!tpu.dma_semaphore, #tpu.memory_space<semaphore_mem>>) src(%arg14 : memref<80x128xf32, #tpu.memory_space<vmem>>) dst(%dma_wait3A_97 : memref<80x128xf32, #tpu.memory_space<vmem_shared>>)
      tpu.yield
    }) : () -> ()
    %mul3A_38 = arith.constant 624 : i32
    %mul3A_39 = arith.muli %arg1, %mul3A_38 : i32
    %add3A_40 = arith.constant 560 : i32
    %add3A_41 = arith.addi %mul3A_39, %add3A_40 : i32
    "tpu.region"() ({
      %run_scoped3A = tpu.sem_alloc : memref<!tpu.dma_semaphore, #tpu.memory_space<semaphore_mem>>
      %dma_start3A_90 = arith.constant 0 : i32
      %dma_start3A_91 = arith.constant 0 : i32
      %dma_start3A_92 = tpu.memref_slice %arg14[%dma_start3A_90, %dma_start3A_91] : memref<80x128xf32, #tpu.memory_space<vmem>> -> memref<64x128xf32, #tpu.memory_space<vmem>>
      %dma_start3A_93 = arith.constant 0 : i32
      %dma_start3A_94 = tpu.memref_slice %arg18[%add3A_41, %dma_start3A_93] : memref<10000x128xf32, #tpu.memory_space<vmem_shared>> -> memref<64x128xf32, #tpu.memory_space<vmem_shared>>
      %dma_start3A_95 = arith.constant 0 : i32
      %dma_start3A_96 = tpu.memref_slice %arg18[%add3A_41, %dma_start3A_95] : memref<10000x128xf32, #tpu.memory_space<vmem_shared>> -> memref<64x128xf32, #tpu.memory_space<vmem_shared>>
      %dma_start3A_97 = arith.constant 0 : i32
      %dma_start3A_98 = arith.constant 0 : i32
      %dma_start3A_99 = tpu.memref_slice %arg14[%dma_start3A_97, %dma_start3A_98] : memref<80x128xf32, #tpu.memory_space<vmem>> -> memref<64x128xf32, #tpu.memory_space<vmem>>
      tpu.enqueue_dma source(%dma_start3A_99 : memref<64x128xf32, #tpu.memory_space<vmem>>) target(%dma_start3A_96 : memref<64x128xf32, #tpu.memory_space<vmem_shared>>) target_semaphore(%run_scoped3A : memref<!tpu.dma_semaphore, #tpu.memory_space<semaphore_mem>>)
      %dma_wait3A_100 = arith.constant 0 : i32
      %dma_wait3A_101 = arith.constant 0 : i32
      %dma_wait3A_102 = tpu.memref_slice %arg14[%dma_wait3A_100, %dma_wait3A_101] : memref<80x128xf32, #tpu.memory_space<vmem>> -> memref<64x128xf32, #tpu.memory_space<vmem>>
      %dma_wait3A_103 = arith.constant 0 : i32
      %dma_wait3A_104 = tpu.memref_slice %arg18[%add3A_41, %dma_wait3A_103] : memref<10000x128xf32, #tpu.memory_space<vmem_shared>> -> memref<64x128xf32, #tpu.memory_space<vmem_shared>>
      %dma_wait3A_105 = arith.constant 0 : i32
      %dma_wait3A_106 = tpu.memref_slice %arg18[%add3A_41, %dma_wait3A_105] : memref<10000x128xf32, #tpu.memory_space<vmem_shared>> -> memref<64x128xf32, #tpu.memory_space<vmem_shared>>
      %dma_wait3A_107 = arith.constant 0 : i32
      %dma_wait3A_108 = arith.constant 0 : i32
      %dma_wait3A_109 = tpu.memref_slice %arg14[%dma_wait3A_107, %dma_wait3A_108] : memref<80x128xf32, #tpu.memory_space<vmem>> -> memref<64x128xf32, #tpu.memory_space<vmem>>
      tpu.wait_dma2 semaphore(%run_scoped3A : memref<!tpu.dma_semaphore, #tpu.memory_space<semaphore_mem>>) src(%dma_wait3A_109 : memref<64x128xf32, #tpu.memory_space<vmem>>) dst(%dma_wait3A_106 : memref<64x128xf32, #tpu.memory_space<vmem_shared>>)
      tpu.yield
    }) : () -> ()
    %eq3A = arith.constant 15 : i32
    %eq3A_42 = arith.cmpi eq, %arg1, %eq3A : i32
    %convert_element_type3A = arith.extui %eq3A_42 : i1 to i32
    %cond3A = arith.constant 0 : i32
    %cond3A_43 = arith.cmpi ne, %convert_element_type3A, %cond3A : i32
    scf.if %cond3A_43 {
      "tpu.region"() ({
        %run_scoped3A = tpu.sem_alloc : memref<!tpu.dma_semaphore, #tpu.memory_space<semaphore_mem>>
        %dma_start3A_90 = arith.constant 0 : i32
        %dma_start3A_91 = arith.constant 0 : i32
        %dma_start3A_92 = tpu.memref_slice %arg14[%dma_start3A_90, %dma_start3A_91] : memref<80x128xf32, #tpu.memory_space<vmem>> -> memref<16x128xf32, #tpu.memory_space<vmem>>
        %dma_start3A_93 = arith.constant 9984 : i32
        %dma_start3A_94 = arith.constant 0 : i32
        %dma_start3A_95 = tpu.memref_slice %arg18[%dma_start3A_93, %dma_start3A_94] : memref<10000x128xf32, #tpu.memory_space<vmem_shared>> -> memref<16x128xf32, #tpu.memory_space<vmem_shared>>
        %dma_start3A_96 = arith.constant 9984 : i32
        %dma_start3A_97 = arith.constant 0 : i32
        %dma_start3A_98 = tpu.memref_slice %arg18[%dma_start3A_96, %dma_start3A_97] : memref<10000x128xf32, #tpu.memory_space<vmem_shared>> -> memref<16x128xf32, #tpu.memory_space<vmem_shared>>
        %dma_start3A_99 = arith.constant 0 : i32
        %dma_start3A_100 = arith.constant 0 : i32
        %dma_start3A_101 = tpu.memref_slice %arg14[%dma_start3A_99, %dma_start3A_100] : memref<80x128xf32, #tpu.memory_space<vmem>> -> memref<16x128xf32, #tpu.memory_space<vmem>>
        tpu.enqueue_dma source(%dma_start3A_101 : memref<16x128xf32, #tpu.memory_space<vmem>>) target(%dma_start3A_98 : memref<16x128xf32, #tpu.memory_space<vmem_shared>>) target_semaphore(%run_scoped3A : memref<!tpu.dma_semaphore, #tpu.memory_space<semaphore_mem>>)
        %dma_wait3A_102 = arith.constant 0 : i32
        %dma_wait3A_103 = arith.constant 0 : i32
        %dma_wait3A_104 = tpu.memref_slice %arg14[%dma_wait3A_102, %dma_wait3A_103] : memref<80x128xf32, #tpu.memory_space<vmem>> -> memref<16x128xf32, #tpu.memory_space<vmem>>
        %dma_wait3A_105 = arith.constant 9984 : i32
        %dma_wait3A_106 = arith.constant 0 : i32
        %dma_wait3A_107 = tpu.memref_slice %arg18[%dma_wait3A_105, %dma_wait3A_106] : memref<10000x128xf32, #tpu.memory_space<vmem_shared>> -> memref<16x128xf32, #tpu.memory_space<vmem_shared>>
        %dma_wait3A_108 = arith.constant 9984 : i32
        %dma_wait3A_109 = arith.constant 0 : i32
        %dma_wait3A_110 = tpu.memref_slice %arg18[%dma_wait3A_108, %dma_wait3A_109] : memref<10000x128xf32, #tpu.memory_space<vmem_shared>> -> memref<16x128xf32, #tpu.memory_space<vmem_shared>>
        %dma_wait3A_111 = arith.constant 0 : i32
        %dma_wait3A_112 = arith.constant 0 : i32
        %dma_wait3A_113 = tpu.memref_slice %arg14[%dma_wait3A_111, %dma_wait3A_112] : memref<80x128xf32, #tpu.memory_space<vmem>> -> memref<16x128xf32, #tpu.memory_space<vmem>>
        tpu.wait_dma2 semaphore(%run_scoped3A : memref<!tpu.dma_semaphore, #tpu.memory_space<semaphore_mem>>) src(%dma_wait3A_113 : memref<16x128xf32, #tpu.memory_space<vmem>>) dst(%dma_wait3A_110 : memref<16x128xf32, #tpu.memory_space<vmem_shared>>)
        tpu.yield
      }) : () -> ()
    } else {
    }
    %barrier3A = arith.constant 0 : index
    tpu.barrier barrier_id(%barrier3A)
    %add3A_44 = arith.constant 0 : i32
    %add3A_45 = arith.addi %mul3A_2, %add3A_44 : i32
    "tpu.region"() ({
      %run_scoped3A = tpu.sem_alloc : memref<!tpu.dma_semaphore, #tpu.memory_space<semaphore_mem>>
      %dma_start3A_90 = tpu.memref_slice %arg3[%add3A_45] : memref<320000xi32, #tpu.memory_space<hbm>> -> memref<80xi32, #tpu.memory_space<hbm>>
      %dma_start3A_91 = tpu.memref_slice %arg3[%add3A_45] : memref<320000xi32, #tpu.memory_space<hbm>> -> memref<80xi32, #tpu.memory_space<hbm>>
      tpu.enqueue_dma source(%dma_start3A_91 : memref<80xi32, #tpu.memory_space<hbm>>) target(%arg6 : memref<80xi32, #tpu.memory_space<vmem>>) target_semaphore(%run_scoped3A : memref<!tpu.dma_semaphore, #tpu.memory_space<semaphore_mem>>)
      %dma_wait3A_92 = tpu.memref_slice %arg3[%add3A_45] : memref<320000xi32, #tpu.memory_space<hbm>> -> memref<80xi32, #tpu.memory_space<hbm>>
      %dma_wait3A_93 = tpu.memref_slice %arg3[%add3A_45] : memref<320000xi32, #tpu.memory_space<hbm>> -> memref<80xi32, #tpu.memory_space<hbm>>
      tpu.wait_dma2 semaphore(%run_scoped3A : memref<!tpu.dma_semaphore, #tpu.memory_space<semaphore_mem>>) src(%dma_wait3A_93 : memref<80xi32, #tpu.memory_space<hbm>>) dst(%arg6 : memref<80xi32, #tpu.memory_space<vmem>>)
      tpu.yield
    }) : () -> ()
    %add3A_46 = arith.constant 0 : i32
    %add3A_47 = arith.addi %mul3A_2, %add3A_46 : i32
    "tpu.region"() ({
      %run_scoped3A = tpu.sem_alloc : memref<!tpu.dma_semaphore, #tpu.memory_space<semaphore_mem>>
      %dma_start3A_90 = tpu.memref_slice %arg4[%add3A_47] : memref<320000xi32, #tpu.memory_space<hbm>> -> memref<80xi32, #tpu.memory_space<hbm>>
      %dma_start3A_91 = tpu.memref_slice %arg4[%add3A_47] : memref<320000xi32, #tpu.memory_space<hbm>> -> memref<80xi32, #tpu.memory_space<hbm>>
      tpu.enqueue_dma source(%dma_start3A_91 : memref<80xi32, #tpu.memory_space<hbm>>) target(%arg10 : memref<80xi32, #tpu.memory_space<vmem>>) target_semaphore(%run_scoped3A : memref<!tpu.dma_semaphore, #tpu.memory_space<semaphore_mem>>)
      %dma_wait3A_92 = tpu.memref_slice %arg4[%add3A_47] : memref<320000xi32, #tpu.memory_space<hbm>> -> memref<80xi32, #tpu.memory_space<hbm>>
      %dma_wait3A_93 = tpu.memref_slice %arg4[%add3A_47] : memref<320000xi32, #tpu.memory_space<hbm>> -> memref<80xi32, #tpu.memory_space<hbm>>
      tpu.wait_dma2 semaphore(%run_scoped3A : memref<!tpu.dma_semaphore, #tpu.memory_space<semaphore_mem>>) src(%dma_wait3A_93 : memref<80xi32, #tpu.memory_space<hbm>>) dst(%arg10 : memref<80xi32, #tpu.memory_space<vmem>>)
      tpu.yield
    }) : () -> ()
    %dma_start3A = arith.constant 0 : i32
    %dma_start3A_48 = arith.constant 0 : i32
    %dma_start3A_49 = tpu.memref_slice %arg2[%dma_start3A, %dma_start3A_48] : memref<10000x128xf32, #tpu.memory_space<hbm>> -> memref<10000x128xf32, #tpu.memory_space<hbm>>
    tpu.enqueue_indirect_dma source(%dma_start3A_49 : memref<10000x128xf32, #tpu.memory_space<hbm>>) target(%arg14 : memref<80x128xf32, #tpu.memory_space<vmem>>) offsets(%arg6 : memref<80xi32, #tpu.memory_space<vmem>>) semaphore(%arg19 : memref<!tpu.dma_semaphore, #tpu.memory_space<semaphore_mem>>)
    %add3A_50 = arith.constant 80 : i32
    %add3A_51 = arith.addi %mul3A_2, %add3A_50 : i32
    "tpu.region"() ({
      %run_scoped3A = tpu.sem_alloc : memref<!tpu.dma_semaphore, #tpu.memory_space<semaphore_mem>>
      %dma_start3A_90 = tpu.memref_slice %arg3[%add3A_51] : memref<320000xi32, #tpu.memory_space<hbm>> -> memref<80xi32, #tpu.memory_space<hbm>>
      %dma_start3A_91 = tpu.memref_slice %arg3[%add3A_51] : memref<320000xi32, #tpu.memory_space<hbm>> -> memref<80xi32, #tpu.memory_space<hbm>>
      tpu.enqueue_dma source(%dma_start3A_91 : memref<80xi32, #tpu.memory_space<hbm>>) target(%arg7 : memref<80xi32, #tpu.memory_space<vmem>>) target_semaphore(%run_scoped3A : memref<!tpu.dma_semaphore, #tpu.memory_space<semaphore_mem>>)
      %dma_wait3A_92 = tpu.memref_slice %arg3[%add3A_51] : memref<320000xi32, #tpu.memory_space<hbm>> -> memref<80xi32, #tpu.memory_space<hbm>>
      %dma_wait3A_93 = tpu.memref_slice %arg3[%add3A_51] : memref<320000xi32, #tpu.memory_space<hbm>> -> memref<80xi32, #tpu.memory_space<hbm>>
      tpu.wait_dma2 semaphore(%run_scoped3A : memref<!tpu.dma_semaphore, #tpu.memory_space<semaphore_mem>>) src(%dma_wait3A_93 : memref<80xi32, #tpu.memory_space<hbm>>) dst(%arg7 : memref<80xi32, #tpu.memory_space<vmem>>)
      tpu.yield
    }) : () -> ()
    %add3A_52 = arith.constant 80 : i32
    %add3A_53 = arith.addi %mul3A_2, %add3A_52 : i32
    "tpu.region"() ({
      %run_scoped3A = tpu.sem_alloc : memref<!tpu.dma_semaphore, #tpu.memory_space<semaphore_mem>>
      %dma_start3A_90 = tpu.memref_slice %arg4[%add3A_53] : memref<320000xi32, #tpu.memory_space<hbm>> -> memref<80xi32, #tpu.memory_space<hbm>>
      %dma_start3A_91 = tpu.memref_slice %arg4[%add3A_53] : memref<320000xi32, #tpu.memory_space<hbm>> -> memref<80xi32, #tpu.memory_space<hbm>>
      tpu.enqueue_dma source(%dma_start3A_91 : memref<80xi32, #tpu.memory_space<hbm>>) target(%arg11 : memref<80xi32, #tpu.memory_space<vmem>>) target_semaphore(%run_scoped3A : memref<!tpu.dma_semaphore, #tpu.memory_space<semaphore_mem>>)
      %dma_wait3A_92 = tpu.memref_slice %arg4[%add3A_53] : memref<320000xi32, #tpu.memory_space<hbm>> -> memref<80xi32, #tpu.memory_space<hbm>>
      %dma_wait3A_93 = tpu.memref_slice %arg4[%add3A_53] : memref<320000xi32, #tpu.memory_space<hbm>> -> memref<80xi32, #tpu.memory_space<hbm>>
      tpu.wait_dma2 semaphore(%run_scoped3A : memref<!tpu.dma_semaphore, #tpu.memory_space<semaphore_mem>>) src(%dma_wait3A_93 : memref<80xi32, #tpu.memory_space<hbm>>) dst(%arg11 : memref<80xi32, #tpu.memory_space<vmem>>)
      tpu.yield
    }) : () -> ()
    %dma_start3A_54 = arith.constant 0 : i32
    %dma_start3A_55 = arith.constant 0 : i32
    %dma_start3A_56 = tpu.memref_slice %arg2[%dma_start3A_54, %dma_start3A_55] : memref<10000x128xf32, #tpu.memory_space<hbm>> -> memref<10000x128xf32, #tpu.memory_space<hbm>>
    tpu.enqueue_indirect_dma source(%dma_start3A_56 : memref<10000x128xf32, #tpu.memory_space<hbm>>) target(%arg15 : memref<80x128xf32, #tpu.memory_space<vmem>>) offsets(%arg7 : memref<80xi32, #tpu.memory_space<vmem>>) semaphore(%arg20 : memref<!tpu.dma_semaphore, #tpu.memory_space<semaphore_mem>>)
    %add3A_57 = arith.constant 160 : i32
    %add3A_58 = arith.addi %mul3A_2, %add3A_57 : i32
    "tpu.region"() ({
      %run_scoped3A = tpu.sem_alloc : memref<!tpu.dma_semaphore, #tpu.memory_space<semaphore_mem>>
      %dma_start3A_90 = tpu.memref_slice %arg3[%add3A_58] : memref<320000xi32, #tpu.memory_space<hbm>> -> memref<80xi32, #tpu.memory_space<hbm>>
      %dma_start3A_91 = tpu.memref_slice %arg3[%add3A_58] : memref<320000xi32, #tpu.memory_space<hbm>> -> memref<80xi32, #tpu.memory_space<hbm>>
      tpu.enqueue_dma source(%dma_start3A_91 : memref<80xi32, #tpu.memory_space<hbm>>) target(%arg8 : memref<80xi32, #tpu.memory_space<vmem>>) target_semaphore(%run_scoped3A : memref<!tpu.dma_semaphore, #tpu.memory_space<semaphore_mem>>)
      %dma_wait3A_92 = tpu.memref_slice %arg3[%add3A_58] : memref<320000xi32, #tpu.memory_space<hbm>> -> memref<80xi32, #tpu.memory_space<hbm>>
      %dma_wait3A_93 = tpu.memref_slice %arg3[%add3A_58] : memref<320000xi32, #tpu.memory_space<hbm>> -> memref<80xi32, #tpu.memory_space<hbm>>
      tpu.wait_dma2 semaphore(%run_scoped3A : memref<!tpu.dma_semaphore, #tpu.memory_space<semaphore_mem>>) src(%dma_wait3A_93 : memref<80xi32, #tpu.memory_space<hbm>>) dst(%arg8 : memref<80xi32, #tpu.memory_space<vmem>>)
      tpu.yield
    }) : () -> ()
    %add3A_59 = arith.constant 160 : i32
    %add3A_60 = arith.addi %mul3A_2, %add3A_59 : i32
    "tpu.region"() ({
      %run_scoped3A = tpu.sem_alloc : memref<!tpu.dma_semaphore, #tpu.memory_space<semaphore_mem>>
      %dma_start3A_90 = tpu.memref_slice %arg4[%add3A_60] : memref<320000xi32, #tpu.memory_space<hbm>> -> memref<80xi32, #tpu.memory_space<hbm>>
      %dma_start3A_91 = tpu.memref_slice %arg4[%add3A_60] : memref<320000xi32, #tpu.memory_space<hbm>> -> memref<80xi32, #tpu.memory_space<hbm>>
      tpu.enqueue_dma source(%dma_start3A_91 : memref<80xi32, #tpu.memory_space<hbm>>) target(%arg12 : memref<80xi32, #tpu.memory_space<vmem>>) target_semaphore(%run_scoped3A : memref<!tpu.dma_semaphore, #tpu.memory_space<semaphore_mem>>)
      %dma_wait3A_92 = tpu.memref_slice %arg4[%add3A_60] : memref<320000xi32, #tpu.memory_space<hbm>> -> memref<80xi32, #tpu.memory_space<hbm>>
      %dma_wait3A_93 = tpu.memref_slice %arg4[%add3A_60] : memref<320000xi32, #tpu.memory_space<hbm>> -> memref<80xi32, #tpu.memory_space<hbm>>
      tpu.wait_dma2 semaphore(%run_scoped3A : memref<!tpu.dma_semaphore, #tpu.memory_space<semaphore_mem>>) src(%dma_wait3A_93 : memref<80xi32, #tpu.memory_space<hbm>>) dst(%arg12 : memref<80xi32, #tpu.memory_space<vmem>>)
      tpu.yield
    }) : () -> ()
    %dma_start3A_61 = arith.constant 0 : i32
    %dma_start3A_62 = arith.constant 0 : i32
    %dma_start3A_63 = tpu.memref_slice %arg2[%dma_start3A_61, %dma_start3A_62] : memref<10000x128xf32, #tpu.memory_space<hbm>> -> memref<10000x128xf32, #tpu.memory_space<hbm>>
    tpu.enqueue_indirect_dma source(%dma_start3A_63 : memref<10000x128xf32, #tpu.memory_space<hbm>>) target(%arg16 : memref<80x128xf32, #tpu.memory_space<vmem>>) offsets(%arg8 : memref<80xi32, #tpu.memory_space<vmem>>) semaphore(%arg21 : memref<!tpu.dma_semaphore, #tpu.memory_space<semaphore_mem>>)
    %add3A_64 = arith.constant 240 : i32
    %add3A_65 = arith.addi %mul3A_2, %add3A_64 : i32
    "tpu.region"() ({
      %run_scoped3A = tpu.sem_alloc : memref<!tpu.dma_semaphore, #tpu.memory_space<semaphore_mem>>
      %dma_start3A_90 = tpu.memref_slice %arg3[%add3A_65] : memref<320000xi32, #tpu.memory_space<hbm>> -> memref<80xi32, #tpu.memory_space<hbm>>
      %dma_start3A_91 = tpu.memref_slice %arg3[%add3A_65] : memref<320000xi32, #tpu.memory_space<hbm>> -> memref<80xi32, #tpu.memory_space<hbm>>
      tpu.enqueue_dma source(%dma_start3A_91 : memref<80xi32, #tpu.memory_space<hbm>>) target(%arg9 : memref<80xi32, #tpu.memory_space<vmem>>) target_semaphore(%run_scoped3A : memref<!tpu.dma_semaphore, #tpu.memory_space<semaphore_mem>>)
      %dma_wait3A_92 = tpu.memref_slice %arg3[%add3A_65] : memref<320000xi32, #tpu.memory_space<hbm>> -> memref<80xi32, #tpu.memory_space<hbm>>
      %dma_wait3A_93 = tpu.memref_slice %arg3[%add3A_65] : memref<320000xi32, #tpu.memory_space<hbm>> -> memref<80xi32, #tpu.memory_space<hbm>>
      tpu.wait_dma2 semaphore(%run_scoped3A : memref<!tpu.dma_semaphore, #tpu.memory_space<semaphore_mem>>) src(%dma_wait3A_93 : memref<80xi32, #tpu.memory_space<hbm>>) dst(%arg9 : memref<80xi32, #tpu.memory_space<vmem>>)
      tpu.yield
    }) : () -> ()
    %add3A_66 = arith.constant 240 : i32
    %add3A_67 = arith.addi %mul3A_2, %add3A_66 : i32
    "tpu.region"() ({
      %run_scoped3A = tpu.sem_alloc : memref<!tpu.dma_semaphore, #tpu.memory_space<semaphore_mem>>
      %dma_start3A_90 = tpu.memref_slice %arg4[%add3A_67] : memref<320000xi32, #tpu.memory_space<hbm>> -> memref<80xi32, #tpu.memory_space<hbm>>
      %dma_start3A_91 = tpu.memref_slice %arg4[%add3A_67] : memref<320000xi32, #tpu.memory_space<hbm>> -> memref<80xi32, #tpu.memory_space<hbm>>
      tpu.enqueue_dma source(%dma_start3A_91 : memref<80xi32, #tpu.memory_space<hbm>>) target(%arg13 : memref<80xi32, #tpu.memory_space<vmem>>) target_semaphore(%run_scoped3A : memref<!tpu.dma_semaphore, #tpu.memory_space<semaphore_mem>>)
      %dma_wait3A_92 = tpu.memref_slice %arg4[%add3A_67] : memref<320000xi32, #tpu.memory_space<hbm>> -> memref<80xi32, #tpu.memory_space<hbm>>
      %dma_wait3A_93 = tpu.memref_slice %arg4[%add3A_67] : memref<320000xi32, #tpu.memory_space<hbm>> -> memref<80xi32, #tpu.memory_space<hbm>>
      tpu.wait_dma2 semaphore(%run_scoped3A : memref<!tpu.dma_semaphore, #tpu.memory_space<semaphore_mem>>) src(%dma_wait3A_93 : memref<80xi32, #tpu.memory_space<hbm>>) dst(%arg13 : memref<80xi32, #tpu.memory_space<vmem>>)
      tpu.yield
    }) : () -> ()
    %dma_start3A_68 = arith.constant 0 : i32
    %dma_start3A_69 = arith.constant 0 : i32
    %dma_start3A_70 = tpu.memref_slice %arg2[%dma_start3A_68, %dma_start3A_69] : memref<10000x128xf32, #tpu.memory_space<hbm>> -> memref<10000x128xf32, #tpu.memory_space<hbm>>
    tpu.enqueue_indirect_dma source(%dma_start3A_70 : memref<10000x128xf32, #tpu.memory_space<hbm>>) target(%arg17 : memref<80x128xf32, #tpu.memory_space<vmem>>) offsets(%arg9 : memref<80xi32, #tpu.memory_space<vmem>>) semaphore(%arg22 : memref<!tpu.dma_semaphore, #tpu.memory_space<semaphore_mem>>)
    %scan3A_71 = arith.constant 0 : i32
    %scan3A_72 = arith.constant 0 : i32
    %scan3A_73 = arith.constant 31 : i32
    %scan3A_74 = arith.addi %scan3A_72, %scan3A_73 : i32
    %scan3A_75 = arith.constant 1 : i32
    %scan3A_76 = scf.for %scan3A_90 = %scan3A_72 to %scan3A_74 step %scan3A_75 iter_args(%scan3A_91 = %scan3A_71) -> (i32)  : i32 {
      %dma_wait3A_92 = arith.constant 0 : i32
      %dma_wait3A_93 = arith.constant 0 : i32
      %dma_wait3A_94 = tpu.memref_slice %arg2[%dma_wait3A_92, %dma_wait3A_93] : memref<10000x128xf32, #tpu.memory_space<hbm>> -> memref<10000x128xf32, #tpu.memory_space<hbm>>
      tpu.wait_indirect_dma semaphore(%arg19 : memref<!tpu.dma_semaphore, #tpu.memory_space<semaphore_mem>>) src(%dma_wait3A_94 : memref<10000x128xf32, #tpu.memory_space<hbm>>) dst(%arg14 : memref<80x128xf32, #tpu.memory_space<vmem>>)
      %dma_start3A_95 = arith.constant 0 : i32
      %dma_start3A_96 = arith.constant 0 : i32
      %dma_start3A_97 = tpu.memref_slice %arg18[%dma_start3A_95, %dma_start3A_96] : memref<10000x128xf32, #tpu.memory_space<vmem_shared>> -> memref<10000x128xf32, #tpu.memory_space<vmem_shared>>
      tpu.enqueue_indirect_dma source(%arg14 : memref<80x128xf32, #tpu.memory_space<vmem>>) target(%dma_start3A_97 : memref<10000x128xf32, #tpu.memory_space<vmem_shared>>) offsets(%arg10 : memref<80xi32, #tpu.memory_space<vmem>>) semaphore(%arg23 : memref<!tpu.dma_semaphore, #tpu.memory_space<semaphore_mem>>) {add = true}
      %dma_wait3A_98 = arith.constant 0 : i32
      %dma_wait3A_99 = arith.constant 0 : i32
      %dma_wait3A_100 = tpu.memref_slice %arg2[%dma_wait3A_98, %dma_wait3A_99] : memref<10000x128xf32, #tpu.memory_space<hbm>> -> memref<10000x128xf32, #tpu.memory_space<hbm>>
      tpu.wait_indirect_dma semaphore(%arg20 : memref<!tpu.dma_semaphore, #tpu.memory_space<semaphore_mem>>) src(%dma_wait3A_100 : memref<10000x128xf32, #tpu.memory_space<hbm>>) dst(%arg15 : memref<80x128xf32, #tpu.memory_space<vmem>>)
      %dma_start3A_101 = arith.constant 0 : i32
      %dma_start3A_102 = arith.constant 0 : i32
      %dma_start3A_103 = tpu.memref_slice %arg18[%dma_start3A_101, %dma_start3A_102] : memref<10000x128xf32, #tpu.memory_space<vmem_shared>> -> memref<10000x128xf32, #tpu.memory_space<vmem_shared>>
      tpu.enqueue_indirect_dma source(%arg15 : memref<80x128xf32, #tpu.memory_space<vmem>>) target(%dma_start3A_103 : memref<10000x128xf32, #tpu.memory_space<vmem_shared>>) offsets(%arg11 : memref<80xi32, #tpu.memory_space<vmem>>) semaphore(%arg24 : memref<!tpu.dma_semaphore, #tpu.memory_space<semaphore_mem>>) {add = true}
      %dma_wait3A_104 = arith.constant 0 : i32
      %dma_wait3A_105 = arith.constant 0 : i32
      %dma_wait3A_106 = tpu.memref_slice %arg2[%dma_wait3A_104, %dma_wait3A_105] : memref<10000x128xf32, #tpu.memory_space<hbm>> -> memref<10000x128xf32, #tpu.memory_space<hbm>>
      tpu.wait_indirect_dma semaphore(%arg21 : memref<!tpu.dma_semaphore, #tpu.memory_space<semaphore_mem>>) src(%dma_wait3A_106 : memref<10000x128xf32, #tpu.memory_space<hbm>>) dst(%arg16 : memref<80x128xf32, #tpu.memory_space<vmem>>)
      %dma_start3A_107 = arith.constant 0 : i32
      %dma_start3A_108 = arith.constant 0 : i32
      %dma_start3A_109 = tpu.memref_slice %arg18[%dma_start3A_107, %dma_start3A_108] : memref<10000x128xf32, #tpu.memory_space<vmem_shared>> -> memref<10000x128xf32, #tpu.memory_space<vmem_shared>>
      tpu.enqueue_indirect_dma source(%arg16 : memref<80x128xf32, #tpu.memory_space<vmem>>) target(%dma_start3A_109 : memref<10000x128xf32, #tpu.memory_space<vmem_shared>>) offsets(%arg12 : memref<80xi32, #tpu.memory_space<vmem>>) semaphore(%arg25 : memref<!tpu.dma_semaphore, #tpu.memory_space<semaphore_mem>>) {add = true}
      %dma_wait3A_110 = arith.constant 0 : i32
      %dma_wait3A_111 = arith.constant 0 : i32
      %dma_wait3A_112 = tpu.memref_slice %arg2[%dma_wait3A_110, %dma_wait3A_111] : memref<10000x128xf32, #tpu.memory_space<hbm>> -> memref<10000x128xf32, #tpu.memory_space<hbm>>
      tpu.wait_indirect_dma semaphore(%arg22 : memref<!tpu.dma_semaphore, #tpu.memory_space<semaphore_mem>>) src(%dma_wait3A_112 : memref<10000x128xf32, #tpu.memory_space<hbm>>) dst(%arg17 : memref<80x128xf32, #tpu.memory_space<vmem>>)
      %dma_start3A_113 = arith.constant 0 : i32
      %dma_start3A_114 = arith.constant 0 : i32
      %dma_start3A_115 = tpu.memref_slice %arg18[%dma_start3A_113, %dma_start3A_114] : memref<10000x128xf32, #tpu.memory_space<vmem_shared>> -> memref<10000x128xf32, #tpu.memory_space<vmem_shared>>
      tpu.enqueue_indirect_dma source(%arg17 : memref<80x128xf32, #tpu.memory_space<vmem>>) target(%dma_start3A_115 : memref<10000x128xf32, #tpu.memory_space<vmem_shared>>) offsets(%arg13 : memref<80xi32, #tpu.memory_space<vmem>>) semaphore(%arg26 : memref<!tpu.dma_semaphore, #tpu.memory_space<semaphore_mem>>) {add = true}
      %dma_wait3A_116 = arith.constant 0 : i32
      %dma_wait3A_117 = arith.constant 0 : i32
      %dma_wait3A_118 = tpu.memref_slice %arg18[%dma_wait3A_116, %dma_wait3A_117] : memref<10000x128xf32, #tpu.memory_space<vmem_shared>> -> memref<10000x128xf32, #tpu.memory_space<vmem_shared>>
      tpu.wait_indirect_dma semaphore(%arg23 : memref<!tpu.dma_semaphore, #tpu.memory_space<semaphore_mem>>) src(%arg14 : memref<80x128xf32, #tpu.memory_space<vmem>>) dst(%dma_wait3A_118 : memref<10000x128xf32, #tpu.memory_space<vmem_shared>>)
      %mul3A_119 = arith.constant 4 : i32
      %mul3A_120 = arith.muli %mul3A_119, %scan3A_90 : i32
      %add3A_121 = arith.constant 4 : i32
      %add3A_122 = arith.addi %mul3A_120, %add3A_121 : i32
      %add3A_123 = arith.constant 0 : i32
      %add3A_124 = arith.addi %add3A_122, %add3A_123 : i32
      %mul3A_125 = arith.constant 80 : i32
      %mul3A_126 = arith.muli %add3A_124, %mul3A_125 : i32
      %add3A_127 = arith.addi %mul3A_2, %mul3A_126 : i32
      "tpu.region"() ({
        %run_scoped3A = tpu.sem_alloc : memref<!tpu.dma_semaphore, #tpu.memory_space<semaphore_mem>>
        %dma_start3A_182 = tpu.memref_slice %arg3[%add3A_127] : memref<320000xi32, #tpu.memory_space<hbm>> -> memref<80xi32, #tpu.memory_space<hbm>>
        %dma_start3A_183 = tpu.memref_slice %arg3[%add3A_127] : memref<320000xi32, #tpu.memory_space<hbm>> -> memref<80xi32, #tpu.memory_space<hbm>>
        tpu.enqueue_dma source(%dma_start3A_183 : memref<80xi32, #tpu.memory_space<hbm>>) target(%arg6 : memref<80xi32, #tpu.memory_space<vmem>>) target_semaphore(%run_scoped3A : memref<!tpu.dma_semaphore, #tpu.memory_space<semaphore_mem>>)
        %dma_wait3A_184 = tpu.memref_slice %arg3[%add3A_127] : memref<320000xi32, #tpu.memory_space<hbm>> -> memref<80xi32, #tpu.memory_space<hbm>>
        %dma_wait3A_185 = tpu.memref_slice %arg3[%add3A_127] : memref<320000xi32, #tpu.memory_space<hbm>> -> memref<80xi32, #tpu.memory_space<hbm>>
        tpu.wait_dma2 semaphore(%run_scoped3A : memref<!tpu.dma_semaphore, #tpu.memory_space<semaphore_mem>>) src(%dma_wait3A_185 : memref<80xi32, #tpu.memory_space<hbm>>) dst(%arg6 : memref<80xi32, #tpu.memory_space<vmem>>)
        tpu.yield
      }) : () -> ()
      "tpu.region"() ({
        %run_scoped3A = tpu.sem_alloc : memref<!tpu.dma_semaphore, #tpu.memory_space<semaphore_mem>>
        %dma_start3A_182 = tpu.memref_slice %arg4[%add3A_127] : memref<320000xi32, #tpu.memory_space<hbm>> -> memref<80xi32, #tpu.memory_space<hbm>>
        %dma_start3A_183 = tpu.memref_slice %arg4[%add3A_127] : memref<320000xi32, #tpu.memory_space<hbm>> -> memref<80xi32, #tpu.memory_space<hbm>>
        tpu.enqueue_dma source(%dma_start3A_183 : memref<80xi32, #tpu.memory_space<hbm>>) target(%arg10 : memref<80xi32, #tpu.memory_space<vmem>>) target_semaphore(%run_scoped3A : memref<!tpu.dma_semaphore, #tpu.memory_space<semaphore_mem>>)
        %dma_wait3A_184 = tpu.memref_slice %arg4[%add3A_127] : memref<320000xi32, #tpu.memory_space<hbm>> -> memref<80xi32, #tpu.memory_space<hbm>>
        %dma_wait3A_185 = tpu.memref_slice %arg4[%add3A_127] : memref<320000xi32, #tpu.memory_space<hbm>> -> memref<80xi32, #tpu.memory_space<hbm>>
        tpu.wait_dma2 semaphore(%run_scoped3A : memref<!tpu.dma_semaphore, #tpu.memory_space<semaphore_mem>>) src(%dma_wait3A_185 : memref<80xi32, #tpu.memory_space<hbm>>) dst(%arg10 : memref<80xi32, #tpu.memory_space<vmem>>)
        tpu.yield
      }) : () -> ()
      %dma_start3A_128 = arith.constant 0 : i32
      %dma_start3A_129 = arith.constant 0 : i32
      %dma_start3A_130 = tpu.memref_slice %arg2[%dma_start3A_128, %dma_start3A_129] : memref<10000x128xf32, #tpu.memory_space<hbm>> -> memref<10000x128xf32, #tpu.memory_space<hbm>>
      tpu.enqueue_indirect_dma source(%dma_start3A_130 : memref<10000x128xf32, #tpu.memory_space<hbm>>) target(%arg14 : memref<80x128xf32, #tpu.memory_space<vmem>>) offsets(%arg6 : memref<80xi32, #tpu.memory_space<vmem>>) semaphore(%arg19 : memref<!tpu.dma_semaphore, #tpu.memory_space<semaphore_mem>>)
      %dma_wait3A_131 = arith.constant 0 : i32
      %dma_wait3A_132 = arith.constant 0 : i32
      %dma_wait3A_133 = tpu.memref_slice %arg18[%dma_wait3A_131, %dma_wait3A_132] : memref<10000x128xf32, #tpu.memory_space<vmem_shared>> -> memref<10000x128xf32, #tpu.memory_space<vmem_shared>>
      tpu.wait_indirect_dma semaphore(%arg24 : memref<!tpu.dma_semaphore, #tpu.memory_space<semaphore_mem>>) src(%arg15 : memref<80x128xf32, #tpu.memory_space<vmem>>) dst(%dma_wait3A_133 : memref<10000x128xf32, #tpu.memory_space<vmem_shared>>)
      %mul3A_134 = arith.constant 4 : i32
      %mul3A_135 = arith.muli %mul3A_134, %scan3A_90 : i32
      %add3A_136 = arith.constant 4 : i32
      %add3A_137 = arith.addi %mul3A_135, %add3A_136 : i32
      %add3A_138 = arith.constant 1 : i32
      %add3A_139 = arith.addi %add3A_137, %add3A_138 : i32
      %mul3A_140 = arith.constant 80 : i32
      %mul3A_141 = arith.muli %add3A_139, %mul3A_140 : i32
      %add3A_142 = arith.addi %mul3A_2, %mul3A_141 : i32
      %lt3A = arith.constant 30 : i32
      %lt3A_143 = arith.cmpi slt, %scan3A_90, %lt3A : i32
      %convert_element_type3A_144 = arith.extui %lt3A_143 : i1 to i32
      %cond3A_145 = arith.constant 0 : i32
      %cond3A_146 = arith.cmpi ne, %convert_element_type3A_144, %cond3A_145 : i32
      scf.if %cond3A_146 {
        "tpu.region"() ({
          %run_scoped3A = tpu.sem_alloc : memref<!tpu.dma_semaphore, #tpu.memory_space<semaphore_mem>>
          %dma_start3A_185 = tpu.memref_slice %arg3[%add3A_142] : memref<320000xi32, #tpu.memory_space<hbm>> -> memref<80xi32, #tpu.memory_space<hbm>>
          %dma_start3A_186 = tpu.memref_slice %arg3[%add3A_142] : memref<320000xi32, #tpu.memory_space<hbm>> -> memref<80xi32, #tpu.memory_space<hbm>>
          tpu.enqueue_dma source(%dma_start3A_186 : memref<80xi32, #tpu.memory_space<hbm>>) target(%arg7 : memref<80xi32, #tpu.memory_space<vmem>>) target_semaphore(%run_scoped3A : memref<!tpu.dma_semaphore, #tpu.memory_space<semaphore_mem>>)
          %dma_wait3A_187 = tpu.memref_slice %arg3[%add3A_142] : memref<320000xi32, #tpu.memory_space<hbm>> -> memref<80xi32, #tpu.memory_space<hbm>>
          %dma_wait3A_188 = tpu.memref_slice %arg3[%add3A_142] : memref<320000xi32, #tpu.memory_space<hbm>> -> memref<80xi32, #tpu.memory_space<hbm>>
          tpu.wait_dma2 semaphore(%run_scoped3A : memref<!tpu.dma_semaphore, #tpu.memory_space<semaphore_mem>>) src(%dma_wait3A_188 : memref<80xi32, #tpu.memory_space<hbm>>) dst(%arg7 : memref<80xi32, #tpu.memory_space<vmem>>)
          tpu.yield
        }) : () -> ()
        "tpu.region"() ({
          %run_scoped3A = tpu.sem_alloc : memref<!tpu.dma_semaphore, #tpu.memory_space<semaphore_mem>>
          %dma_start3A_185 = tpu.memref_slice %arg4[%add3A_142] : memref<320000xi32, #tpu.memory_space<hbm>> -> memref<80xi32, #tpu.memory_space<hbm>>
          %dma_start3A_186 = tpu.memref_slice %arg4[%add3A_142] : memref<320000xi32, #tpu.memory_space<hbm>> -> memref<80xi32, #tpu.memory_space<hbm>>
          tpu.enqueue_dma source(%dma_start3A_186 : memref<80xi32, #tpu.memory_space<hbm>>) target(%arg11 : memref<80xi32, #tpu.memory_space<vmem>>) target_semaphore(%run_scoped3A : memref<!tpu.dma_semaphore, #tpu.memory_space<semaphore_mem>>)
          %dma_wait3A_187 = tpu.memref_slice %arg4[%add3A_142] : memref<320000xi32, #tpu.memory_space<hbm>> -> memref<80xi32, #tpu.memory_space<hbm>>
          %dma_wait3A_188 = tpu.memref_slice %arg4[%add3A_142] : memref<320000xi32, #tpu.memory_space<hbm>> -> memref<80xi32, #tpu.memory_space<hbm>>
          tpu.wait_dma2 semaphore(%run_scoped3A : memref<!tpu.dma_semaphore, #tpu.memory_space<semaphore_mem>>) src(%dma_wait3A_188 : memref<80xi32, #tpu.memory_space<hbm>>) dst(%arg11 : memref<80xi32, #tpu.memory_space<vmem>>)
          tpu.yield
        }) : () -> ()
        %dma_start3A_182 = arith.constant 0 : i32
        %dma_start3A_183 = arith.constant 0 : i32
        %dma_start3A_184 = tpu.memref_slice %arg2[%dma_start3A_182, %dma_start3A_183] : memref<10000x128xf32, #tpu.memory_space<hbm>> -> memref<10000x128xf32, #tpu.memory_space<hbm>>
        tpu.enqueue_indirect_dma source(%dma_start3A_184 : memref<10000x128xf32, #tpu.memory_space<hbm>>) target(%arg15 : memref<80x128xf32, #tpu.memory_space<vmem>>) offsets(%arg7 : memref<80xi32, #tpu.memory_space<vmem>>) semaphore(%arg20 : memref<!tpu.dma_semaphore, #tpu.memory_space<semaphore_mem>>)
      } else {
      }
      %dma_wait3A_147 = arith.constant 0 : i32
      %dma_wait3A_148 = arith.constant 0 : i32
      %dma_wait3A_149 = tpu.memref_slice %arg18[%dma_wait3A_147, %dma_wait3A_148] : memref<10000x128xf32, #tpu.memory_space<vmem_shared>> -> memref<10000x128xf32, #tpu.memory_space<vmem_shared>>
      tpu.wait_indirect_dma semaphore(%arg25 : memref<!tpu.dma_semaphore, #tpu.memory_space<semaphore_mem>>) src(%arg16 : memref<80x128xf32, #tpu.memory_space<vmem>>) dst(%dma_wait3A_149 : memref<10000x128xf32, #tpu.memory_space<vmem_shared>>)
      %mul3A_150 = arith.constant 4 : i32
      %mul3A_151 = arith.muli %mul3A_150, %scan3A_90 : i32
      %add3A_152 = arith.constant 4 : i32
      %add3A_153 = arith.addi %mul3A_151, %add3A_152 : i32
      %add3A_154 = arith.constant 2 : i32
      %add3A_155 = arith.addi %add3A_153, %add3A_154 : i32
      %mul3A_156 = arith.constant 80 : i32
      %mul3A_157 = arith.muli %add3A_155, %mul3A_156 : i32
      %add3A_158 = arith.addi %mul3A_2, %mul3A_157 : i32
      %lt3A_159 = arith.constant 30 : i32
      %lt3A_160 = arith.cmpi slt, %scan3A_90, %lt3A_159 : i32
      %convert_element_type3A_161 = arith.extui %lt3A_160 : i1 to i32
      %cond3A_162 = arith.constant 0 : i32
      %cond3A_163 = arith.cmpi ne, %convert_element_type3A_161, %cond3A_162 : i32
      scf.if %cond3A_163 {
        "tpu.region"() ({
          %run_scoped3A = tpu.sem_alloc : memref<!tpu.dma_semaphore, #tpu.memory_space<semaphore_mem>>
          %dma_start3A_185 = tpu.memref_slice %arg3[%add3A_158] : memref<320000xi32, #tpu.memory_space<hbm>> -> memref<80xi32, #tpu.memory_space<hbm>>
          %dma_start3A_186 = tpu.memref_slice %arg3[%add3A_158] : memref<320000xi32, #tpu.memory_space<hbm>> -> memref<80xi32, #tpu.memory_space<hbm>>
          tpu.enqueue_dma source(%dma_start3A_186 : memref<80xi32, #tpu.memory_space<hbm>>) target(%arg8 : memref<80xi32, #tpu.memory_space<vmem>>) target_semaphore(%run_scoped3A : memref<!tpu.dma_semaphore, #tpu.memory_space<semaphore_mem>>)
          %dma_wait3A_187 = tpu.memref_slice %arg3[%add3A_158] : memref<320000xi32, #tpu.memory_space<hbm>> -> memref<80xi32, #tpu.memory_space<hbm>>
          %dma_wait3A_188 = tpu.memref_slice %arg3[%add3A_158] : memref<320000xi32, #tpu.memory_space<hbm>> -> memref<80xi32, #tpu.memory_space<hbm>>
          tpu.wait_dma2 semaphore(%run_scoped3A : memref<!tpu.dma_semaphore, #tpu.memory_space<semaphore_mem>>) src(%dma_wait3A_188 : memref<80xi32, #tpu.memory_space<hbm>>) dst(%arg8 : memref<80xi32, #tpu.memory_space<vmem>>)
          tpu.yield
        }) : () -> ()
        "tpu.region"() ({
          %run_scoped3A = tpu.sem_alloc : memref<!tpu.dma_semaphore, #tpu.memory_space<semaphore_mem>>
          %dma_start3A_185 = tpu.memref_slice %arg4[%add3A_158] : memref<320000xi32, #tpu.memory_space<hbm>> -> memref<80xi32, #tpu.memory_space<hbm>>
          %dma_start3A_186 = tpu.memref_slice %arg4[%add3A_158] : memref<320000xi32, #tpu.memory_space<hbm>> -> memref<80xi32, #tpu.memory_space<hbm>>
          tpu.enqueue_dma source(%dma_start3A_186 : memref<80xi32, #tpu.memory_space<hbm>>) target(%arg12 : memref<80xi32, #tpu.memory_space<vmem>>) target_semaphore(%run_scoped3A : memref<!tpu.dma_semaphore, #tpu.memory_space<semaphore_mem>>)
          %dma_wait3A_187 = tpu.memref_slice %arg4[%add3A_158] : memref<320000xi32, #tpu.memory_space<hbm>> -> memref<80xi32, #tpu.memory_space<hbm>>
          %dma_wait3A_188 = tpu.memref_slice %arg4[%add3A_158] : memref<320000xi32, #tpu.memory_space<hbm>> -> memref<80xi32, #tpu.memory_space<hbm>>
          tpu.wait_dma2 semaphore(%run_scoped3A : memref<!tpu.dma_semaphore, #tpu.memory_space<semaphore_mem>>) src(%dma_wait3A_188 : memref<80xi32, #tpu.memory_space<hbm>>) dst(%arg12 : memref<80xi32, #tpu.memory_space<vmem>>)
          tpu.yield
        }) : () -> ()
        %dma_start3A_182 = arith.constant 0 : i32
        %dma_start3A_183 = arith.constant 0 : i32
        %dma_start3A_184 = tpu.memref_slice %arg2[%dma_start3A_182, %dma_start3A_183] : memref<10000x128xf32, #tpu.memory_space<hbm>> -> memref<10000x128xf32, #tpu.memory_space<hbm>>
        tpu.enqueue_indirect_dma source(%dma_start3A_184 : memref<10000x128xf32, #tpu.memory_space<hbm>>) target(%arg16 : memref<80x128xf32, #tpu.memory_space<vmem>>) offsets(%arg8 : memref<80xi32, #tpu.memory_space<vmem>>) semaphore(%arg21 : memref<!tpu.dma_semaphore, #tpu.memory_space<semaphore_mem>>)
      } else {
      }
      %dma_wait3A_164 = arith.constant 0 : i32
      %dma_wait3A_165 = arith.constant 0 : i32
      %dma_wait3A_166 = tpu.memref_slice %arg18[%dma_wait3A_164, %dma_wait3A_165] : memref<10000x128xf32, #tpu.memory_space<vmem_shared>> -> memref<10000x128xf32, #tpu.memory_space<vmem_shared>>
      tpu.wait_indirect_dma semaphore(%arg26 : memref<!tpu.dma_semaphore, #tpu.memory_space<semaphore_mem>>) src(%arg17 : memref<80x128xf32, #tpu.memory_space<vmem>>) dst(%dma_wait3A_166 : memref<10000x128xf32, #tpu.memory_space<vmem_shared>>)
      %mul3A_167 = arith.constant 4 : i32
      %mul3A_168 = arith.muli %mul3A_167, %scan3A_90 : i32
      %add3A_169 = arith.constant 4 : i32
      %add3A_170 = arith.addi %mul3A_168, %add3A_169 : i32
      %add3A_171 = arith.constant 3 : i32
      %add3A_172 = arith.addi %add3A_170, %add3A_171 : i32
      %mul3A_173 = arith.constant 80 : i32
      %mul3A_174 = arith.muli %add3A_172, %mul3A_173 : i32
      %add3A_175 = arith.addi %mul3A_2, %mul3A_174 : i32
      %lt3A_176 = arith.constant 30 : i32
      %lt3A_177 = arith.cmpi slt, %scan3A_90, %lt3A_176 : i32
      %convert_element_type3A_178 = arith.extui %lt3A_177 : i1 to i32
      %cond3A_179 = arith.constant 0 : i32
      %cond3A_180 = arith.cmpi ne, %convert_element_type3A_178, %cond3A_179 : i32
      scf.if %cond3A_180 {
        "tpu.region"() ({
          %run_scoped3A = tpu.sem_alloc : memref<!tpu.dma_semaphore, #tpu.memory_space<semaphore_mem>>
          %dma_start3A_185 = tpu.memref_slice %arg3[%add3A_175] : memref<320000xi32, #tpu.memory_space<hbm>> -> memref<80xi32, #tpu.memory_space<hbm>>
          %dma_start3A_186 = tpu.memref_slice %arg3[%add3A_175] : memref<320000xi32, #tpu.memory_space<hbm>> -> memref<80xi32, #tpu.memory_space<hbm>>
          tpu.enqueue_dma source(%dma_start3A_186 : memref<80xi32, #tpu.memory_space<hbm>>) target(%arg9 : memref<80xi32, #tpu.memory_space<vmem>>) target_semaphore(%run_scoped3A : memref<!tpu.dma_semaphore, #tpu.memory_space<semaphore_mem>>)
          %dma_wait3A_187 = tpu.memref_slice %arg3[%add3A_175] : memref<320000xi32, #tpu.memory_space<hbm>> -> memref<80xi32, #tpu.memory_space<hbm>>
          %dma_wait3A_188 = tpu.memref_slice %arg3[%add3A_175] : memref<320000xi32, #tpu.memory_space<hbm>> -> memref<80xi32, #tpu.memory_space<hbm>>
          tpu.wait_dma2 semaphore(%run_scoped3A : memref<!tpu.dma_semaphore, #tpu.memory_space<semaphore_mem>>) src(%dma_wait3A_188 : memref<80xi32, #tpu.memory_space<hbm>>) dst(%arg9 : memref<80xi32, #tpu.memory_space<vmem>>)
          tpu.yield
        }) : () -> ()
        "tpu.region"() ({
          %run_scoped3A = tpu.sem_alloc : memref<!tpu.dma_semaphore, #tpu.memory_space<semaphore_mem>>
          %dma_start3A_185 = tpu.memref_slice %arg4[%add3A_175] : memref<320000xi32, #tpu.memory_space<hbm>> -> memref<80xi32, #tpu.memory_space<hbm>>
          %dma_start3A_186 = tpu.memref_slice %arg4[%add3A_175] : memref<320000xi32, #tpu.memory_space<hbm>> -> memref<80xi32, #tpu.memory_space<hbm>>
          tpu.enqueue_dma source(%dma_start3A_186 : memref<80xi32, #tpu.memory_space<hbm>>) target(%arg13 : memref<80xi32, #tpu.memory_space<vmem>>) target_semaphore(%run_scoped3A : memref<!tpu.dma_semaphore, #tpu.memory_space<semaphore_mem>>)
          %dma_wait3A_187 = tpu.memref_slice %arg4[%add3A_175] : memref<320000xi32, #tpu.memory_space<hbm>> -> memref<80xi32, #tpu.memory_space<hbm>>
          %dma_wait3A_188 = tpu.memref_slice %arg4[%add3A_175] : memref<320000xi32, #tpu.memory_space<hbm>> -> memref<80xi32, #tpu.memory_space<hbm>>
          tpu.wait_dma2 semaphore(%run_scoped3A : memref<!tpu.dma_semaphore, #tpu.memory_space<semaphore_mem>>) src(%dma_wait3A_188 : memref<80xi32, #tpu.memory_space<hbm>>) dst(%arg13 : memref<80xi32, #tpu.memory_space<vmem>>)
          tpu.yield
        }) : () -> ()
        %dma_start3A_182 = arith.constant 0 : i32
        %dma_start3A_183 = arith.constant 0 : i32
        %dma_start3A_184 = tpu.memref_slice %arg2[%dma_start3A_182, %dma_start3A_183] : memref<10000x128xf32, #tpu.memory_space<hbm>> -> memref<10000x128xf32, #tpu.memory_space<hbm>>
        tpu.enqueue_indirect_dma source(%dma_start3A_184 : memref<10000x128xf32, #tpu.memory_space<hbm>>) target(%arg17 : memref<80x128xf32, #tpu.memory_space<vmem>>) offsets(%arg9 : memref<80xi32, #tpu.memory_space<vmem>>) semaphore(%arg22 : memref<!tpu.dma_semaphore, #tpu.memory_space<semaphore_mem>>)
      } else {
      }
      %scan3A_181 = arith.constant 0 : i32
      scf.yield %scan3A_181 : i32
    }
    %scan3A_77 = arith.constant 31 : i32
    %dma_wait3A = arith.constant 0 : i32
    %dma_wait3A_78 = arith.constant 0 : i32
    %dma_wait3A_79 = tpu.memref_slice %arg2[%dma_wait3A, %dma_wait3A_78] : memref<10000x128xf32, #tpu.memory_space<hbm>> -> memref<10000x128xf32, #tpu.memory_space<hbm>>
    tpu.wait_indirect_dma semaphore(%arg19 : memref<!tpu.dma_semaphore, #tpu.memory_space<semaphore_mem>>) src(%dma_wait3A_79 : memref<10000x128xf32, #tpu.memory_space<hbm>>) dst(%arg14 : memref<80x128xf32, #tpu.memory_space<vmem>>)
    "tpu.region"() ({
      %run_scoped3A = tpu.sem_alloc : memref<!tpu.dma_semaphore, #tpu.memory_space<semaphore_mem>>
      %dma_start3A_90 = arith.constant 0 : i32
      %dma_start3A_91 = arith.constant 0 : i32
      %dma_start3A_92 = tpu.memref_slice %arg18[%dma_start3A_90, %dma_start3A_91] : memref<10000x128xf32, #tpu.memory_space<vmem_shared>> -> memref<10000x128xf32, #tpu.memory_space<vmem_shared>>
      tpu.enqueue_indirect_dma source(%arg14 : memref<80x128xf32, #tpu.memory_space<vmem>>) target(%dma_start3A_92 : memref<10000x128xf32, #tpu.memory_space<vmem_shared>>) offsets(%arg10 : memref<80xi32, #tpu.memory_space<vmem>>) semaphore(%run_scoped3A : memref<!tpu.dma_semaphore, #tpu.memory_space<semaphore_mem>>) {add = true}
      %dma_wait3A_93 = arith.constant 0 : i32
      %dma_wait3A_94 = arith.constant 0 : i32
      %dma_wait3A_95 = tpu.memref_slice %arg18[%dma_wait3A_93, %dma_wait3A_94] : memref<10000x128xf32, #tpu.memory_space<vmem_shared>> -> memref<10000x128xf32, #tpu.memory_space<vmem_shared>>
      tpu.wait_indirect_dma semaphore(%run_scoped3A : memref<!tpu.dma_semaphore, #tpu.memory_space<semaphore_mem>>) src(%arg14 : memref<80x128xf32, #tpu.memory_space<vmem>>) dst(%dma_wait3A_95 : memref<10000x128xf32, #tpu.memory_space<vmem_shared>>)
      tpu.yield
    }) : () -> ()
    %barrier3A_80 = arith.constant 0 : index
    tpu.barrier barrier_id(%barrier3A_80)
    %mul3A_81 = arith.constant 624 : i32
    %mul3A_82 = arith.muli %arg1, %mul3A_81 : i32
    %mul3A_83 = arith.constant 624 : i32
    %mul3A_84 = arith.muli %arg1, %mul3A_83 : i32
    "tpu.region"() ({
      %run_scoped3A = tpu.sem_alloc : memref<!tpu.dma_semaphore, #tpu.memory_space<semaphore_mem>>
      %dma_start3A_90 = arith.constant 0 : i32
      %dma_start3A_91 = tpu.memref_slice %arg5[%arg0, %mul3A_84, %dma_start3A_90] : memref<2x10000x128xf32, #tpu.memory_space<hbm>> -> memref<1x624x128xf32, #tpu.memory_space<hbm>>
      %dma_start3A_92 = tpu.memref_squeeze %dma_start3A_91 : memref<1x624x128xf32, #tpu.memory_space<hbm>> -> memref<624x128xf32, #tpu.memory_space<hbm>>
      %dma_start3A_93 = arith.constant 0 : i32
      %dma_start3A_94 = tpu.memref_slice %arg18[%mul3A_82, %dma_start3A_93] : memref<10000x128xf32, #tpu.memory_space<vmem_shared>> -> memref<624x128xf32, #tpu.memory_space<vmem_shared>>
      tpu.enqueue_dma source(%dma_start3A_94 : memref<624x128xf32, #tpu.memory_space<vmem_shared>>) target(%dma_start3A_92 : memref<624x128xf32, #tpu.memory_space<hbm>>) target_semaphore(%run_scoped3A : memref<!tpu.dma_semaphore, #tpu.memory_space<semaphore_mem>>)
      %dma_wait3A_95 = arith.constant 0 : i32
      %dma_wait3A_96 = tpu.memref_slice %arg5[%arg0, %mul3A_84, %dma_wait3A_95] : memref<2x10000x128xf32, #tpu.memory_space<hbm>> -> memref<1x624x128xf32, #tpu.memory_space<hbm>>
      %dma_wait3A_97 = tpu.memref_squeeze %dma_wait3A_96 : memref<1x624x128xf32, #tpu.memory_space<hbm>> -> memref<624x128xf32, #tpu.memory_space<hbm>>
      %dma_wait3A_98 = arith.constant 0 : i32
      %dma_wait3A_99 = tpu.memref_slice %arg18[%mul3A_82, %dma_wait3A_98] : memref<10000x128xf32, #tpu.memory_space<vmem_shared>> -> memref<624x128xf32, #tpu.memory_space<vmem_shared>>
      tpu.wait_dma2 semaphore(%run_scoped3A : memref<!tpu.dma_semaphore, #tpu.memory_space<semaphore_mem>>) src(%dma_wait3A_99 : memref<624x128xf32, #tpu.memory_space<vmem_shared>>) dst(%dma_wait3A_97 : memref<624x128xf32, #tpu.memory_space<hbm>>)
      tpu.yield
    }) : () -> ()
    %eq3A_85 = arith.constant 15 : i32
    %eq3A_86 = arith.cmpi eq, %arg1, %eq3A_85 : i32
    %convert_element_type3A_87 = arith.extui %eq3A_86 : i1 to i32
    %cond3A_88 = arith.constant 0 : i32
    %cond3A_89 = arith.cmpi ne, %convert_element_type3A_87, %cond3A_88 : i32
    scf.if %cond3A_89 {
      "tpu.region"() ({
        %run_scoped3A = tpu.sem_alloc : memref<!tpu.dma_semaphore, #tpu.memory_space<semaphore_mem>>
        %dma_start3A_90 = arith.constant 9984 : i32
        %dma_start3A_91 = arith.constant 0 : i32
        %dma_start3A_92 = tpu.memref_slice %arg5[%arg0, %dma_start3A_90, %dma_start3A_91] : memref<2x10000x128xf32, #tpu.memory_space<hbm>> -> memref<1x16x128xf32, #tpu.memory_space<hbm>>
        %dma_start3A_93 = tpu.memref_squeeze %dma_start3A_92 : memref<1x16x128xf32, #tpu.memory_space<hbm>> -> memref<16x128xf32, #tpu.memory_space<hbm>>
        %dma_start3A_94 = arith.constant 9984 : i32
        %dma_start3A_95 = arith.constant 0 : i32
        %dma_start3A_96 = tpu.memref_slice %arg18[%dma_start3A_94, %dma_start3A_95] : memref<10000x128xf32, #tpu.memory_space<vmem_shared>> -> memref<16x128xf32, #tpu.memory_space<vmem_shared>>
        tpu.enqueue_dma source(%dma_start3A_96 : memref<16x128xf32, #tpu.memory_space<vmem_shared>>) target(%dma_start3A_93 : memref<16x128xf32, #tpu.memory_space<hbm>>) target_semaphore(%run_scoped3A : memref<!tpu.dma_semaphore, #tpu.memory_space<semaphore_mem>>)
        %dma_wait3A_97 = arith.constant 9984 : i32
        %dma_wait3A_98 = arith.constant 0 : i32
        %dma_wait3A_99 = tpu.memref_slice %arg5[%arg0, %dma_wait3A_97, %dma_wait3A_98] : memref<2x10000x128xf32, #tpu.memory_space<hbm>> -> memref<1x16x128xf32, #tpu.memory_space<hbm>>
        %dma_wait3A_100 = tpu.memref_squeeze %dma_wait3A_99 : memref<1x16x128xf32, #tpu.memory_space<hbm>> -> memref<16x128xf32, #tpu.memory_space<hbm>>
        %dma_wait3A_101 = arith.constant 9984 : i32
        %dma_wait3A_102 = arith.constant 0 : i32
        %dma_wait3A_103 = tpu.memref_slice %arg18[%dma_wait3A_101, %dma_wait3A_102] : memref<10000x128xf32, #tpu.memory_space<vmem_shared>> -> memref<16x128xf32, #tpu.memory_space<vmem_shared>>
        tpu.wait_dma2 semaphore(%run_scoped3A : memref<!tpu.dma_semaphore, #tpu.memory_space<semaphore_mem>>) src(%dma_wait3A_103 : memref<16x128xf32, #tpu.memory_space<vmem_shared>>) dst(%dma_wait3A_100 : memref<16x128xf32, #tpu.memory_space<hbm>>)
        tpu.yield
      }) : () -> ()
    } else {
    }
    return
  }
}

#map = affine_map<(d0, d1) -> (0, 0)>
#map1 = affine_map<(d0, d1) -> (0)>
#map2 = affine_map<(d0, d1) -> (0, 0, 0)>
module attributes {stable_mosaic.version = 14 : i64} {
  func.func @_agg_body(%arg0: i32, %arg1: i32, %arg2: memref<10000x128xf32, #tpu.memory_space<hbm>>, %arg3: memref<320000xi32, #tpu.memory_space<hbm>>, %arg4: memref<320000xi32, #tpu.memory_space<hbm>>, %arg5: memref<2x10000x128xf32, #tpu.memory_space<hbm>>, %arg6: memref<80xi32, #tpu.memory_space<vmem>>, %arg7: memref<80xi32, #tpu.memory_space<vmem>>, %arg8: memref<80xi32, #tpu.memory_space<vmem>>, %arg9: memref<80xi32, #tpu.memory_space<vmem>>, %arg10: memref<80xi32, #tpu.memory_space<vmem>>, %arg11: memref<80xi32, #tpu.memory_space<vmem>>, %arg12: memref<80xi32, #tpu.memory_space<vmem>>, %arg13: memref<80xi32, #tpu.memory_space<vmem>>, %arg14: memref<80x128xf32, #tpu.memory_space<vmem>>, %arg15: memref<80x128xf32, #tpu.memory_space<vmem>>, %arg16: memref<80x128xf32, #tpu.memory_space<vmem>>, %arg17: memref<80x128xf32, #tpu.memory_space<vmem>>, %arg18: memref<10000x128xf32, #tpu.memory_space<vmem_shared>>, %arg19: memref<!tpu.dma_semaphore, #tpu.memory_space<semaphore_mem>>, %arg20: memref<!tpu.dma_semaphore, #tpu.memory_space<semaphore_mem>>, %arg21: memref<!tpu.dma_semaphore, #tpu.memory_space<semaphore_mem>>, %arg22: memref<!tpu.dma_semaphore, #tpu.memory_space<semaphore_mem>>, %arg23: memref<!tpu.dma_semaphore, #tpu.memory_space<semaphore_mem>>, %arg24: memref<!tpu.dma_semaphore, #tpu.memory_space<semaphore_mem>>, %arg25: memref<!tpu.dma_semaphore, #tpu.memory_space<semaphore_mem>>, %arg26: memref<!tpu.dma_semaphore, #tpu.memory_space<semaphore_mem>>) attributes {dimension_semantics = [#tpu.dimension_semantics<core_parallel>, #tpu.dimension_semantics<subcore_parallel>], iteration_bounds = array<i64: 2, 16>, scalar_prefetch = 0 : i64, scratch_operands = 21 : i64, tpu.core_type = #tpu.core_type<sc_vector_subcore>, window_params = [{transform_indices = #map}, {transform_indices = #map1}, {transform_indices = #map1}, {transform_indices = #map2}]} {
    %mul3A = arith.constant 2 : i32
    %mul3A_0 = arith.muli %arg1, %mul3A : i32
    %add3A = arith.addi %mul3A_0, %arg0 : i32
    %mul3A_1 = arith.constant 10000 : i32
    %mul3A_2 = arith.muli %add3A, %mul3A_1 : i32
    %broadcast_in_dim3A = arith.constant 0.000000e+00 : f32
    %broadcast_in_dim3A_3 = vector.broadcast %broadcast_in_dim3A : f32 to vector<16xf32>
    %scan3A = arith.constant 0 : i32
    %scan3A_4 = arith.constant 0 : i32
    %scan3A_5 = arith.constant 640 : i32
    %scan3A_6 = arith.addi %scan3A_4, %scan3A_5 : i32
    %scan3A_7 = arith.constant 1 : i32
    %scan3A_8 = scf.for %scan3A_90 = %scan3A_4 to %scan3A_6 step %scan3A_7 iter_args(%scan3A_91 = %scan3A) -> (i32)  : i32 {
      %jit3A = arith.constant 8 : i32
      %div3A = arith.divsi %scan3A_90, %jit3A : i32
      %sign3A = arith.constant 0 : i32
      %sign3A_92 = arith.cmpi sgt, %scan3A_90, %sign3A : i32
      %sign3A_93 = arith.extui %sign3A_92 : i1 to i32
      %sign3A_94 = arith.constant 0 : i32
      %sign3A_95 = arith.cmpi slt, %scan3A_90, %sign3A_94 : i32
      %sign3A_96 = arith.extui %sign3A_95 : i1 to i32
      %sign3A_97 = arith.subi %sign3A_93, %sign3A_96 : i32
      %sign3A_98 = arith.constant 0 : i32
      %sign3A_99 = arith.cmpi sgt, %jit3A, %sign3A_98 : i32
      %sign3A_100 = arith.extui %sign3A_99 : i1 to i32
      %sign3A_101 = arith.constant 0 : i32
      %sign3A_102 = arith.cmpi slt, %jit3A, %sign3A_101 : i32
      %sign3A_103 = arith.extui %sign3A_102 : i1 to i32
      %sign3A_104 = arith.subi %sign3A_100, %sign3A_103 : i32
      %ne3A = arith.cmpi ne, %sign3A_97, %sign3A_104 : i32
      %rem3A = arith.remsi %scan3A_90, %jit3A : i32
      %ne3A_105 = arith.constant 0 : i32
      %ne3A_106 = arith.cmpi ne, %rem3A, %ne3A_105 : i32
      %and3A = arith.andi %ne3A, %ne3A_106 : i1
      %sub3A = arith.constant 1 : i32
      %sub3A_107 = arith.subi %div3A, %sub3A : i32
      %select_n3A = arith.select %and3A, %sub3A_107, %div3A : i32
      %jit3A_108 = arith.constant 8 : i32
      %eq3A_109 = arith.constant 0 : i32
      %eq3A_110 = arith.cmpi eq, %jit3A_108, %eq3A_109 : i32
      %jit3A_111 = arith.constant 1 : i32
      %select_n3A_112 = arith.select %eq3A_110, %jit3A_111, %jit3A_108 : i32
      %rem3A_113 = arith.remsi %scan3A_90, %select_n3A_112 : i32
      %ne3A_114 = arith.constant 0 : i32
      %ne3A_115 = arith.cmpi ne, %rem3A_113, %ne3A_114 : i32
      %lt3A = arith.constant 0 : i32
      %lt3A_116 = arith.cmpi slt, %rem3A_113, %lt3A : i32
      %lt3A_117 = arith.constant 0 : i32
      %lt3A_118 = arith.cmpi slt, %select_n3A_112, %lt3A_117 : i32
      %ne3A_119 = arith.xori %lt3A_116, %lt3A_118 : i1
      %and3A_120 = arith.andi %ne3A_119, %ne3A_115 : i1
      %add3A_121 = arith.addi %rem3A_113, %select_n3A_112 : i32
      %select_n3A_122 = arith.select %and3A_120, %add3A_121, %rem3A_113 : i32
      %mul3A_123 = arith.constant 16 : i32
      %mul3A_124 = arith.muli %select_n3A_122, %mul3A_123 : i32
      %swap3A = arith.index_cast %select_n3A : i32 to index
      %swap3A_125 = arith.index_cast %mul3A_124 : i32 to index
      %swap3A_126 = tpu.vector_load %arg14[%swap3A, %swap3A_125] {strides = array<i32>} : memref<80x128xf32, #tpu.memory_space<vmem>>, vector<1x16xf32>,
      %swap3A_127 = vector.shape_cast %swap3A_126 : vector<1x16xf32> to vector<16xf32>
      %swap3A_128 = vector.shape_cast %broadcast_in_dim3A_3 : vector<16xf32> to vector<1x16xf32>
      tpu.vector_store %arg14[%swap3A, %swap3A_125], %swap3A_128 {strides = array<i32>} : memref<80x128xf32, #tpu.memory_space<vmem>>, vector<1x16xf32>,
      %scan3A_129 = arith.constant 0 : i32
      scf.yield %scan3A_129 : i32
    }
    %scan3A_9 = arith.constant 640 : i32
    %mul3A_10 = arith.constant 624 : i32
    %mul3A_11 = arith.muli %arg1, %mul3A_10 : i32
    %add3A_12 = arith.constant 0 : i32
    %add3A_13 = arith.addi %mul3A_11, %add3A_12 : i32
    "tpu.region"() ({
      %run_scoped3A = tpu.sem_alloc : memref<!tpu.dma_semaphore, #tpu.memory_space<semaphore_mem>>
      %dma_start3A_90 = arith.constant 0 : i32
      %dma_start3A_91 = tpu.memref_slice %arg18[%add3A_13, %dma_start3A_90] : memref<10000x128xf32, #tpu.memory_space<vmem_shared>> -> memref<80x128xf32, #tpu.memory_space<vmem_shared>>
      %dma_start3A_92 = arith.constant 0 : i32
      %dma_start3A_93 = tpu.memref_slice %arg18[%add3A_13, %dma_start3A_92] : memref<10000x128xf32, #tpu.memory_space<vmem_shared>> -> memref<80x128xf32, #tpu.memory_space<vmem_shared>>
      tpu.enqueue_dma source(%arg14 : memref<80x128xf32, #tpu.memory_space<vmem>>) target(%dma_start3A_93 : memref<80x128xf32, #tpu.memory_space<vmem_shared>>) target_semaphore(%run_scoped3A : memref<!tpu.dma_semaphore, #tpu.memory_space<semaphore_mem>>)
      %dma_wait3A_94 = arith.constant 0 : i32
      %dma_wait3A_95 = tpu.memref_slice %arg18[%add3A_13, %dma_wait3A_94] : memref<10000x128xf32, #tpu.memory_space<vmem_shared>> -> memref<80x128xf32, #tpu.memory_space<vmem_shared>>
      %dma_wait3A_96 = arith.constant 0 : i32
      %dma_wait3A_97 = tpu.memref_slice %arg18[%add3A_13, %dma_wait3A_96] : memref<10000x128xf32, #tpu.memory_space<vmem_shared>> -> memref<80x128xf32, #tpu.memory_space<vmem_shared>>
      tpu.wait_dma2 semaphore(%run_scoped3A : memref<!tpu.dma_semaphore, #tpu.memory_space<semaphore_mem>>) src(%arg14 : memref<80x128xf32, #tpu.memory_space<vmem>>) dst(%dma_wait3A_97 : memref<80x128xf32, #tpu.memory_space<vmem_shared>>)
      tpu.yield
    }) : () -> ()
    %mul3A_14 = arith.constant 624 : i32
    %mul3A_15 = arith.muli %arg1, %mul3A_14 : i32
    %add3A_16 = arith.constant 80 : i32
    %add3A_17 = arith.addi %mul3A_15, %add3A_16 : i32
    "tpu.region"() ({
      %run_scoped3A = tpu.sem_alloc : memref<!tpu.dma_semaphore, #tpu.memory_space<semaphore_mem>>
      %dma_start3A_90 = arith.constant 0 : i32
      %dma_start3A_91 = tpu.memref_slice %arg18[%add3A_17, %dma_start3A_90] : memref<10000x128xf32, #tpu.memory_space<vmem_shared>> -> memref<80x128xf32, #tpu.memory_space<vmem_shared>>
      %dma_start3A_92 = arith.constant 0 : i32
      %dma_start3A_93 = tpu.memref_slice %arg18[%add3A_17, %dma_start3A_92] : memref<10000x128xf32, #tpu.memory_space<vmem_shared>> -> memref<80x128xf32, #tpu.memory_space<vmem_shared>>
      tpu.enqueue_dma source(%arg14 : memref<80x128xf32, #tpu.memory_space<vmem>>) target(%dma_start3A_93 : memref<80x128xf32, #tpu.memory_space<vmem_shared>>) target_semaphore(%run_scoped3A : memref<!tpu.dma_semaphore, #tpu.memory_space<semaphore_mem>>)
      %dma_wait3A_94 = arith.constant 0 : i32
      %dma_wait3A_95 = tpu.memref_slice %arg18[%add3A_17, %dma_wait3A_94] : memref<10000x128xf32, #tpu.memory_space<vmem_shared>> -> memref<80x128xf32, #tpu.memory_space<vmem_shared>>
      %dma_wait3A_96 = arith.constant 0 : i32
      %dma_wait3A_97 = tpu.memref_slice %arg18[%add3A_17, %dma_wait3A_96] : memref<10000x128xf32, #tpu.memory_space<vmem_shared>> -> memref<80x128xf32, #tpu.memory_space<vmem_shared>>
      tpu.wait_dma2 semaphore(%run_scoped3A : memref<!tpu.dma_semaphore, #tpu.memory_space<semaphore_mem>>) src(%arg14 : memref<80x128xf32, #tpu.memory_space<vmem>>) dst(%dma_wait3A_97 : memref<80x128xf32, #tpu.memory_space<vmem_shared>>)
      tpu.yield
    }) : () -> ()
    %mul3A_18 = arith.constant 624 : i32
    %mul3A_19 = arith.muli %arg1, %mul3A_18 : i32
    %add3A_20 = arith.constant 160 : i32
    %add3A_21 = arith.addi %mul3A_19, %add3A_20 : i32
    "tpu.region"() ({
      %run_scoped3A = tpu.sem_alloc : memref<!tpu.dma_semaphore, #tpu.memory_space<semaphore_mem>>
      %dma_start3A_90 = arith.constant 0 : i32
      %dma_start3A_91 = tpu.memref_slice %arg18[%add3A_21, %dma_start3A_90] : memref<10000x128xf32, #tpu.memory_space<vmem_shared>> -> memref<80x128xf32, #tpu.memory_space<vmem_shared>>
      %dma_start3A_92 = arith.constant 0 : i32
      %dma_start3A_93 = tpu.memref_slice %arg18[%add3A_21, %dma_start3A_92] : memref<10000x128xf32, #tpu.memory_space<vmem_shared>> -> memref<80x128xf32, #tpu.memory_space<vmem_shared>>
      tpu.enqueue_dma source(%arg14 : memref<80x128xf32, #tpu.memory_space<vmem>>) target(%dma_start3A_93 : memref<80x128xf32, #tpu.memory_space<vmem_shared>>) target_semaphore(%run_scoped3A : memref<!tpu.dma_semaphore, #tpu.memory_space<semaphore_mem>>)
      %dma_wait3A_94 = arith.constant 0 : i32
      %dma_wait3A_95 = tpu.memref_slice %arg18[%add3A_21, %dma_wait3A_94] : memref<10000x128xf32, #tpu.memory_space<vmem_shared>> -> memref<80x128xf32, #tpu.memory_space<vmem_shared>>
      %dma_wait3A_96 = arith.constant 0 : i32
      %dma_wait3A_97 = tpu.memref_slice %arg18[%add3A_21, %dma_wait3A_96] : memref<10000x128xf32, #tpu.memory_space<vmem_shared>> -> memref<80x128xf32, #tpu.memory_space<vmem_shared>>
      tpu.wait_dma2 semaphore(%run_scoped3A : memref<!tpu.dma_semaphore, #tpu.memory_space<semaphore_mem>>) src(%arg14 : memref<80x128xf32, #tpu.memory_space<vmem>>) dst(%dma_wait3A_97 : memref<80x128xf32, #tpu.memory_space<vmem_shared>>)
      tpu.yield
    }) : () -> ()
    %mul3A_22 = arith.constant 624 : i32
    %mul3A_23 = arith.muli %arg1, %mul3A_22 : i32
    %add3A_24 = arith.constant 240 : i32
    %add3A_25 = arith.addi %mul3A_23, %add3A_24 : i32
    "tpu.region"() ({
      %run_scoped3A = tpu.sem_alloc : memref<!tpu.dma_semaphore, #tpu.memory_space<semaphore_mem>>
      %dma_start3A_90 = arith.constant 0 : i32
      %dma_start3A_91 = tpu.memref_slice %arg18[%add3A_25, %dma_start3A_90] : memref<10000x128xf32, #tpu.memory_space<vmem_shared>> -> memref<80x128xf32, #tpu.memory_space<vmem_shared>>
      %dma_start3A_92 = arith.constant 0 : i32
      %dma_start3A_93 = tpu.memref_slice %arg18[%add3A_25, %dma_start3A_92] : memref<10000x128xf32, #tpu.memory_space<vmem_shared>> -> memref<80x128xf32, #tpu.memory_space<vmem_shared>>
      tpu.enqueue_dma source(%arg14 : memref<80x128xf32, #tpu.memory_space<vmem>>) target(%dma_start3A_93 : memref<80x128xf32, #tpu.memory_space<vmem_shared>>) target_semaphore(%run_scoped3A : memref<!tpu.dma_semaphore, #tpu.memory_space<semaphore_mem>>)
      %dma_wait3A_94 = arith.constant 0 : i32
      %dma_wait3A_95 = tpu.memref_slice %arg18[%add3A_25, %dma_wait3A_94] : memref<10000x128xf32, #tpu.memory_space<vmem_shared>> -> memref<80x128xf32, #tpu.memory_space<vmem_shared>>
      %dma_wait3A_96 = arith.constant 0 : i32
      %dma_wait3A_97 = tpu.memref_slice %arg18[%add3A_25, %dma_wait3A_96] : memref<10000x128xf32, #tpu.memory_space<vmem_shared>> -> memref<80x128xf32, #tpu.memory_space<vmem_shared>>
      tpu.wait_dma2 semaphore(%run_scoped3A : memref<!tpu.dma_semaphore, #tpu.memory_space<semaphore_mem>>) src(%arg14 : memref<80x128xf32, #tpu.memory_space<vmem>>) dst(%dma_wait3A_97 : memref<80x128xf32, #tpu.memory_space<vmem_shared>>)
      tpu.yield
    }) : () -> ()
    %mul3A_26 = arith.constant 624 : i32
    %mul3A_27 = arith.muli %arg1, %mul3A_26 : i32
    %add3A_28 = arith.constant 320 : i32
    %add3A_29 = arith.addi %mul3A_27, %add3A_28 : i32
    "tpu.region"() ({
      %run_scoped3A = tpu.sem_alloc : memref<!tpu.dma_semaphore, #tpu.memory_space<semaphore_mem>>
      %dma_start3A_90 = arith.constant 0 : i32
      %dma_start3A_91 = tpu.memref_slice %arg18[%add3A_29, %dma_start3A_90] : memref<10000x128xf32, #tpu.memory_space<vmem_shared>> -> memref<80x128xf32, #tpu.memory_space<vmem_shared>>
      %dma_start3A_92 = arith.constant 0 : i32
      %dma_start3A_93 = tpu.memref_slice %arg18[%add3A_29, %dma_start3A_92] : memref<10000x128xf32, #tpu.memory_space<vmem_shared>> -> memref<80x128xf32, #tpu.memory_space<vmem_shared>>
      tpu.enqueue_dma source(%arg14 : memref<80x128xf32, #tpu.memory_space<vmem>>) target(%dma_start3A_93 : memref<80x128xf32, #tpu.memory_space<vmem_shared>>) target_semaphore(%run_scoped3A : memref<!tpu.dma_semaphore, #tpu.memory_space<semaphore_mem>>)
      %dma_wait3A_94 = arith.constant 0 : i32
      %dma_wait3A_95 = tpu.memref_slice %arg18[%add3A_29, %dma_wait3A_94] : memref<10000x128xf32, #tpu.memory_space<vmem_shared>> -> memref<80x128xf32, #tpu.memory_space<vmem_shared>>
      %dma_wait3A_96 = arith.constant 0 : i32
      %dma_wait3A_97 = tpu.memref_slice %arg18[%add3A_29, %dma_wait3A_96] : memref<10000x128xf32, #tpu.memory_space<vmem_shared>> -> memref<80x128xf32, #tpu.memory_space<vmem_shared>>
      tpu.wait_dma2 semaphore(%run_scoped3A : memref<!tpu.dma_semaphore, #tpu.memory_space<semaphore_mem>>) src(%arg14 : memref<80x128xf32, #tpu.memory_space<vmem>>) dst(%dma_wait3A_97 : memref<80x128xf32, #tpu.memory_space<vmem_shared>>)
      tpu.yield
    }) : () -> ()
    %mul3A_30 = arith.constant 624 : i32
    %mul3A_31 = arith.muli %arg1, %mul3A_30 : i32
    %add3A_32 = arith.constant 400 : i32
    %add3A_33 = arith.addi %mul3A_31, %add3A_32 : i32
    "tpu.region"() ({
      %run_scoped3A = tpu.sem_alloc : memref<!tpu.dma_semaphore, #tpu.memory_space<semaphore_mem>>
      %dma_start3A_90 = arith.constant 0 : i32
      %dma_start3A_91 = tpu.memref_slice %arg18[%add3A_33, %dma_start3A_90] : memref<10000x128xf32, #tpu.memory_space<vmem_shared>> -> memref<80x128xf32, #tpu.memory_space<vmem_shared>>
      %dma_start3A_92 = arith.constant 0 : i32
      %dma_start3A_93 = tpu.memref_slice %arg18[%add3A_33, %dma_start3A_92] : memref<10000x128xf32, #tpu.memory_space<vmem_shared>> -> memref<80x128xf32, #tpu.memory_space<vmem_shared>>
      tpu.enqueue_dma source(%arg14 : memref<80x128xf32, #tpu.memory_space<vmem>>) target(%dma_start3A_93 : memref<80x128xf32, #tpu.memory_space<vmem_shared>>) target_semaphore(%run_scoped3A : memref<!tpu.dma_semaphore, #tpu.memory_space<semaphore_mem>>)
      %dma_wait3A_94 = arith.constant 0 : i32
      %dma_wait3A_95 = tpu.memref_slice %arg18[%add3A_33, %dma_wait3A_94] : memref<10000x128xf32, #tpu.memory_space<vmem_shared>> -> memref<80x128xf32, #tpu.memory_space<vmem_shared>>
      %dma_wait3A_96 = arith.constant 0 : i32
      %dma_wait3A_97 = tpu.memref_slice %arg18[%add3A_33, %dma_wait3A_96] : memref<10000x128xf32, #tpu.memory_space<vmem_shared>> -> memref<80x128xf32, #tpu.memory_space<vmem_shared>>
      tpu.wait_dma2 semaphore(%run_scoped3A : memref<!tpu.dma_semaphore, #tpu.memory_space<semaphore_mem>>) src(%arg14 : memref<80x128xf32, #tpu.memory_space<vmem>>) dst(%dma_wait3A_97 : memref<80x128xf32, #tpu.memory_space<vmem_shared>>)
      tpu.yield
    }) : () -> ()
    %mul3A_34 = arith.constant 624 : i32
    %mul3A_35 = arith.muli %arg1, %mul3A_34 : i32
    %add3A_36 = arith.constant 480 : i32
    %add3A_37 = arith.addi %mul3A_35, %add3A_36 : i32
    "tpu.region"() ({
      %run_scoped3A = tpu.sem_alloc : memref<!tpu.dma_semaphore, #tpu.memory_space<semaphore_mem>>
      %dma_start3A_90 = arith.constant 0 : i32
      %dma_start3A_91 = tpu.memref_slice %arg18[%add3A_37, %dma_start3A_90] : memref<10000x128xf32, #tpu.memory_space<vmem_shared>> -> memref<80x128xf32, #tpu.memory_space<vmem_shared>>
      %dma_start3A_92 = arith.constant 0 : i32
      %dma_start3A_93 = tpu.memref_slice %arg18[%add3A_37, %dma_start3A_92] : memref<10000x128xf32, #tpu.memory_space<vmem_shared>> -> memref<80x128xf32, #tpu.memory_space<vmem_shared>>
      tpu.enqueue_dma source(%arg14 : memref<80x128xf32, #tpu.memory_space<vmem>>) target(%dma_start3A_93 : memref<80x128xf32, #tpu.memory_space<vmem_shared>>) target_semaphore(%run_scoped3A : memref<!tpu.dma_semaphore, #tpu.memory_space<semaphore_mem>>)
      %dma_wait3A_94 = arith.constant 0 : i32
      %dma_wait3A_95 = tpu.memref_slice %arg18[%add3A_37, %dma_wait3A_94] : memref<10000x128xf32, #tpu.memory_space<vmem_shared>> -> memref<80x128xf32, #tpu.memory_space<vmem_shared>>
      %dma_wait3A_96 = arith.constant 0 : i32
      %dma_wait3A_97 = tpu.memref_slice %arg18[%add3A_37, %dma_wait3A_96] : memref<10000x128xf32, #tpu.memory_space<vmem_shared>> -> memref<80x128xf32, #tpu.memory_space<vmem_shared>>
      tpu.wait_dma2 semaphore(%run_scoped3A : memref<!tpu.dma_semaphore, #tpu.memory_space<semaphore_mem>>) src(%arg14 : memref<80x128xf32, #tpu.memory_space<vmem>>) dst(%dma_wait3A_97 : memref<80x128xf32, #tpu.memory_space<vmem_shared>>)
      tpu.yield
    }) : () -> ()
    %mul3A_38 = arith.constant 624 : i32
    %mul3A_39 = arith.muli %arg1, %mul3A_38 : i32
    %add3A_40 = arith.constant 560 : i32
    %add3A_41 = arith.addi %mul3A_39, %add3A_40 : i32
    "tpu.region"() ({
      %run_scoped3A = tpu.sem_alloc : memref<!tpu.dma_semaphore, #tpu.memory_space<semaphore_mem>>
      %dma_start3A_90 = arith.constant 0 : i32
      %dma_start3A_91 = arith.constant 0 : i32
      %dma_start3A_92 = tpu.memref_slice %arg14[%dma_start3A_90, %dma_start3A_91] : memref<80x128xf32, #tpu.memory_space<vmem>> -> memref<64x128xf32, #tpu.memory_space<vmem>>
      %dma_start3A_93 = arith.constant 0 : i32
      %dma_start3A_94 = tpu.memref_slice %arg18[%add3A_41, %dma_start3A_93] : memref<10000x128xf32, #tpu.memory_space<vmem_shared>> -> memref<64x128xf32, #tpu.memory_space<vmem_shared>>
      %dma_start3A_95 = arith.constant 0 : i32
      %dma_start3A_96 = tpu.memref_slice %arg18[%add3A_41, %dma_start3A_95] : memref<10000x128xf32, #tpu.memory_space<vmem_shared>> -> memref<64x128xf32, #tpu.memory_space<vmem_shared>>
      %dma_start3A_97 = arith.constant 0 : i32
      %dma_start3A_98 = arith.constant 0 : i32
      %dma_start3A_99 = tpu.memref_slice %arg14[%dma_start3A_97, %dma_start3A_98] : memref<80x128xf32, #tpu.memory_space<vmem>> -> memref<64x128xf32, #tpu.memory_space<vmem>>
      tpu.enqueue_dma source(%dma_start3A_99 : memref<64x128xf32, #tpu.memory_space<vmem>>) target(%dma_start3A_96 : memref<64x128xf32, #tpu.memory_space<vmem_shared>>) target_semaphore(%run_scoped3A : memref<!tpu.dma_semaphore, #tpu.memory_space<semaphore_mem>>)
      %dma_wait3A_100 = arith.constant 0 : i32
      %dma_wait3A_101 = arith.constant 0 : i32
      %dma_wait3A_102 = tpu.memref_slice %arg14[%dma_wait3A_100, %dma_wait3A_101] : memref<80x128xf32, #tpu.memory_space<vmem>> -> memref<64x128xf32, #tpu.memory_space<vmem>>
      %dma_wait3A_103 = arith.constant 0 : i32
      %dma_wait3A_104 = tpu.memref_slice %arg18[%add3A_41, %dma_wait3A_103] : memref<10000x128xf32, #tpu.memory_space<vmem_shared>> -> memref<64x128xf32, #tpu.memory_space<vmem_shared>>
      %dma_wait3A_105 = arith.constant 0 : i32
      %dma_wait3A_106 = tpu.memref_slice %arg18[%add3A_41, %dma_wait3A_105] : memref<10000x128xf32, #tpu.memory_space<vmem_shared>> -> memref<64x128xf32, #tpu.memory_space<vmem_shared>>
      %dma_wait3A_107 = arith.constant 0 : i32
      %dma_wait3A_108 = arith.constant 0 : i32
      %dma_wait3A_109 = tpu.memref_slice %arg14[%dma_wait3A_107, %dma_wait3A_108] : memref<80x128xf32, #tpu.memory_space<vmem>> -> memref<64x128xf32, #tpu.memory_space<vmem>>
      tpu.wait_dma2 semaphore(%run_scoped3A : memref<!tpu.dma_semaphore, #tpu.memory_space<semaphore_mem>>) src(%dma_wait3A_109 : memref<64x128xf32, #tpu.memory_space<vmem>>) dst(%dma_wait3A_106 : memref<64x128xf32, #tpu.memory_space<vmem_shared>>)
      tpu.yield
    }) : () -> ()
    %eq3A = arith.constant 15 : i32
    %eq3A_42 = arith.cmpi eq, %arg1, %eq3A : i32
    %convert_element_type3A = arith.extui %eq3A_42 : i1 to i32
    %cond3A = arith.constant 0 : i32
    %cond3A_43 = arith.cmpi ne, %convert_element_type3A, %cond3A : i32
    scf.if %cond3A_43 {
      "tpu.region"() ({
        %run_scoped3A = tpu.sem_alloc : memref<!tpu.dma_semaphore, #tpu.memory_space<semaphore_mem>>
        %dma_start3A_90 = arith.constant 0 : i32
        %dma_start3A_91 = arith.constant 0 : i32
        %dma_start3A_92 = tpu.memref_slice %arg14[%dma_start3A_90, %dma_start3A_91] : memref<80x128xf32, #tpu.memory_space<vmem>> -> memref<16x128xf32, #tpu.memory_space<vmem>>
        %dma_start3A_93 = arith.constant 9984 : i32
        %dma_start3A_94 = arith.constant 0 : i32
        %dma_start3A_95 = tpu.memref_slice %arg18[%dma_start3A_93, %dma_start3A_94] : memref<10000x128xf32, #tpu.memory_space<vmem_shared>> -> memref<16x128xf32, #tpu.memory_space<vmem_shared>>
        %dma_start3A_96 = arith.constant 9984 : i32
        %dma_start3A_97 = arith.constant 0 : i32
        %dma_start3A_98 = tpu.memref_slice %arg18[%dma_start3A_96, %dma_start3A_97] : memref<10000x128xf32, #tpu.memory_space<vmem_shared>> -> memref<16x128xf32, #tpu.memory_space<vmem_shared>>
        %dma_start3A_99 = arith.constant 0 : i32
        %dma_start3A_100 = arith.constant 0 : i32
        %dma_start3A_101 = tpu.memref_slice %arg14[%dma_start3A_99, %dma_start3A_100] : memref<80x128xf32, #tpu.memory_space<vmem>> -> memref<16x128xf32, #tpu.memory_space<vmem>>
        tpu.enqueue_dma source(%dma_start3A_101 : memref<16x128xf32, #tpu.memory_space<vmem>>) target(%dma_start3A_98 : memref<16x128xf32, #tpu.memory_space<vmem_shared>>) target_semaphore(%run_scoped3A : memref<!tpu.dma_semaphore, #tpu.memory_space<semaphore_mem>>)
        %dma_wait3A_102 = arith.constant 0 : i32
        %dma_wait3A_103 = arith.constant 0 : i32
        %dma_wait3A_104 = tpu.memref_slice %arg14[%dma_wait3A_102, %dma_wait3A_103] : memref<80x128xf32, #tpu.memory_space<vmem>> -> memref<16x128xf32, #tpu.memory_space<vmem>>
        %dma_wait3A_105 = arith.constant 9984 : i32
        %dma_wait3A_106 = arith.constant 0 : i32
        %dma_wait3A_107 = tpu.memref_slice %arg18[%dma_wait3A_105, %dma_wait3A_106] : memref<10000x128xf32, #tpu.memory_space<vmem_shared>> -> memref<16x128xf32, #tpu.memory_space<vmem_shared>>
        %dma_wait3A_108 = arith.constant 9984 : i32
        %dma_wait3A_109 = arith.constant 0 : i32
        %dma_wait3A_110 = tpu.memref_slice %arg18[%dma_wait3A_108, %dma_wait3A_109] : memref<10000x128xf32, #tpu.memory_space<vmem_shared>> -> memref<16x128xf32, #tpu.memory_space<vmem_shared>>
        %dma_wait3A_111 = arith.constant 0 : i32
        %dma_wait3A_112 = arith.constant 0 : i32
        %dma_wait3A_113 = tpu.memref_slice %arg14[%dma_wait3A_111, %dma_wait3A_112] : memref<80x128xf32, #tpu.memory_space<vmem>> -> memref<16x128xf32, #tpu.memory_space<vmem>>
        tpu.wait_dma2 semaphore(%run_scoped3A : memref<!tpu.dma_semaphore, #tpu.memory_space<semaphore_mem>>) src(%dma_wait3A_113 : memref<16x128xf32, #tpu.memory_space<vmem>>) dst(%dma_wait3A_110 : memref<16x128xf32, #tpu.memory_space<vmem_shared>>)
        tpu.yield
      }) : () -> ()
    } else {
    }
    %barrier3A = arith.constant 0 : index
    tpu.barrier barrier_id(%barrier3A)
    %add3A_44 = arith.constant 0 : i32
    %add3A_45 = arith.addi %mul3A_2, %add3A_44 : i32
    "tpu.region"() ({
      %run_scoped3A = tpu.sem_alloc : memref<!tpu.dma_semaphore, #tpu.memory_space<semaphore_mem>>
      %dma_start3A_90 = tpu.memref_slice %arg3[%add3A_45] : memref<320000xi32, #tpu.memory_space<hbm>> -> memref<80xi32, #tpu.memory_space<hbm>>
      %dma_start3A_91 = tpu.memref_slice %arg3[%add3A_45] : memref<320000xi32, #tpu.memory_space<hbm>> -> memref<80xi32, #tpu.memory_space<hbm>>
      tpu.enqueue_dma source(%dma_start3A_91 : memref<80xi32, #tpu.memory_space<hbm>>) target(%arg6 : memref<80xi32, #tpu.memory_space<vmem>>) target_semaphore(%run_scoped3A : memref<!tpu.dma_semaphore, #tpu.memory_space<semaphore_mem>>)
      %dma_wait3A_92 = tpu.memref_slice %arg3[%add3A_45] : memref<320000xi32, #tpu.memory_space<hbm>> -> memref<80xi32, #tpu.memory_space<hbm>>
      %dma_wait3A_93 = tpu.memref_slice %arg3[%add3A_45] : memref<320000xi32, #tpu.memory_space<hbm>> -> memref<80xi32, #tpu.memory_space<hbm>>
      tpu.wait_dma2 semaphore(%run_scoped3A : memref<!tpu.dma_semaphore, #tpu.memory_space<semaphore_mem>>) src(%dma_wait3A_93 : memref<80xi32, #tpu.memory_space<hbm>>) dst(%arg6 : memref<80xi32, #tpu.memory_space<vmem>>)
      tpu.yield
    }) : () -> ()
    %add3A_46 = arith.constant 0 : i32
    %add3A_47 = arith.addi %mul3A_2, %add3A_46 : i32
    "tpu.region"() ({
      %run_scoped3A = tpu.sem_alloc : memref<!tpu.dma_semaphore, #tpu.memory_space<semaphore_mem>>
      %dma_start3A_90 = tpu.memref_slice %arg4[%add3A_47] : memref<320000xi32, #tpu.memory_space<hbm>> -> memref<80xi32, #tpu.memory_space<hbm>>
      %dma_start3A_91 = tpu.memref_slice %arg4[%add3A_47] : memref<320000xi32, #tpu.memory_space<hbm>> -> memref<80xi32, #tpu.memory_space<hbm>>
      tpu.enqueue_dma source(%dma_start3A_91 : memref<80xi32, #tpu.memory_space<hbm>>) target(%arg10 : memref<80xi32, #tpu.memory_space<vmem>>) target_semaphore(%run_scoped3A : memref<!tpu.dma_semaphore, #tpu.memory_space<semaphore_mem>>)
      %dma_wait3A_92 = tpu.memref_slice %arg4[%add3A_47] : memref<320000xi32, #tpu.memory_space<hbm>> -> memref<80xi32, #tpu.memory_space<hbm>>
      %dma_wait3A_93 = tpu.memref_slice %arg4[%add3A_47] : memref<320000xi32, #tpu.memory_space<hbm>> -> memref<80xi32, #tpu.memory_space<hbm>>
      tpu.wait_dma2 semaphore(%run_scoped3A : memref<!tpu.dma_semaphore, #tpu.memory_space<semaphore_mem>>) src(%dma_wait3A_93 : memref<80xi32, #tpu.memory_space<hbm>>) dst(%arg10 : memref<80xi32, #tpu.memory_space<vmem>>)
      tpu.yield
    }) : () -> ()
    %dma_start3A = arith.constant 0 : i32
    %dma_start3A_48 = arith.constant 0 : i32
    %dma_start3A_49 = tpu.memref_slice %arg2[%dma_start3A, %dma_start3A_48] : memref<10000x128xf32, #tpu.memory_space<hbm>> -> memref<10000x128xf32, #tpu.memory_space<hbm>>
    tpu.enqueue_indirect_dma source(%dma_start3A_49 : memref<10000x128xf32, #tpu.memory_space<hbm>>) target(%arg14 : memref<80x128xf32, #tpu.memory_space<vmem>>) offsets(%arg6 : memref<80xi32, #tpu.memory_space<vmem>>) semaphore(%arg19 : memref<!tpu.dma_semaphore, #tpu.memory_space<semaphore_mem>>)
    %add3A_50 = arith.constant 80 : i32
    %add3A_51 = arith.addi %mul3A_2, %add3A_50 : i32
    "tpu.region"() ({
      %run_scoped3A = tpu.sem_alloc : memref<!tpu.dma_semaphore, #tpu.memory_space<semaphore_mem>>
      %dma_start3A_90 = tpu.memref_slice %arg3[%add3A_51] : memref<320000xi32, #tpu.memory_space<hbm>> -> memref<80xi32, #tpu.memory_space<hbm>>
      %dma_start3A_91 = tpu.memref_slice %arg3[%add3A_51] : memref<320000xi32, #tpu.memory_space<hbm>> -> memref<80xi32, #tpu.memory_space<hbm>>
      tpu.enqueue_dma source(%dma_start3A_91 : memref<80xi32, #tpu.memory_space<hbm>>) target(%arg7 : memref<80xi32, #tpu.memory_space<vmem>>) target_semaphore(%run_scoped3A : memref<!tpu.dma_semaphore, #tpu.memory_space<semaphore_mem>>)
      %dma_wait3A_92 = tpu.memref_slice %arg3[%add3A_51] : memref<320000xi32, #tpu.memory_space<hbm>> -> memref<80xi32, #tpu.memory_space<hbm>>
      %dma_wait3A_93 = tpu.memref_slice %arg3[%add3A_51] : memref<320000xi32, #tpu.memory_space<hbm>> -> memref<80xi32, #tpu.memory_space<hbm>>
      tpu.wait_dma2 semaphore(%run_scoped3A : memref<!tpu.dma_semaphore, #tpu.memory_space<semaphore_mem>>) src(%dma_wait3A_93 : memref<80xi32, #tpu.memory_space<hbm>>) dst(%arg7 : memref<80xi32, #tpu.memory_space<vmem>>)
      tpu.yield
    }) : () -> ()
    %add3A_52 = arith.constant 80 : i32
    %add3A_53 = arith.addi %mul3A_2, %add3A_52 : i32
    "tpu.region"() ({
      %run_scoped3A = tpu.sem_alloc : memref<!tpu.dma_semaphore, #tpu.memory_space<semaphore_mem>>
      %dma_start3A_90 = tpu.memref_slice %arg4[%add3A_53] : memref<320000xi32, #tpu.memory_space<hbm>> -> memref<80xi32, #tpu.memory_space<hbm>>
      %dma_start3A_91 = tpu.memref_slice %arg4[%add3A_53] : memref<320000xi32, #tpu.memory_space<hbm>> -> memref<80xi32, #tpu.memory_space<hbm>>
      tpu.enqueue_dma source(%dma_start3A_91 : memref<80xi32, #tpu.memory_space<hbm>>) target(%arg11 : memref<80xi32, #tpu.memory_space<vmem>>) target_semaphore(%run_scoped3A : memref<!tpu.dma_semaphore, #tpu.memory_space<semaphore_mem>>)
      %dma_wait3A_92 = tpu.memref_slice %arg4[%add3A_53] : memref<320000xi32, #tpu.memory_space<hbm>> -> memref<80xi32, #tpu.memory_space<hbm>>
      %dma_wait3A_93 = tpu.memref_slice %arg4[%add3A_53] : memref<320000xi32, #tpu.memory_space<hbm>> -> memref<80xi32, #tpu.memory_space<hbm>>
      tpu.wait_dma2 semaphore(%run_scoped3A : memref<!tpu.dma_semaphore, #tpu.memory_space<semaphore_mem>>) src(%dma_wait3A_93 : memref<80xi32, #tpu.memory_space<hbm>>) dst(%arg11 : memref<80xi32, #tpu.memory_space<vmem>>)
      tpu.yield
    }) : () -> ()
    %dma_start3A_54 = arith.constant 0 : i32
    %dma_start3A_55 = arith.constant 0 : i32
    %dma_start3A_56 = tpu.memref_slice %arg2[%dma_start3A_54, %dma_start3A_55] : memref<10000x128xf32, #tpu.memory_space<hbm>> -> memref<10000x128xf32, #tpu.memory_space<hbm>>
    tpu.enqueue_indirect_dma source(%dma_start3A_56 : memref<10000x128xf32, #tpu.memory_space<hbm>>) target(%arg15 : memref<80x128xf32, #tpu.memory_space<vmem>>) offsets(%arg7 : memref<80xi32, #tpu.memory_space<vmem>>) semaphore(%arg20 : memref<!tpu.dma_semaphore, #tpu.memory_space<semaphore_mem>>)
    %add3A_57 = arith.constant 160 : i32
    %add3A_58 = arith.addi %mul3A_2, %add3A_57 : i32
    "tpu.region"() ({
      %run_scoped3A = tpu.sem_alloc : memref<!tpu.dma_semaphore, #tpu.memory_space<semaphore_mem>>
      %dma_start3A_90 = tpu.memref_slice %arg3[%add3A_58] : memref<320000xi32, #tpu.memory_space<hbm>> -> memref<80xi32, #tpu.memory_space<hbm>>
      %dma_start3A_91 = tpu.memref_slice %arg3[%add3A_58] : memref<320000xi32, #tpu.memory_space<hbm>> -> memref<80xi32, #tpu.memory_space<hbm>>
      tpu.enqueue_dma source(%dma_start3A_91 : memref<80xi32, #tpu.memory_space<hbm>>) target(%arg8 : memref<80xi32, #tpu.memory_space<vmem>>) target_semaphore(%run_scoped3A : memref<!tpu.dma_semaphore, #tpu.memory_space<semaphore_mem>>)
      %dma_wait3A_92 = tpu.memref_slice %arg3[%add3A_58] : memref<320000xi32, #tpu.memory_space<hbm>> -> memref<80xi32, #tpu.memory_space<hbm>>
      %dma_wait3A_93 = tpu.memref_slice %arg3[%add3A_58] : memref<320000xi32, #tpu.memory_space<hbm>> -> memref<80xi32, #tpu.memory_space<hbm>>
      tpu.wait_dma2 semaphore(%run_scoped3A : memref<!tpu.dma_semaphore, #tpu.memory_space<semaphore_mem>>) src(%dma_wait3A_93 : memref<80xi32, #tpu.memory_space<hbm>>) dst(%arg8 : memref<80xi32, #tpu.memory_space<vmem>>)
      tpu.yield
    }) : () -> ()
    %add3A_59 = arith.constant 160 : i32
    %add3A_60 = arith.addi %mul3A_2, %add3A_59 : i32
    "tpu.region"() ({
      %run_scoped3A = tpu.sem_alloc : memref<!tpu.dma_semaphore, #tpu.memory_space<semaphore_mem>>
      %dma_start3A_90 = tpu.memref_slice %arg4[%add3A_60] : memref<320000xi32, #tpu.memory_space<hbm>> -> memref<80xi32, #tpu.memory_space<hbm>>
      %dma_start3A_91 = tpu.memref_slice %arg4[%add3A_60] : memref<320000xi32, #tpu.memory_space<hbm>> -> memref<80xi32, #tpu.memory_space<hbm>>
      tpu.enqueue_dma source(%dma_start3A_91 : memref<80xi32, #tpu.memory_space<hbm>>) target(%arg12 : memref<80xi32, #tpu.memory_space<vmem>>) target_semaphore(%run_scoped3A : memref<!tpu.dma_semaphore, #tpu.memory_space<semaphore_mem>>)
      %dma_wait3A_92 = tpu.memref_slice %arg4[%add3A_60] : memref<320000xi32, #tpu.memory_space<hbm>> -> memref<80xi32, #tpu.memory_space<hbm>>
      %dma_wait3A_93 = tpu.memref_slice %arg4[%add3A_60] : memref<320000xi32, #tpu.memory_space<hbm>> -> memref<80xi32, #tpu.memory_space<hbm>>
      tpu.wait_dma2 semaphore(%run_scoped3A : memref<!tpu.dma_semaphore, #tpu.memory_space<semaphore_mem>>) src(%dma_wait3A_93 : memref<80xi32, #tpu.memory_space<hbm>>) dst(%arg12 : memref<80xi32, #tpu.memory_space<vmem>>)
      tpu.yield
    }) : () -> ()
    %dma_start3A_61 = arith.constant 0 : i32
    %dma_start3A_62 = arith.constant 0 : i32
    %dma_start3A_63 = tpu.memref_slice %arg2[%dma_start3A_61, %dma_start3A_62] : memref<10000x128xf32, #tpu.memory_space<hbm>> -> memref<10000x128xf32, #tpu.memory_space<hbm>>
    tpu.enqueue_indirect_dma source(%dma_start3A_63 : memref<10000x128xf32, #tpu.memory_space<hbm>>) target(%arg16 : memref<80x128xf32, #tpu.memory_space<vmem>>) offsets(%arg8 : memref<80xi32, #tpu.memory_space<vmem>>) semaphore(%arg21 : memref<!tpu.dma_semaphore, #tpu.memory_space<semaphore_mem>>)
    %add3A_64 = arith.constant 240 : i32
    %add3A_65 = arith.addi %mul3A_2, %add3A_64 : i32
    "tpu.region"() ({
      %run_scoped3A = tpu.sem_alloc : memref<!tpu.dma_semaphore, #tpu.memory_space<semaphore_mem>>
      %dma_start3A_90 = tpu.memref_slice %arg3[%add3A_65] : memref<320000xi32, #tpu.memory_space<hbm>> -> memref<80xi32, #tpu.memory_space<hbm>>
      %dma_start3A_91 = tpu.memref_slice %arg3[%add3A_65] : memref<320000xi32, #tpu.memory_space<hbm>> -> memref<80xi32, #tpu.memory_space<hbm>>
      tpu.enqueue_dma source(%dma_start3A_91 : memref<80xi32, #tpu.memory_space<hbm>>) target(%arg9 : memref<80xi32, #tpu.memory_space<vmem>>) target_semaphore(%run_scoped3A : memref<!tpu.dma_semaphore, #tpu.memory_space<semaphore_mem>>)
      %dma_wait3A_92 = tpu.memref_slice %arg3[%add3A_65] : memref<320000xi32, #tpu.memory_space<hbm>> -> memref<80xi32, #tpu.memory_space<hbm>>
      %dma_wait3A_93 = tpu.memref_slice %arg3[%add3A_65] : memref<320000xi32, #tpu.memory_space<hbm>> -> memref<80xi32, #tpu.memory_space<hbm>>
      tpu.wait_dma2 semaphore(%run_scoped3A : memref<!tpu.dma_semaphore, #tpu.memory_space<semaphore_mem>>) src(%dma_wait3A_93 : memref<80xi32, #tpu.memory_space<hbm>>) dst(%arg9 : memref<80xi32, #tpu.memory_space<vmem>>)
      tpu.yield
    }) : () -> ()
    %add3A_66 = arith.constant 240 : i32
    %add3A_67 = arith.addi %mul3A_2, %add3A_66 : i32
    "tpu.region"() ({
      %run_scoped3A = tpu.sem_alloc : memref<!tpu.dma_semaphore, #tpu.memory_space<semaphore_mem>>
      %dma_start3A_90 = tpu.memref_slice %arg4[%add3A_67] : memref<320000xi32, #tpu.memory_space<hbm>> -> memref<80xi32, #tpu.memory_space<hbm>>
      %dma_start3A_91 = tpu.memref_slice %arg4[%add3A_67] : memref<320000xi32, #tpu.memory_space<hbm>> -> memref<80xi32, #tpu.memory_space<hbm>>
      tpu.enqueue_dma source(%dma_start3A_91 : memref<80xi32, #tpu.memory_space<hbm>>) target(%arg13 : memref<80xi32, #tpu.memory_space<vmem>>) target_semaphore(%run_scoped3A : memref<!tpu.dma_semaphore, #tpu.memory_space<semaphore_mem>>)
      %dma_wait3A_92 = tpu.memref_slice %arg4[%add3A_67] : memref<320000xi32, #tpu.memory_space<hbm>> -> memref<80xi32, #tpu.memory_space<hbm>>
      %dma_wait3A_93 = tpu.memref_slice %arg4[%add3A_67] : memref<320000xi32, #tpu.memory_space<hbm>> -> memref<80xi32, #tpu.memory_space<hbm>>
      tpu.wait_dma2 semaphore(%run_scoped3A : memref<!tpu.dma_semaphore, #tpu.memory_space<semaphore_mem>>) src(%dma_wait3A_93 : memref<80xi32, #tpu.memory_space<hbm>>) dst(%arg13 : memref<80xi32, #tpu.memory_space<vmem>>)
      tpu.yield
    }) : () -> ()
    %dma_start3A_68 = arith.constant 0 : i32
    %dma_start3A_69 = arith.constant 0 : i32
    %dma_start3A_70 = tpu.memref_slice %arg2[%dma_start3A_68, %dma_start3A_69] : memref<10000x128xf32, #tpu.memory_space<hbm>> -> memref<10000x128xf32, #tpu.memory_space<hbm>>
    tpu.enqueue_indirect_dma source(%dma_start3A_70 : memref<10000x128xf32, #tpu.memory_space<hbm>>) target(%arg17 : memref<80x128xf32, #tpu.memory_space<vmem>>) offsets(%arg9 : memref<80xi32, #tpu.memory_space<vmem>>) semaphore(%arg22 : memref<!tpu.dma_semaphore, #tpu.memory_space<semaphore_mem>>)
    %scan3A_71 = arith.constant 0 : i32
    %scan3A_72 = arith.constant 0 : i32
    %scan3A_73 = arith.constant 31 : i32
    %scan3A_74 = arith.addi %scan3A_72, %scan3A_73 : i32
    %scan3A_75 = arith.constant 1 : i32
    %scan3A_76 = scf.for %scan3A_90 = %scan3A_72 to %scan3A_74 step %scan3A_75 iter_args(%scan3A_91 = %scan3A_71) -> (i32)  : i32 {
      %dma_wait3A_92 = arith.constant 0 : i32
      %dma_wait3A_93 = arith.constant 0 : i32
      %dma_wait3A_94 = tpu.memref_slice %arg2[%dma_wait3A_92, %dma_wait3A_93] : memref<10000x128xf32, #tpu.memory_space<hbm>> -> memref<10000x128xf32, #tpu.memory_space<hbm>>
      tpu.wait_indirect_dma semaphore(%arg19 : memref<!tpu.dma_semaphore, #tpu.memory_space<semaphore_mem>>) src(%dma_wait3A_94 : memref<10000x128xf32, #tpu.memory_space<hbm>>) dst(%arg14 : memref<80x128xf32, #tpu.memory_space<vmem>>)
      %dma_start3A_95 = arith.constant 0 : i32
      %dma_start3A_96 = arith.constant 0 : i32
      %dma_start3A_97 = tpu.memref_slice %arg18[%dma_start3A_95, %dma_start3A_96] : memref<10000x128xf32, #tpu.memory_space<vmem_shared>> -> memref<10000x128xf32, #tpu.memory_space<vmem_shared>>
      tpu.enqueue_indirect_dma source(%arg14 : memref<80x128xf32, #tpu.memory_space<vmem>>) target(%dma_start3A_97 : memref<10000x128xf32, #tpu.memory_space<vmem_shared>>) offsets(%arg10 : memref<80xi32, #tpu.memory_space<vmem>>) semaphore(%arg23 : memref<!tpu.dma_semaphore, #tpu.memory_space<semaphore_mem>>) {add = true}
      %dma_wait3A_98 = arith.constant 0 : i32
      %dma_wait3A_99 = arith.constant 0 : i32
      %dma_wait3A_100 = tpu.memref_slice %arg2[%dma_wait3A_98, %dma_wait3A_99] : memref<10000x128xf32, #tpu.memory_space<hbm>> -> memref<10000x128xf32, #tpu.memory_space<hbm>>
      tpu.wait_indirect_dma semaphore(%arg20 : memref<!tpu.dma_semaphore, #tpu.memory_space<semaphore_mem>>) src(%dma_wait3A_100 : memref<10000x128xf32, #tpu.memory_space<hbm>>) dst(%arg15 : memref<80x128xf32, #tpu.memory_space<vmem>>)
      %dma_start3A_101 = arith.constant 0 : i32
      %dma_start3A_102 = arith.constant 0 : i32
      %dma_start3A_103 = tpu.memref_slice %arg18[%dma_start3A_101, %dma_start3A_102] : memref<10000x128xf32, #tpu.memory_space<vmem_shared>> -> memref<10000x128xf32, #tpu.memory_space<vmem_shared>>
      tpu.enqueue_indirect_dma source(%arg15 : memref<80x128xf32, #tpu.memory_space<vmem>>) target(%dma_start3A_103 : memref<10000x128xf32, #tpu.memory_space<vmem_shared>>) offsets(%arg11 : memref<80xi32, #tpu.memory_space<vmem>>) semaphore(%arg24 : memref<!tpu.dma_semaphore, #tpu.memory_space<semaphore_mem>>) {add = true}
      %dma_wait3A_104 = arith.constant 0 : i32
      %dma_wait3A_105 = arith.constant 0 : i32
      %dma_wait3A_106 = tpu.memref_slice %arg2[%dma_wait3A_104, %dma_wait3A_105] : memref<10000x128xf32, #tpu.memory_space<hbm>> -> memref<10000x128xf32, #tpu.memory_space<hbm>>
      tpu.wait_indirect_dma semaphore(%arg21 : memref<!tpu.dma_semaphore, #tpu.memory_space<semaphore_mem>>) src(%dma_wait3A_106 : memref<10000x128xf32, #tpu.memory_space<hbm>>) dst(%arg16 : memref<80x128xf32, #tpu.memory_space<vmem>>)
      %dma_start3A_107 = arith.constant 0 : i32
      %dma_start3A_108 = arith.constant 0 : i32
      %dma_start3A_109 = tpu.memref_slice %arg18[%dma_start3A_107, %dma_start3A_108] : memref<10000x128xf32, #tpu.memory_space<vmem_shared>> -> memref<10000x128xf32, #tpu.memory_space<vmem_shared>>
      tpu.enqueue_indirect_dma source(%arg16 : memref<80x128xf32, #tpu.memory_space<vmem>>) target(%dma_start3A_109 : memref<10000x128xf32, #tpu.memory_space<vmem_shared>>) offsets(%arg12 : memref<80xi32, #tpu.memory_space<vmem>>) semaphore(%arg25 : memref<!tpu.dma_semaphore, #tpu.memory_space<semaphore_mem>>) {add = true}
      %dma_wait3A_110 = arith.constant 0 : i32
      %dma_wait3A_111 = arith.constant 0 : i32
      %dma_wait3A_112 = tpu.memref_slice %arg2[%dma_wait3A_110, %dma_wait3A_111] : memref<10000x128xf32, #tpu.memory_space<hbm>> -> memref<10000x128xf32, #tpu.memory_space<hbm>>
      tpu.wait_indirect_dma semaphore(%arg22 : memref<!tpu.dma_semaphore, #tpu.memory_space<semaphore_mem>>) src(%dma_wait3A_112 : memref<10000x128xf32, #tpu.memory_space<hbm>>) dst(%arg17 : memref<80x128xf32, #tpu.memory_space<vmem>>)
      %dma_start3A_113 = arith.constant 0 : i32
      %dma_start3A_114 = arith.constant 0 : i32
      %dma_start3A_115 = tpu.memref_slice %arg18[%dma_start3A_113, %dma_start3A_114] : memref<10000x128xf32, #tpu.memory_space<vmem_shared>> -> memref<10000x128xf32, #tpu.memory_space<vmem_shared>>
      tpu.enqueue_indirect_dma source(%arg17 : memref<80x128xf32, #tpu.memory_space<vmem>>) target(%dma_start3A_115 : memref<10000x128xf32, #tpu.memory_space<vmem_shared>>) offsets(%arg13 : memref<80xi32, #tpu.memory_space<vmem>>) semaphore(%arg26 : memref<!tpu.dma_semaphore, #tpu.memory_space<semaphore_mem>>) {add = true}
      %dma_wait3A_116 = arith.constant 0 : i32
      %dma_wait3A_117 = arith.constant 0 : i32
      %dma_wait3A_118 = tpu.memref_slice %arg18[%dma_wait3A_116, %dma_wait3A_117] : memref<10000x128xf32, #tpu.memory_space<vmem_shared>> -> memref<10000x128xf32, #tpu.memory_space<vmem_shared>>
      tpu.wait_indirect_dma semaphore(%arg23 : memref<!tpu.dma_semaphore, #tpu.memory_space<semaphore_mem>>) src(%arg14 : memref<80x128xf32, #tpu.memory_space<vmem>>) dst(%dma_wait3A_118 : memref<10000x128xf32, #tpu.memory_space<vmem_shared>>)
      %mul3A_119 = arith.constant 4 : i32
      %mul3A_120 = arith.muli %mul3A_119, %scan3A_90 : i32
      %add3A_121 = arith.constant 4 : i32
      %add3A_122 = arith.addi %mul3A_120, %add3A_121 : i32
      %add3A_123 = arith.constant 0 : i32
      %add3A_124 = arith.addi %add3A_122, %add3A_123 : i32
      %mul3A_125 = arith.constant 80 : i32
      %mul3A_126 = arith.muli %add3A_124, %mul3A_125 : i32
      %add3A_127 = arith.addi %mul3A_2, %mul3A_126 : i32
      "tpu.region"() ({
        %run_scoped3A = tpu.sem_alloc : memref<!tpu.dma_semaphore, #tpu.memory_space<semaphore_mem>>
        %dma_start3A_182 = tpu.memref_slice %arg3[%add3A_127] : memref<320000xi32, #tpu.memory_space<hbm>> -> memref<80xi32, #tpu.memory_space<hbm>>
        %dma_start3A_183 = tpu.memref_slice %arg3[%add3A_127] : memref<320000xi32, #tpu.memory_space<hbm>> -> memref<80xi32, #tpu.memory_space<hbm>>
        tpu.enqueue_dma source(%dma_start3A_183 : memref<80xi32, #tpu.memory_space<hbm>>) target(%arg6 : memref<80xi32, #tpu.memory_space<vmem>>) target_semaphore(%run_scoped3A : memref<!tpu.dma_semaphore, #tpu.memory_space<semaphore_mem>>)
        %dma_wait3A_184 = tpu.memref_slice %arg3[%add3A_127] : memref<320000xi32, #tpu.memory_space<hbm>> -> memref<80xi32, #tpu.memory_space<hbm>>
        %dma_wait3A_185 = tpu.memref_slice %arg3[%add3A_127] : memref<320000xi32, #tpu.memory_space<hbm>> -> memref<80xi32, #tpu.memory_space<hbm>>
        tpu.wait_dma2 semaphore(%run_scoped3A : memref<!tpu.dma_semaphore, #tpu.memory_space<semaphore_mem>>) src(%dma_wait3A_185 : memref<80xi32, #tpu.memory_space<hbm>>) dst(%arg6 : memref<80xi32, #tpu.memory_space<vmem>>)
        tpu.yield
      }) : () -> ()
      "tpu.region"() ({
        %run_scoped3A = tpu.sem_alloc : memref<!tpu.dma_semaphore, #tpu.memory_space<semaphore_mem>>
        %dma_start3A_182 = tpu.memref_slice %arg4[%add3A_127] : memref<320000xi32, #tpu.memory_space<hbm>> -> memref<80xi32, #tpu.memory_space<hbm>>
        %dma_start3A_183 = tpu.memref_slice %arg4[%add3A_127] : memref<320000xi32, #tpu.memory_space<hbm>> -> memref<80xi32, #tpu.memory_space<hbm>>
        tpu.enqueue_dma source(%dma_start3A_183 : memref<80xi32, #tpu.memory_space<hbm>>) target(%arg10 : memref<80xi32, #tpu.memory_space<vmem>>) target_semaphore(%run_scoped3A : memref<!tpu.dma_semaphore, #tpu.memory_space<semaphore_mem>>)
        %dma_wait3A_184 = tpu.memref_slice %arg4[%add3A_127] : memref<320000xi32, #tpu.memory_space<hbm>> -> memref<80xi32, #tpu.memory_space<hbm>>
        %dma_wait3A_185 = tpu.memref_slice %arg4[%add3A_127] : memref<320000xi32, #tpu.memory_space<hbm>> -> memref<80xi32, #tpu.memory_space<hbm>>
        tpu.wait_dma2 semaphore(%run_scoped3A : memref<!tpu.dma_semaphore, #tpu.memory_space<semaphore_mem>>) src(%dma_wait3A_185 : memref<80xi32, #tpu.memory_space<hbm>>) dst(%arg10 : memref<80xi32, #tpu.memory_space<vmem>>)
        tpu.yield
      }) : () -> ()
      %dma_start3A_128 = arith.constant 0 : i32
      %dma_start3A_129 = arith.constant 0 : i32
      %dma_start3A_130 = tpu.memref_slice %arg2[%dma_start3A_128, %dma_start3A_129] : memref<10000x128xf32, #tpu.memory_space<hbm>> -> memref<10000x128xf32, #tpu.memory_space<hbm>>
      tpu.enqueue_indirect_dma source(%dma_start3A_130 : memref<10000x128xf32, #tpu.memory_space<hbm>>) target(%arg14 : memref<80x128xf32, #tpu.memory_space<vmem>>) offsets(%arg6 : memref<80xi32, #tpu.memory_space<vmem>>) semaphore(%arg19 : memref<!tpu.dma_semaphore, #tpu.memory_space<semaphore_mem>>)
      %dma_wait3A_131 = arith.constant 0 : i32
      %dma_wait3A_132 = arith.constant 0 : i32
      %dma_wait3A_133 = tpu.memref_slice %arg18[%dma_wait3A_131, %dma_wait3A_132] : memref<10000x128xf32, #tpu.memory_space<vmem_shared>> -> memref<10000x128xf32, #tpu.memory_space<vmem_shared>>
      tpu.wait_indirect_dma semaphore(%arg24 : memref<!tpu.dma_semaphore, #tpu.memory_space<semaphore_mem>>) src(%arg15 : memref<80x128xf32, #tpu.memory_space<vmem>>) dst(%dma_wait3A_133 : memref<10000x128xf32, #tpu.memory_space<vmem_shared>>)
      %mul3A_134 = arith.constant 4 : i32
      %mul3A_135 = arith.muli %mul3A_134, %scan3A_90 : i32
      %add3A_136 = arith.constant 4 : i32
      %add3A_137 = arith.addi %mul3A_135, %add3A_136 : i32
      %add3A_138 = arith.constant 1 : i32
      %add3A_139 = arith.addi %add3A_137, %add3A_138 : i32
      %mul3A_140 = arith.constant 80 : i32
      %mul3A_141 = arith.muli %add3A_139, %mul3A_140 : i32
      %add3A_142 = arith.addi %mul3A_2, %mul3A_141 : i32
      %lt3A = arith.constant 30 : i32
      %lt3A_143 = arith.cmpi slt, %scan3A_90, %lt3A : i32
      %convert_element_type3A_144 = arith.extui %lt3A_143 : i1 to i32
      %cond3A_145 = arith.constant 0 : i32
      %cond3A_146 = arith.cmpi ne, %convert_element_type3A_144, %cond3A_145 : i32
      scf.if %cond3A_146 {
        "tpu.region"() ({
          %run_scoped3A = tpu.sem_alloc : memref<!tpu.dma_semaphore, #tpu.memory_space<semaphore_mem>>
          %dma_start3A_185 = tpu.memref_slice %arg3[%add3A_142] : memref<320000xi32, #tpu.memory_space<hbm>> -> memref<80xi32, #tpu.memory_space<hbm>>
          %dma_start3A_186 = tpu.memref_slice %arg3[%add3A_142] : memref<320000xi32, #tpu.memory_space<hbm>> -> memref<80xi32, #tpu.memory_space<hbm>>
          tpu.enqueue_dma source(%dma_start3A_186 : memref<80xi32, #tpu.memory_space<hbm>>) target(%arg7 : memref<80xi32, #tpu.memory_space<vmem>>) target_semaphore(%run_scoped3A : memref<!tpu.dma_semaphore, #tpu.memory_space<semaphore_mem>>)
          %dma_wait3A_187 = tpu.memref_slice %arg3[%add3A_142] : memref<320000xi32, #tpu.memory_space<hbm>> -> memref<80xi32, #tpu.memory_space<hbm>>
          %dma_wait3A_188 = tpu.memref_slice %arg3[%add3A_142] : memref<320000xi32, #tpu.memory_space<hbm>> -> memref<80xi32, #tpu.memory_space<hbm>>
          tpu.wait_dma2 semaphore(%run_scoped3A : memref<!tpu.dma_semaphore, #tpu.memory_space<semaphore_mem>>) src(%dma_wait3A_188 : memref<80xi32, #tpu.memory_space<hbm>>) dst(%arg7 : memref<80xi32, #tpu.memory_space<vmem>>)
          tpu.yield
        }) : () -> ()
        "tpu.region"() ({
          %run_scoped3A = tpu.sem_alloc : memref<!tpu.dma_semaphore, #tpu.memory_space<semaphore_mem>>
          %dma_start3A_185 = tpu.memref_slice %arg4[%add3A_142] : memref<320000xi32, #tpu.memory_space<hbm>> -> memref<80xi32, #tpu.memory_space<hbm>>
          %dma_start3A_186 = tpu.memref_slice %arg4[%add3A_142] : memref<320000xi32, #tpu.memory_space<hbm>> -> memref<80xi32, #tpu.memory_space<hbm>>
          tpu.enqueue_dma source(%dma_start3A_186 : memref<80xi32, #tpu.memory_space<hbm>>) target(%arg11 : memref<80xi32, #tpu.memory_space<vmem>>) target_semaphore(%run_scoped3A : memref<!tpu.dma_semaphore, #tpu.memory_space<semaphore_mem>>)
          %dma_wait3A_187 = tpu.memref_slice %arg4[%add3A_142] : memref<320000xi32, #tpu.memory_space<hbm>> -> memref<80xi32, #tpu.memory_space<hbm>>
          %dma_wait3A_188 = tpu.memref_slice %arg4[%add3A_142] : memref<320000xi32, #tpu.memory_space<hbm>> -> memref<80xi32, #tpu.memory_space<hbm>>
          tpu.wait_dma2 semaphore(%run_scoped3A : memref<!tpu.dma_semaphore, #tpu.memory_space<semaphore_mem>>) src(%dma_wait3A_188 : memref<80xi32, #tpu.memory_space<hbm>>) dst(%arg11 : memref<80xi32, #tpu.memory_space<vmem>>)
          tpu.yield
        }) : () -> ()
        %dma_start3A_182 = arith.constant 0 : i32
        %dma_start3A_183 = arith.constant 0 : i32
        %dma_start3A_184 = tpu.memref_slice %arg2[%dma_start3A_182, %dma_start3A_183] : memref<10000x128xf32, #tpu.memory_space<hbm>> -> memref<10000x128xf32, #tpu.memory_space<hbm>>
        tpu.enqueue_indirect_dma source(%dma_start3A_184 : memref<10000x128xf32, #tpu.memory_space<hbm>>) target(%arg15 : memref<80x128xf32, #tpu.memory_space<vmem>>) offsets(%arg7 : memref<80xi32, #tpu.memory_space<vmem>>) semaphore(%arg20 : memref<!tpu.dma_semaphore, #tpu.memory_space<semaphore_mem>>)
      } else {
      }
      %dma_wait3A_147 = arith.constant 0 : i32
      %dma_wait3A_148 = arith.constant 0 : i32
      %dma_wait3A_149 = tpu.memref_slice %arg18[%dma_wait3A_147, %dma_wait3A_148] : memref<10000x128xf32, #tpu.memory_space<vmem_shared>> -> memref<10000x128xf32, #tpu.memory_space<vmem_shared>>
      tpu.wait_indirect_dma semaphore(%arg25 : memref<!tpu.dma_semaphore, #tpu.memory_space<semaphore_mem>>) src(%arg16 : memref<80x128xf32, #tpu.memory_space<vmem>>) dst(%dma_wait3A_149 : memref<10000x128xf32, #tpu.memory_space<vmem_shared>>)
      %mul3A_150 = arith.constant 4 : i32
      %mul3A_151 = arith.muli %mul3A_150, %scan3A_90 : i32
      %add3A_152 = arith.constant 4 : i32
      %add3A_153 = arith.addi %mul3A_151, %add3A_152 : i32
      %add3A_154 = arith.constant 2 : i32
      %add3A_155 = arith.addi %add3A_153, %add3A_154 : i32
      %mul3A_156 = arith.constant 80 : i32
      %mul3A_157 = arith.muli %add3A_155, %mul3A_156 : i32
      %add3A_158 = arith.addi %mul3A_2, %mul3A_157 : i32
      %lt3A_159 = arith.constant 30 : i32
      %lt3A_160 = arith.cmpi slt, %scan3A_90, %lt3A_159 : i32
      %convert_element_type3A_161 = arith.extui %lt3A_160 : i1 to i32
      %cond3A_162 = arith.constant 0 : i32
      %cond3A_163 = arith.cmpi ne, %convert_element_type3A_161, %cond3A_162 : i32
      scf.if %cond3A_163 {
        "tpu.region"() ({
          %run_scoped3A = tpu.sem_alloc : memref<!tpu.dma_semaphore, #tpu.memory_space<semaphore_mem>>
          %dma_start3A_185 = tpu.memref_slice %arg3[%add3A_158] : memref<320000xi32, #tpu.memory_space<hbm>> -> memref<80xi32, #tpu.memory_space<hbm>>
          %dma_start3A_186 = tpu.memref_slice %arg3[%add3A_158] : memref<320000xi32, #tpu.memory_space<hbm>> -> memref<80xi32, #tpu.memory_space<hbm>>
          tpu.enqueue_dma source(%dma_start3A_186 : memref<80xi32, #tpu.memory_space<hbm>>) target(%arg8 : memref<80xi32, #tpu.memory_space<vmem>>) target_semaphore(%run_scoped3A : memref<!tpu.dma_semaphore, #tpu.memory_space<semaphore_mem>>)
          %dma_wait3A_187 = tpu.memref_slice %arg3[%add3A_158] : memref<320000xi32, #tpu.memory_space<hbm>> -> memref<80xi32, #tpu.memory_space<hbm>>
          %dma_wait3A_188 = tpu.memref_slice %arg3[%add3A_158] : memref<320000xi32, #tpu.memory_space<hbm>> -> memref<80xi32, #tpu.memory_space<hbm>>
          tpu.wait_dma2 semaphore(%run_scoped3A : memref<!tpu.dma_semaphore, #tpu.memory_space<semaphore_mem>>) src(%dma_wait3A_188 : memref<80xi32, #tpu.memory_space<hbm>>) dst(%arg8 : memref<80xi32, #tpu.memory_space<vmem>>)
          tpu.yield
        }) : () -> ()
        "tpu.region"() ({
          %run_scoped3A = tpu.sem_alloc : memref<!tpu.dma_semaphore, #tpu.memory_space<semaphore_mem>>
          %dma_start3A_185 = tpu.memref_slice %arg4[%add3A_158] : memref<320000xi32, #tpu.memory_space<hbm>> -> memref<80xi32, #tpu.memory_space<hbm>>
          %dma_start3A_186 = tpu.memref_slice %arg4[%add3A_158] : memref<320000xi32, #tpu.memory_space<hbm>> -> memref<80xi32, #tpu.memory_space<hbm>>
          tpu.enqueue_dma source(%dma_start3A_186 : memref<80xi32, #tpu.memory_space<hbm>>) target(%arg12 : memref<80xi32, #tpu.memory_space<vmem>>) target_semaphore(%run_scoped3A : memref<!tpu.dma_semaphore, #tpu.memory_space<semaphore_mem>>)
          %dma_wait3A_187 = tpu.memref_slice %arg4[%add3A_158] : memref<320000xi32, #tpu.memory_space<hbm>> -> memref<80xi32, #tpu.memory_space<hbm>>
          %dma_wait3A_188 = tpu.memref_slice %arg4[%add3A_158] : memref<320000xi32, #tpu.memory_space<hbm>> -> memref<80xi32, #tpu.memory_space<hbm>>
          tpu.wait_dma2 semaphore(%run_scoped3A : memref<!tpu.dma_semaphore, #tpu.memory_space<semaphore_mem>>) src(%dma_wait3A_188 : memref<80xi32, #tpu.memory_space<hbm>>) dst(%arg12 : memref<80xi32, #tpu.memory_space<vmem>>)
          tpu.yield
        }) : () -> ()
        %dma_start3A_182 = arith.constant 0 : i32
        %dma_start3A_183 = arith.constant 0 : i32
        %dma_start3A_184 = tpu.memref_slice %arg2[%dma_start3A_182, %dma_start3A_183] : memref<10000x128xf32, #tpu.memory_space<hbm>> -> memref<10000x128xf32, #tpu.memory_space<hbm>>
        tpu.enqueue_indirect_dma source(%dma_start3A_184 : memref<10000x128xf32, #tpu.memory_space<hbm>>) target(%arg16 : memref<80x128xf32, #tpu.memory_space<vmem>>) offsets(%arg8 : memref<80xi32, #tpu.memory_space<vmem>>) semaphore(%arg21 : memref<!tpu.dma_semaphore, #tpu.memory_space<semaphore_mem>>)
      } else {
      }
      %dma_wait3A_164 = arith.constant 0 : i32
      %dma_wait3A_165 = arith.constant 0 : i32
      %dma_wait3A_166 = tpu.memref_slice %arg18[%dma_wait3A_164, %dma_wait3A_165] : memref<10000x128xf32, #tpu.memory_space<vmem_shared>> -> memref<10000x128xf32, #tpu.memory_space<vmem_shared>>
      tpu.wait_indirect_dma semaphore(%arg26 : memref<!tpu.dma_semaphore, #tpu.memory_space<semaphore_mem>>) src(%arg17 : memref<80x128xf32, #tpu.memory_space<vmem>>) dst(%dma_wait3A_166 : memref<10000x128xf32, #tpu.memory_space<vmem_shared>>)
      %mul3A_167 = arith.constant 4 : i32
      %mul3A_168 = arith.muli %mul3A_167, %scan3A_90 : i32
      %add3A_169 = arith.constant 4 : i32
      %add3A_170 = arith.addi %mul3A_168, %add3A_169 : i32
      %add3A_171 = arith.constant 3 : i32
      %add3A_172 = arith.addi %add3A_170, %add3A_171 : i32
      %mul3A_173 = arith.constant 80 : i32
      %mul3A_174 = arith.muli %add3A_172, %mul3A_173 : i32
      %add3A_175 = arith.addi %mul3A_2, %mul3A_174 : i32
      %lt3A_176 = arith.constant 30 : i32
      %lt3A_177 = arith.cmpi slt, %scan3A_90, %lt3A_176 : i32
      %convert_element_type3A_178 = arith.extui %lt3A_177 : i1 to i32
      %cond3A_179 = arith.constant 0 : i32
      %cond3A_180 = arith.cmpi ne, %convert_element_type3A_178, %cond3A_179 : i32
      scf.if %cond3A_180 {
        "tpu.region"() ({
          %run_scoped3A = tpu.sem_alloc : memref<!tpu.dma_semaphore, #tpu.memory_space<semaphore_mem>>
          %dma_start3A_185 = tpu.memref_slice %arg3[%add3A_175] : memref<320000xi32, #tpu.memory_space<hbm>> -> memref<80xi32, #tpu.memory_space<hbm>>
          %dma_start3A_186 = tpu.memref_slice %arg3[%add3A_175] : memref<320000xi32, #tpu.memory_space<hbm>> -> memref<80xi32, #tpu.memory_space<hbm>>
          tpu.enqueue_dma source(%dma_start3A_186 : memref<80xi32, #tpu.memory_space<hbm>>) target(%arg9 : memref<80xi32, #tpu.memory_space<vmem>>) target_semaphore(%run_scoped3A : memref<!tpu.dma_semaphore, #tpu.memory_space<semaphore_mem>>)
          %dma_wait3A_187 = tpu.memref_slice %arg3[%add3A_175] : memref<320000xi32, #tpu.memory_space<hbm>> -> memref<80xi32, #tpu.memory_space<hbm>>
          %dma_wait3A_188 = tpu.memref_slice %arg3[%add3A_175] : memref<320000xi32, #tpu.memory_space<hbm>> -> memref<80xi32, #tpu.memory_space<hbm>>
          tpu.wait_dma2 semaphore(%run_scoped3A : memref<!tpu.dma_semaphore, #tpu.memory_space<semaphore_mem>>) src(%dma_wait3A_188 : memref<80xi32, #tpu.memory_space<hbm>>) dst(%arg9 : memref<80xi32, #tpu.memory_space<vmem>>)
          tpu.yield
        }) : () -> ()
        "tpu.region"() ({
          %run_scoped3A = tpu.sem_alloc : memref<!tpu.dma_semaphore, #tpu.memory_space<semaphore_mem>>
          %dma_start3A_185 = tpu.memref_slice %arg4[%add3A_175] : memref<320000xi32, #tpu.memory_space<hbm>> -> memref<80xi32, #tpu.memory_space<hbm>>
          %dma_start3A_186 = tpu.memref_slice %arg4[%add3A_175] : memref<320000xi32, #tpu.memory_space<hbm>> -> memref<80xi32, #tpu.memory_space<hbm>>
          tpu.enqueue_dma source(%dma_start3A_186 : memref<80xi32, #tpu.memory_space<hbm>>) target(%arg13 : memref<80xi32, #tpu.memory_space<vmem>>) target_semaphore(%run_scoped3A : memref<!tpu.dma_semaphore, #tpu.memory_space<semaphore_mem>>)
          %dma_wait3A_187 = tpu.memref_slice %arg4[%add3A_175] : memref<320000xi32, #tpu.memory_space<hbm>> -> memref<80xi32, #tpu.memory_space<hbm>>
          %dma_wait3A_188 = tpu.memref_slice %arg4[%add3A_175] : memref<320000xi32, #tpu.memory_space<hbm>> -> memref<80xi32, #tpu.memory_space<hbm>>
          tpu.wait_dma2 semaphore(%run_scoped3A : memref<!tpu.dma_semaphore, #tpu.memory_space<semaphore_mem>>) src(%dma_wait3A_188 : memref<80xi32, #tpu.memory_space<hbm>>) dst(%arg13 : memref<80xi32, #tpu.memory_space<vmem>>)
          tpu.yield
        }) : () -> ()
        %dma_start3A_182 = arith.constant 0 : i32
        %dma_start3A_183 = arith.constant 0 : i32
        %dma_start3A_184 = tpu.memref_slice %arg2[%dma_start3A_182, %dma_start3A_183] : memref<10000x128xf32, #tpu.memory_space<hbm>> -> memref<10000x128xf32, #tpu.memory_space<hbm>>
        tpu.enqueue_indirect_dma source(%dma_start3A_184 : memref<10000x128xf32, #tpu.memory_space<hbm>>) target(%arg17 : memref<80x128xf32, #tpu.memory_space<vmem>>) offsets(%arg9 : memref<80xi32, #tpu.memory_space<vmem>>) semaphore(%arg22 : memref<!tpu.dma_semaphore, #tpu.memory_space<semaphore_mem>>)
      } else {
      }
      %scan3A_181 = arith.constant 0 : i32
      scf.yield %scan3A_181 : i32
    }
    %scan3A_77 = arith.constant 31 : i32
    %dma_wait3A = arith.constant 0 : i32
    %dma_wait3A_78 = arith.constant 0 : i32
    %dma_wait3A_79 = tpu.memref_slice %arg2[%dma_wait3A, %dma_wait3A_78] : memref<10000x128xf32, #tpu.memory_space<hbm>> -> memref<10000x128xf32, #tpu.memory_space<hbm>>
    tpu.wait_indirect_dma semaphore(%arg19 : memref<!tpu.dma_semaphore, #tpu.memory_space<semaphore_mem>>) src(%dma_wait3A_79 : memref<10000x128xf32, #tpu.memory_space<hbm>>) dst(%arg14 : memref<80x128xf32, #tpu.memory_space<vmem>>)
    "tpu.region"() ({
      %run_scoped3A = tpu.sem_alloc : memref<!tpu.dma_semaphore, #tpu.memory_space<semaphore_mem>>
      %dma_start3A_90 = arith.constant 0 : i32
      %dma_start3A_91 = arith.constant 0 : i32
      %dma_start3A_92 = tpu.memref_slice %arg18[%dma_start3A_90, %dma_start3A_91] : memref<10000x128xf32, #tpu.memory_space<vmem_shared>> -> memref<10000x128xf32, #tpu.memory_space<vmem_shared>>
      tpu.enqueue_indirect_dma source(%arg14 : memref<80x128xf32, #tpu.memory_space<vmem>>) target(%dma_start3A_92 : memref<10000x128xf32, #tpu.memory_space<vmem_shared>>) offsets(%arg10 : memref<80xi32, #tpu.memory_space<vmem>>) semaphore(%run_scoped3A : memref<!tpu.dma_semaphore, #tpu.memory_space<semaphore_mem>>) {add = true}
      %dma_wait3A_93 = arith.constant 0 : i32
      %dma_wait3A_94 = arith.constant 0 : i32
      %dma_wait3A_95 = tpu.memref_slice %arg18[%dma_wait3A_93, %dma_wait3A_94] : memref<10000x128xf32, #tpu.memory_space<vmem_shared>> -> memref<10000x128xf32, #tpu.memory_space<vmem_shared>>
      tpu.wait_indirect_dma semaphore(%run_scoped3A : memref<!tpu.dma_semaphore, #tpu.memory_space<semaphore_mem>>) src(%arg14 : memref<80x128xf32, #tpu.memory_space<vmem>>) dst(%dma_wait3A_95 : memref<10000x128xf32, #tpu.memory_space<vmem_shared>>)
      tpu.yield
    }) : () -> ()
    %barrier3A_80 = arith.constant 0 : index
    tpu.barrier barrier_id(%barrier3A_80)
    %mul3A_81 = arith.constant 624 : i32
    %mul3A_82 = arith.muli %arg1, %mul3A_81 : i32
    %mul3A_83 = arith.constant 624 : i32
    %mul3A_84 = arith.muli %arg1, %mul3A_83 : i32
    "tpu.region"() ({
      %run_scoped3A = tpu.sem_alloc : memref<!tpu.dma_semaphore, #tpu.memory_space<semaphore_mem>>
      %dma_start3A_90 = arith.constant 0 : i32
      %dma_start3A_91 = tpu.memref_slice %arg5[%arg0, %mul3A_84, %dma_start3A_90] : memref<2x10000x128xf32, #tpu.memory_space<hbm>> -> memref<1x624x128xf32, #tpu.memory_space<hbm>>
      %dma_start3A_92 = tpu.memref_squeeze %dma_start3A_91 : memref<1x624x128xf32, #tpu.memory_space<hbm>> -> memref<624x128xf32, #tpu.memory_space<hbm>>
      %dma_start3A_93 = arith.constant 0 : i32
      %dma_start3A_94 = tpu.memref_slice %arg18[%mul3A_82, %dma_start3A_93] : memref<10000x128xf32, #tpu.memory_space<vmem_shared>> -> memref<624x128xf32, #tpu.memory_space<vmem_shared>>
      tpu.enqueue_dma source(%dma_start3A_94 : memref<624x128xf32, #tpu.memory_space<vmem_shared>>) target(%dma_start3A_92 : memref<624x128xf32, #tpu.memory_space<hbm>>) target_semaphore(%run_scoped3A : memref<!tpu.dma_semaphore, #tpu.memory_space<semaphore_mem>>)
      %dma_wait3A_95 = arith.constant 0 : i32
      %dma_wait3A_96 = tpu.memref_slice %arg5[%arg0, %mul3A_84, %dma_wait3A_95] : memref<2x10000x128xf32, #tpu.memory_space<hbm>> -> memref<1x624x128xf32, #tpu.memory_space<hbm>>
      %dma_wait3A_97 = tpu.memref_squeeze %dma_wait3A_96 : memref<1x624x128xf32, #tpu.memory_space<hbm>> -> memref<624x128xf32, #tpu.memory_space<hbm>>
      %dma_wait3A_98 = arith.constant 0 : i32
      %dma_wait3A_99 = tpu.memref_slice %arg18[%mul3A_82, %dma_wait3A_98] : memref<10000x128xf32, #tpu.memory_space<vmem_shared>> -> memref<624x128xf32, #tpu.memory_space<vmem_shared>>
      tpu.wait_dma2 semaphore(%run_scoped3A : memref<!tpu.dma_semaphore, #tpu.memory_space<semaphore_mem>>) src(%dma_wait3A_99 : memref<624x128xf32, #tpu.memory_space<vmem_shared>>) dst(%dma_wait3A_97 : memref<624x128xf32, #tpu.memory_space<hbm>>)
      tpu.yield
    }) : () -> ()
    %eq3A_85 = arith.constant 15 : i32
    %eq3A_86 = arith.cmpi eq, %arg1, %eq3A_85 : i32
    %convert_element_type3A_87 = arith.extui %eq3A_86 : i1 to i32
    %cond3A_88 = arith.constant 0 : i32
    %cond3A_89 = arith.cmpi ne, %convert_element_type3A_87, %cond3A_88 : i32
    scf.if %cond3A_89 {
      "tpu.region"() ({
        %run_scoped3A = tpu.sem_alloc : memref<!tpu.dma_semaphore, #tpu.memory_space<semaphore_mem>>
        %dma_start3A_90 = arith.constant 9984 : i32
        %dma_start3A_91 = arith.constant 0 : i32
        %dma_start3A_92 = tpu.memref_slice %arg5[%arg0, %dma_start3A_90, %dma_start3A_91] : memref<2x10000x128xf32, #tpu.memory_space<hbm>> -> memref<1x16x128xf32, #tpu.memory_space<hbm>>
        %dma_start3A_93 = tpu.memref_squeeze %dma_start3A_92 : memref<1x16x128xf32, #tpu.memory_space<hbm>> -> memref<16x128xf32, #tpu.memory_space<hbm>>
        %dma_start3A_94 = arith.constant 9984 : i32
        %dma_start3A_95 = arith.constant 0 : i32
        %dma_start3A_96 = tpu.memref_slice %arg18[%dma_start3A_94, %dma_start3A_95] : memref<10000x128xf32, #tpu.memory_space<vmem_shared>> -> memref<16x128xf32, #tpu.memory_space<vmem_shared>>
        tpu.enqueue_dma source(%dma_start3A_96 : memref<16x128xf32, #tpu.memory_space<vmem_shared>>) target(%dma_start3A_93 : memref<16x128xf32, #tpu.memory_space<hbm>>) target_semaphore(%run_scoped3A : memref<!tpu.dma_semaphore, #tpu.memory_space<semaphore_mem>>)
        %dma_wait3A_97 = arith.constant 9984 : i32
        %dma_wait3A_98 = arith.constant 0 : i32
        %dma_wait3A_99 = tpu.memref_slice %arg5[%arg0, %dma_wait3A_97, %dma_wait3A_98] : memref<2x10000x128xf32, #tpu.memory_space<hbm>> -> memref<1x16x128xf32, #tpu.memory_space<hbm>>
        %dma_wait3A_100 = tpu.memref_squeeze %dma_wait3A_99 : memref<1x16x128xf32, #tpu.memory_space<hbm>> -> memref<16x128xf32, #tpu.memory_space<hbm>>
        %dma_wait3A_101 = arith.constant 9984 : i32
        %dma_wait3A_102 = arith.constant 0 : i32
        %dma_wait3A_103 = tpu.memref_slice %arg18[%dma_wait3A_101, %dma_wait3A_102] : memref<10000x128xf32, #tpu.memory_space<vmem_shared>> -> memref<16x128xf32, #tpu.memory_space<vmem_shared>>
        tpu.wait_dma2 semaphore(%run_scoped3A : memref<!tpu.dma_semaphore, #tpu.memory_space<semaphore_mem>>) src(%dma_wait3A_103 : memref<16x128xf32, #tpu.memory_space<vmem_shared>>) dst(%dma_wait3A_100 : memref<16x128xf32, #tpu.memory_space<hbm>>)
        tpu.yield
      }) : () -> ()
    } else {
    }
    return
  }
}

module attributes {stable_mosaic.version = 14 : i64} {
  func.func @_tc2_body(%arg0: memref<2x10000x128xf32, #tpu.memory_space<vmem>>, %arg1: memref<10000x128xf32, #tpu.memory_space<vmem>>, %arg2: memref<10000x128xf32, #tpu.memory_space<vmem>>, %arg3: memref<1x128xf32, #tpu.memory_space<vmem>>, %arg4: memref<128x128xf32, #tpu.memory_space<vmem>>, %arg5: memref<10000x128xf32, #tpu.memory_space<vmem>>) attributes {dimension_semantics = [], scalar_prefetch = 0 : i64, scratch_operands = 0 : i64, tpu.core_type = #tpu.core_type<tc>} {
    %get3A = arith.constant 0 : index
    %get3A_0 = arith.constant 0 : index
    %get3A_1 = vector.load %arg2[%get3A, %get3A_0] : memref<10000x128xf32, #tpu.memory_space<vmem>>, vector<10000x1xf32>
    %get3A_2 = arith.constant 0 : index
    %get3A_3 = arith.constant 0 : index
    %get3A_4 = arith.constant 0 : index
    %get3A_5 = vector.load %arg0[%get3A_2, %get3A_3, %get3A_4] : memref<2x10000x128xf32, #tpu.memory_space<vmem>>, vector<1x10000x128xf32>
    %get3A_6 = vector.shape_cast %get3A_5 : vector<1x10000x128xf32> to vector<10000x128xf32>
    %get3A_7 = arith.constant 1 : index
    %get3A_8 = arith.constant 0 : index
    %get3A_9 = arith.constant 0 : index
    %get3A_10 = vector.load %arg0[%get3A_7, %get3A_8, %get3A_9] : memref<2x10000x128xf32, #tpu.memory_space<vmem>>, vector<1x10000x128xf32>
    %get3A_11 = vector.shape_cast %get3A_10 : vector<1x10000x128xf32> to vector<10000x128xf32>
    %add3A = arith.addf %get3A_6, %get3A_11 : vector<10000x128xf32>
    %get3A_12 = arith.constant 0 : index
    %get3A_13 = arith.constant 0 : index
    %get3A_14 = vector.load %arg1[%get3A_12, %get3A_13] : memref<10000x128xf32, #tpu.memory_space<vmem>>, vector<10000x128xf32>
    %add3A_15 = arith.addf %add3A, %get3A_14 : vector<10000x128xf32>
    %mul3A = vector.broadcast %get3A_1 : vector<10000x1xf32> to vector<10000x128xf32>
    %mul3A_16 = arith.mulf %add3A_15, %mul3A : vector<10000x128xf32>
    %get3A_17 = arith.constant 0 : index
    %get3A_18 = arith.constant 0 : index
    %get3A_19 = vector.load %arg3[%get3A_17, %get3A_18] : memref<1x128xf32, #tpu.memory_space<vmem>>, vector<1x128xf32>
    %add3A_20 = vector.broadcast %get3A_19 : vector<1x128xf32> to vector<10000x128xf32>
    %add3A_21 = arith.addf %mul3A_16, %add3A_20 : vector<10000x128xf32>
    %gt3A = arith.constant 0.000000e+00 : f32
    %gt3A_22 = vector.broadcast %gt3A : f32 to vector<10000x128xf32>
    %gt3A_23 = arith.cmpf ogt, %add3A_21, %gt3A_22 : vector<10000x128xf32>
    %exp3A = math.exp %add3A_21 : vector<10000x128xf32>
    %sub3A = arith.constant 1.000000e+00 : f32
    %sub3A_24 = vector.broadcast %sub3A : f32 to vector<10000x128xf32>
    %sub3A_25 = arith.subf %exp3A, %sub3A_24 : vector<10000x128xf32>
    %select_n3A = arith.select %gt3A_23, %add3A_21, %sub3A_25 : vector<10000x128xi1>, vector<10000x128xf32>
    %get3A_26 = arith.constant 0 : index
    %get3A_27 = arith.constant 0 : index
    %get3A_28 = vector.load %arg4[%get3A_26, %get3A_27] : memref<128x128xf32, #tpu.memory_space<vmem>>, vector<128x128xf32>
    %dot_general3A = arith.constant dense<0.000000e+00> : vector<10000x128xf32>
    %dot_general3A_29 = tpu.matmul %select_n3A, %get3A_28, %dot_general3A {dimension_numbers = #tpu.dot_dimension_numbers<[1], [0], [0], [1], [0, 0, 1, 1], [], []>, transpose_lhs_hint = false} : vector<10000x128xf32>, vector<128x128xf32>, vector<10000x128xf32> -> vector<10000x128xf32>
    %mul3A_30 = vector.broadcast %get3A_1 : vector<10000x1xf32> to vector<10000x128xf32>
    %mul3A_31 = arith.mulf %dot_general3A_29, %mul3A_30 : vector<10000x128xf32>
    %swap3A = arith.constant 0 : index
    %swap3A_32 = arith.constant 0 : index
    %swap3A_33 = vector.load %arg5[%swap3A, %swap3A_32] : memref<10000x128xf32, #tpu.memory_space<vmem>>, vector<10000x128xf32>
    tpu.vector_store %arg5[%swap3A, %swap3A_32], %mul3A_31 {strides = array<i32>} : memref<10000x128xf32, #tpu.memory_space<vmem>>, vector<10000x128xf32>,
    return
  }
}

module attributes {stable_mosaic.version = 14 : i64} {
  func.func @_tc3_body(%arg0: memref<2x10000x128xf32, #tpu.memory_space<vmem>>, %arg1: memref<10000x128xf32, #tpu.memory_space<vmem>>, %arg2: memref<10000x128xf32, #tpu.memory_space<vmem>>, %arg3: memref<1x128xf32, #tpu.memory_space<vmem>>, %arg4: memref<10000x128xf32, #tpu.memory_space<vmem>>) attributes {dimension_semantics = [], scalar_prefetch = 0 : i64, scratch_operands = 0 : i64, tpu.core_type = #tpu.core_type<tc>} {
    %get3A = arith.constant 0 : index
    %get3A_0 = arith.constant 0 : index
    %get3A_1 = vector.load %arg2[%get3A, %get3A_0] : memref<10000x128xf32, #tpu.memory_space<vmem>>, vector<10000x1xf32>
    %get3A_2 = arith.constant 0 : index
    %get3A_3 = arith.constant 0 : index
    %get3A_4 = arith.constant 0 : index
    %get3A_5 = vector.load %arg0[%get3A_2, %get3A_3, %get3A_4] : memref<2x10000x128xf32, #tpu.memory_space<vmem>>, vector<1x10000x128xf32>
    %get3A_6 = vector.shape_cast %get3A_5 : vector<1x10000x128xf32> to vector<10000x128xf32>
    %get3A_7 = arith.constant 1 : index
    %get3A_8 = arith.constant 0 : index
    %get3A_9 = arith.constant 0 : index
    %get3A_10 = vector.load %arg0[%get3A_7, %get3A_8, %get3A_9] : memref<2x10000x128xf32, #tpu.memory_space<vmem>>, vector<1x10000x128xf32>
    %get3A_11 = vector.shape_cast %get3A_10 : vector<1x10000x128xf32> to vector<10000x128xf32>
    %add3A = arith.addf %get3A_6, %get3A_11 : vector<10000x128xf32>
    %get3A_12 = arith.constant 0 : index
    %get3A_13 = arith.constant 0 : index
    %get3A_14 = vector.load %arg1[%get3A_12, %get3A_13] : memref<10000x128xf32, #tpu.memory_space<vmem>>, vector<10000x128xf32>
    %add3A_15 = arith.addf %add3A, %get3A_14 : vector<10000x128xf32>
    %mul3A = vector.broadcast %get3A_1 : vector<10000x1xf32> to vector<10000x128xf32>
    %mul3A_16 = arith.mulf %add3A_15, %mul3A : vector<10000x128xf32>
    %get3A_17 = arith.constant 0 : index
    %get3A_18 = arith.constant 0 : index
    %get3A_19 = vector.load %arg3[%get3A_17, %get3A_18] : memref<1x128xf32, #tpu.memory_space<vmem>>, vector<1x128xf32>
    %add3A_20 = vector.broadcast %get3A_19 : vector<1x128xf32> to vector<10000x128xf32>
    %add3A_21 = arith.addf %mul3A_16, %add3A_20 : vector<10000x128xf32>
    %swap3A = arith.constant 0 : index
    %swap3A_22 = arith.constant 0 : index
    %swap3A_23 = vector.load %arg4[%swap3A, %swap3A_22] : memref<10000x128xf32, #tpu.memory_space<vmem>>, vector<10000x128xf32>
    tpu.vector_store %arg4[%swap3A, %swap3A_22], %add3A_21 {strides = array<i32>} : memref<10000x128xf32, #tpu.memory_space<vmem>>, vector<10000x128xf32>,
    return
  }
}

module attributes {stable_mosaic.version = 14 : i64} {
  func.func @_tc1_body(%arg0: memref<10000x128xf32, #tpu.memory_space<vmem>>, %arg1: memref<128x128xf32, #tpu.memory_space<vmem>>, %arg2: memref<2x10000x128xf32, #tpu.memory_space<vmem>>, %arg3: memref<10000x128xf32, #tpu.memory_space<vmem>>, %arg4: memref<10000x128xf32, #tpu.memory_space<vmem>>) attributes {dimension_semantics = [], scalar_prefetch = 0 : i64, scratch_operands = 0 : i64, tpu.core_type = #tpu.core_type<tc>} {
    %get3A = arith.constant 0 : index
    %get3A_0 = arith.constant 0 : index
    %get3A_1 = arith.constant 0 : index
    %get3A_2 = vector.load %arg2[%get3A, %get3A_0, %get3A_1] : memref<2x10000x128xf32, #tpu.memory_space<vmem>>, vector<1x10000x128xf32>
    %get3A_3 = vector.shape_cast %get3A_2 : vector<1x10000x128xf32> to vector<10000x128xf32>
    %get3A_4 = arith.constant 1 : index
    %get3A_5 = arith.constant 0 : index
    %get3A_6 = arith.constant 0 : index
    %get3A_7 = vector.load %arg2[%get3A_4, %get3A_5, %get3A_6] : memref<2x10000x128xf32, #tpu.memory_space<vmem>>, vector<1x10000x128xf32>
    %get3A_8 = vector.shape_cast %get3A_7 : vector<1x10000x128xf32> to vector<10000x128xf32>
    %add3A = arith.addf %get3A_3, %get3A_8 : vector<10000x128xf32>
    %add3A_9 = arith.constant 1.000000e+00 : f32
    %add3A_10 = vector.broadcast %add3A_9 : f32 to vector<10000x128xf32>
    %add3A_11 = arith.addf %add3A, %add3A_10 : vector<10000x128xf32>
    %rsqrt3A = math.rsqrt %add3A_11 : vector<10000x128xf32>
    %get3A_12 = arith.constant 0 : index
    %get3A_13 = arith.constant 0 : index
    %get3A_14 = vector.load %arg0[%get3A_12, %get3A_13] : memref<10000x128xf32, #tpu.memory_space<vmem>>, vector<10000x128xf32>
    %get3A_15 = arith.constant 0 : index
    %get3A_16 = arith.constant 0 : index
    %get3A_17 = vector.load %arg1[%get3A_15, %get3A_16] : memref<128x128xf32, #tpu.memory_space<vmem>>, vector<128x128xf32>
    %dot_general3A = arith.constant dense<0.000000e+00> : vector<10000x128xf32>
    %dot_general3A_18 = tpu.matmul %get3A_14, %get3A_17, %dot_general3A {dimension_numbers = #tpu.dot_dimension_numbers<[1], [0], [0], [1], [0, 0, 1, 1], [], []>, transpose_lhs_hint = false} : vector<10000x128xf32>, vector<128x128xf32>, vector<10000x128xf32> -> vector<10000x128xf32>
    %slice3A = vector.extract_strided_slice %rsqrt3A {offsets = [0, 0], sizes = [10000, 1], strides = [1, 1]} : vector<10000x128xf32> to vector<10000x1xf32>
    %mul3A = vector.broadcast %slice3A : vector<10000x1xf32> to vector<10000x128xf32>
    %mul3A_19 = arith.mulf %dot_general3A_18, %mul3A : vector<10000x128xf32>
    %swap3A = arith.constant 0 : index
    %swap3A_20 = arith.constant 0 : index
    %swap3A_21 = vector.load %arg3[%swap3A, %swap3A_20] : memref<10000x128xf32, #tpu.memory_space<vmem>>, vector<10000x128xf32>
    tpu.vector_store %arg3[%swap3A, %swap3A_20], %mul3A_19 {strides = array<i32>} : memref<10000x128xf32, #tpu.memory_space<vmem>>, vector<10000x128xf32>,
    %swap3A_22 = arith.constant 0 : index
    %swap3A_23 = arith.constant 0 : index
    %swap3A_24 = vector.load %arg4[%swap3A_22, %swap3A_23] : memref<10000x128xf32, #tpu.memory_space<vmem>>, vector<10000x128xf32>
    tpu.vector_store %arg4[%swap3A_22, %swap3A_23], %rsqrt3A {strides = array<i32>} : memref<10000x128xf32, #tpu.memory_space<vmem>>, vector<10000x128xf32>,
    return
  }
}

</mosaic_0001>

<sc_bundles>
// kernel: kernel.11.cloned.1.call-start
scs
__scs_entry_jumppad:
0x0: {  	(pc) =	sbr.rel $0x88, $3  }
0x1: {  	(tag) =	ssettag $0x0;
	lr =	simm.s32 $0x1  }
0x2: {  	[smem:$0x3F9B] =	sst lr;
	_ =	strace $0xD0000000  }
0x3: {  	_ = 	snop  }
0x4: {  	_ = 	snop  }
0x5: {  	_ = 	snop  }
0x6: {  	_ = 	snop  }
0x7: {  	_ = 	snop  }
__scs_overlays_trampoline_lowered:
0x8: {  	[smem:$0x3FAA] =	sst s0  }
0x9: {  	[smem:$0x3FAB] =	sst s1  }
0xa: {  	[smem:$0x3FAC] =	sst s2  }
0xb: {  	[smem:$0x3FAD] =	sst s3  }
0xc: {  	[smem:$0x3FAE] =	sst s4  }
0xd: {  	[smem:$0x3FAF] =	sst s5  }
0xe: {  	[smem:$0x3FB0] =	sst s6  }
0xf: {  	[smem:$0x3FB1] =	sst s7  }
0x10: {  	[smem:$0x3FB2] =	sst s8  }
0x11: {  	[smem:$0x3FB3] =	sst s9;
	s0 =	simm.s32 @!p0 $0x0  }
0x12: {  	s1 =	sld [smem:$0x3F99];
	s0 =	simm.s32 @p0 $0x1  }
0x13: {  	[smem:$0x3FB4] =	sst s0;
	s0 =	simm.s32 @!p1 $0x0  }
0x14: {  	s2 =	sld [smem:$0x3F98];
	s0 =	simm.s32 @p1 $0x1  }
0x15: {  	[smem:$0x3FB5] =	sst s0;
	s0 =	simm.s32 @!p2 $0x0  }
0x16: {  	s3 =	sld [smem:$0x3FDB];
	s0 =	simm.s32 @p2 $0x1  }
0x17: {  	s4 =	simm.s32 $0x1BF5;
	[smem:$0x3FB7] =	sst s0  }
0x18: {  	s0 =	sld [smem:$0x3F9A];
	_ =	swait.ge [sflag:s4], $0x0  }
0x19: {  	s7 =	sld [smem:$0x3F9B]  }
0x1a: {  	s8 =	sadd.s32 $0xFFFFE003, lr  }
0x1b: {  	s9 =	sadd.s32 $0xFFFFFEF7, lr;
	s5 =	simm.s32 $0xFFFFFFFF;
	p2 =	slt.u32 s8, $0xFFFFF086  }
0x1c: {  	p1 =	slt.u32 s9, $0xF7A;
	s5 =	simm.s32 @!p2 $0x0  }
0x1d: {  	s5 =	simm.s32 @p1 $0x1;
	p0 =	seq.s32 s7, s2  }
0x1e: {  	s7 =	smul.u32 @!p0 $0xF7A, s2;
	p2 =	seq.s32 @!p0 s5, $0x0  }
0x1f: {  	s9 =	smul.u32 $0xF7A, s1;
	s8 =	simm.s32 @!p0 $0x1BF5;
	p2 =	por !p2, p0  }
0x20: {  	[sflag:s8] =	ssyncset.s32 @!p0 $0xFFFFF086;
	s6 =	sadd.s32 @!p0 s3, s7;
	s7 =	simm.s32 @!p0 $0x108  }
0x21: {  	s3 =	sadd.s32 s3, s9;
	s6 =	sadd.s32 @!p0 $0x88, s6;
	s7 =	simm.s32 @p2 $0x1082  }
0x22: {  	[simem:s7], [sflag:s8] =	dma.local @!p0 [hbm:s6], $0xF7A  }
0x23: {  	s9 =	sor.u32 $0xD0000000, s2;
	s6 =	simm.s32 $0x108;
	_ =	swait.ge @!p0 [sflag:s8], $0x0  }
0x24: {  	s3 =	sadd.s32 $0x88, s3;
	s6 =	simm.s32 @!p1 $0x1082;
	[sflag:s4] =	ssyncset.s32 $0xFFFFF086  }
0x25: {  	[simem:s6], [sflag:s4] =	dma.local [hbm:s3], $0xF7A  }
0x26: {  	[smem:$0x3F9B] =	sst s1;
	(tag) =	ssettag s2;
	_ =	strace s9  }
0x27: {  	s1 =	sld [smem:$0x3FAB]  }
0x28: {  	s2 =	sld [smem:$0x3FAC]  }
0x29: {  	s4 =	sld [smem:$0x3FAE]  }
0x2a: {  	p0 =	seq.s32 s5, $0x0;
	s5 =	sld [smem:$0x3FAF]  }
0x2b: {  	s6 =	sld [smem:$0x3FB0]  }
0x2c: {  	s7 =	sld [smem:$0x3FB1]  }
0x2d: {  	s3 =	simm.s32 $0x108;
	s8 =	sld [smem:$0x3FB2]  }
0x2e: {  	s3 =	simm.s32 @!p0 $0x1082;
	s9 =	sld [smem:$0x3FB3]  }
0x2f: {  	lr =	sadd.s32 s0, s3;
	s0 =	sld [smem:$0x3FAA]  }
0x30: {  	s3 =	sld [smem:$0x3FAD]  }
0x31: {  	[smem:$0x3FB6] =	sst s10  }
0x32: {  	s10 =	sld [smem:$0x3FB4];
	_ =	sdelay $0x3  }
0x33: {  	p0 =	seq.s32 s10, $0x1;
	s10 =	sld [smem:$0x3FB6];
	_ =	sdelay $0x3  }
0x34: {  	[smem:$0x3FB6] =	sst s10  }
0x35: {  	s10 =	sld [smem:$0x3FB5];
	_ =	sdelay $0x3  }
0x36: {  	p1 =	seq.s32 s10, $0x1;
	s10 =	sld [smem:$0x3FB6];
	_ =	sdelay $0x3  }
0x37: {  	[smem:$0x3FB6] =	sst s10  }
0x38: {  	s10 =	sld [smem:$0x3FB7]  }
0x39: {  	_ = 	snop;
	(pc) =	sbr.ind lr, $3  }
0x3a: {  	_ = 	snop  }
0x3b: {  	_ = 	snop  }
0x3c: {  	p2 =	seq.s32 s10, $0x1;
	s10 =	sld [smem:$0x3FB6]  }
0x3d: {  	_ =	shalt  }
0x3e: {  	_ =	shalt  }
0x3f: {  	_ =	shalt  }
0x40: {  	_ =	shalt  }
0x41: {  	_ =	shalt  }
0x42: {  	_ =	shalt  }
0x43: {  	_ =	shalt  }
0x44: {  	_ =	shalt  }
0x45: {  	_ =	shalt  }
0x46: {  	_ =	shalt  }
0x47: {  	_ =	shalt  }
0x48: {  	_ =	shalt  }
0x49: {  	_ =	shalt  }
0x4a: {  	_ =	shalt  }
0x4b: {  	_ =	shalt  }
0x4c: {  	_ =	shalt  }
0x4d: {  	_ =	shalt  }
0x4e: {  	_ =	shalt  }
0x4f: {  	_ =	shalt  }
0x50: {  	_ =	shalt  }
0x51: {  	_ =	shalt  }
0x52: {  	_ =	shalt  }
0x53: {  	_ =	shalt  }
0x54: {  	_ =	shalt  }
0x55: {  	_ =	shalt  }
0x56: {  	_ =	shalt  }
0x57: {  	_ =	shalt  }
0x58: {  	_ =	shalt  }
0x59: {  	_ =	shalt  }
0x5a: {  	_ =	shalt  }
0x5b: {  	_ =	shalt  }
0x5c: {  	_ =	shalt  }
0x5d: {  	_ =	shalt  }
0x5e: {  	_ =	shalt  }
0x5f: {  	_ =	shalt  }
0x60: {  	_ =	shalt  }
0x61: {  	_ =	shalt  }
0x62: {  	_ =	shalt  }
0x63: {  	_ =	shalt  }
0x64: {  	_ =	shalt  }
0x65: {  	_ =	shalt  }
0x66: {  	_ =	shalt  }
0x67: {  	_ =	shalt  }
0x68: {  	_ =	shalt  }
0x69: {  	_ =	shalt  }
0x6a: {  	_ =	shalt  }
0x6b: {  	_ =	shalt  }
0x6c: {  	_ =	shalt  }
0x6d: {  	_ =	shalt  }
0x6e: {  	_ =	shalt  }
0x6f: {  	_ =	shalt  }
0x70: {  	_ =	shalt  }
0x71: {  	_ =	shalt  }
0x72: {  	_ =	shalt  }
0x73: {  	_ =	shalt  }
0x74: {  	_ =	shalt  }
0x75: {  	_ =	shalt  }
0x76: {  	_ =	shalt  }
0x77: {  	_ =	shalt  }
0x78: {  	_ =	shalt  }
0x79: {  	_ =	shalt  }
0x7a: {  	_ =	shalt  }
0x7b: {  	_ =	shalt  }
0x7c: {  	_ =	shalt  }
0x7d: {  	_ =	shalt  }
0x7e: {  	_ =	shalt  }
0x7f: {  	_ =	shalt  }
0x80: {  	_ =	shalt  }
0x81: {  	_ =	shalt  }
0x82: {  	_ =	shalt  }
0x83: {  	_ =	shalt  }
0x84: {  	_ =	shalt  }
0x85: {  	_ =	shalt  }
0x86: {  	_ =	shalt  }
0x87: {  	_ =	shalt  }
.Lfunc_end0:
.L_simem_size_0:
called_computation.1_lowered:
.L_overlay_start_0:
0x88: {  	s2 =	sld [smem:$0x3FD9]  }
0x89: {  	s3 =	sld [smem:$0x3FFE];
	_ =	sdelay $0x1  }
0x8a: {  	s1 =	srdreg.scid  }
0x8b: {  	s0 =	sand.u32 $0x1, s1  }
0x8c: {  	s17 =	sshll.u32 s0, $0xA;
	s2 =	sadd.s32 s3, s2  }
0x8d: {  	s2 =	sadd.s32 s2, s17  }
0x8e: {  	[smem:$0x3FC2] =	sst s2  }
0x8f: {  	_ = 	snop  }
0x90: {  	s2 =	sld [smem:$0x3FD0];
	(tm) =	ssettm $0x1  }
0x91: {  	s18 =	sld [smem:$0x3FFB];
	_ =	sdelay $0x3  }
0x92: {  	_ =	strace s18  }
0x93: {  	s3 =	sld [smem:$0x3FFC];
	_ =	sdelay $0x3  }
0x94: {  	_ =	strace s3  }
0x95: {  	s3 =	sld [smem:$0x3FFD];
	_ =	sdelay $0x3  }
0x96: {  	_ =	strace s3  }
0x97: {  	_ =	strace $0x8FFFFFFF  }
0x98: {  	s19 =	sld [smem:$0x3FDB];
	_ =	sdelay $0x1  }
0x99: {  	s4 =	simm.s32 $_scs_section_size  }
0x9a: {  	s5 =	simm.s32 $_size__tile_overlayer_lowered;
	s6 =	simm.s32 $_tile_overlayer_lowered  }
0x9b: {  	s22 =	simm.s32 $0x1BFF;
	s21 =	sshll.u32 s6, $0x1;
	s3 =	sadd.s32 s4, s19  }
0x9c: {  	s7 =	simm.s32 $0x0;
	s20 =	sshll.u32 s5, $0x1;
	s5 =	sadd.s32 s21, s3  }
0x9d: {  	[timem:s7], [sflag:s22] =	dma.local [hbm:s5], s20  }
0x9e: {  	_ =	swait.ge [sflag:s22], s20  }
0x9f: {  	s4 =	ssub.s32 $0x0, s20;
	[sflag:s22] =	ssyncset.done $0x0  }
0xa0: {  	[sflag:s22] =	ssyncadd.s32 s4;
	_ =	sdelay $0x1  }
0xa1: {  	s23 =	simm.s32 $0x1B8B  }
0xa2: {  	_ =	swait.ge [sflag:s23], $0x1  }
0xa3: {  	[sflag:s23] =	ssyncset.done $0x0  }
0xa4: {  	s25 =	simm.s32 $0x1B8E;
	s24 =	sld [smem:$0x3FFE];
	[sflag:s23] =	ssyncadd.s32 $0xFFFFFFFF  }
0xa5: {  	s26 =	simm.s32 $execute0_lowered;
	[smem:$0x3FD2] =	sst s25  }
0xa6: {  	s5 =	sshll.u32 s26, $0x1;
	_ =	strace $0x80000049;
	[dreg:$0x1] =	wrdreg $0xFFFFFFFF  }
0xa7: {  	s28 =	simm.s32 $_size_execute0_lowered;
	s3 =	sadd.s32 s3, s5;
	[dreg:$0x0] =	wrdreg $0x0  }
0xa8: {  	s5 =	sshll.u32 s28, $0x1;
	[dreg:$0x2] =	wrdreg s3  }
0xa9: {  	[dreg:$0x3] =	wrdreg s5  }
0xaa: {  	[dreg:$0x4] =	wrdreg $0xC0  }
0xab: {  	_ =	task [dreg:s7], $0x5FFFF  }
0xac: {  	[dreg:$0x1] =	wrdreg $0xFFFFFFFF  }
0xad: {  	[dreg:$0x0] =	wrdreg $0x60  }
0xae: {  	[dreg:$0x2] =	wrdreg s2  }
0xaf: {  	[dreg:$0x3] =	wrdreg s24  }
0xb0: {  	[dreg:$0x4] =	wrdreg $0xA4000  }
0xb1: {  	[dreg:$0x5] =	wrdreg $0x9  }
0xb2: {  	_ =	task.clear_ibuf [dreg:s7], $0x6FFFF;
	_ =	strace $0x90000049  }
0xb3: {  	s29 =	simm.s32 $0x9;
	_ =	strace $0x8000004B  }
0xb4: {  	_ =	swait.ge [sflag:s29], $0x1  }
0xb5: {  	[sflag:s29] =	ssyncadd.s32 $0xFFFFFFFF  }
0xb6: {  	_ =	strace $0x9000004B  }
0xb7: {  	_ =	sfence  }
0xb8: {  	s30 =	sld [smem:$0x0];
	_ =	sdelay $0x2  }
0xb9: {  	s31 =	sshll.u32 s1, $0xD;
	s1 =	sshrl.u32 s1, $0x2  }
0xba: {  	s3 =	sand.u32 $0x4000, s31;
	s1 =	sadd.s32 s1, s30  }
0xbb: {  	s0 =	sor.u32 s3, s0;
	s1 =	sshll.u32 s1, $0x11  }
0xbc: {  	s0 =	sor.u32 s1, s0  }
0xbd: {  	s0 =	sadd.s32 $0x8F2B, s0  }
0xbe: {  	[sflag:s0] =	ssyncadd.remote.s32 $0x1  }
0xbf: {  	_ =	sfence.sel $0xFFFF  }
0xc0: {  	[dreg:$0x0] =	wrdreg $0xFFFFFFFF;
	(pc) =	sbr.abs _section_cstart, $3  }
0xc1: {  	[dreg:$0x1] =	wrdreg $0xFFFFFFFF  }
0xc2: {  	_ =	task.clear_ibuf [dreg:s7], $0x2FFFF;
	_ =	strace $0x9FFFFFFF  }
0xc3: {  	(tm) =	ssettm $0x7FFFFFFF  }
tec
execute0_lowered:
.L_overlay_start_1:
0x0: {  	(tag) =	ssettag $0x1  }
0x1: {  	s1 =	rddreg [dreg:$0x0]  }
0x2: {  	s0 =	rddreg [dreg:$0x1]  }
0x3: {  	s2 =	srdreg.scid;
	s11 =	stileid.u32  }
0x4: {  	s3 =	rddreg [dreg:$0x2];
	s4 =	simm.s32 $0x0;
	s28 =	simm.s32 $0x7C00  }
0x5: {  	s29 =	simm.s32 $0x1;
	s30 =	simm.s32 $0x2;
	s31 =	simm.s32 $0x3  }
0x6: {  	s2 =	sand.u32 $0x1, s2;
	s5 =	sshll.u32 s11, $0x1;
	s6 =	smul.u32 $0x4E000, s11  }
0x7: {  	[smem:$0x7FF] =	sst s4;
	s12 =	sadd.s32 $0x2000, s0;
	s10 =	smul.u32 $0x13800, s11  }
0x8: {  	s13 =	sadd.s32 $0xBE00, s0;
	s0 =	sadd.s32 $0x15C00, s0;
	s21 =	smul.u32 $0x4E20, s11  }
0x9: {  	p0 =	sne.s32 s11, $0xF;
	s11 =	simm.s32 $0x200;
	s5 =	sor.u32 s2, s5  }
0xa: {  	_ =	strace $0x8000004A;
	s7 =	ssub.s32 $0x2, s2;
	s18 =	smul.u32 $0x138800, s2  }
0xb: {  	s2 =	smul.u32 $0x2710, s2;
	s8 =	sshrl.u32 s7, $0x1;
	s6 =	sshrl.u32 s6, $0x2  }
0xc: {  	s5 =	smul.u32 $0x2710, s5;
	s7 =	ssub.s32 s7, s8;
	s14 =	sadd.s32 s6, s3  }
0xd: {  	s23 =	sadd.s32 s10, s18;
	s8 =	sshrl.u32 s18, $0x3;
	s2 =	sadd.s32 s2, s21  }
0xe: {  	s5 =	sshrl.u32 s5, $0x3;
	s25 =	smax.u32 s7, $0x1;
	[dreg:$0x4] =	wrdreg s14  }
0xf: {  	s24 =	sadd.s32 $0x230, s2;
	s18 =	sadd.s32 $0x7800, s14;
	[dreg:$0xf] =	wrdreg s25  }
0x10: {  	s7 =	sadd.s32 $0x1E0, s2;
	s21 =	sadd.s32 $0xF000, s14;
	[dreg:$0x18] =	wrdreg s18  }
0x11: {  	s15 =	sadd.s32 s12, s5;
	s16 =	sadd.s32 s13, s5;
	[dreg:$0x1b] =	wrdreg s21  }
0x12: {  	s17 =	sadd.s32 $0xA, s5;
	s19 =	sadd.s32 $0x14, s5;
	[dreg:$0x5] =	wrdreg s15  }
0x13: {  	s5 =	sadd.s32 $0x1E, s5;
	s25 =	sadd.s32 $0x11800, s14;
	[dreg:$0x6] =	wrdreg s16  }
0x14: {  	s26 =	sshrl.u32 s24, $0x3;
	s9 =	sadd.s32 s12, s17;
	[dreg:$0x1c] =	wrdreg s25  }
0x15: {  	s18 =	simm.s32 $0x5400;
	s6 =	sadd.s32 s13, s17;
	[dreg:$0x7] =	wrdreg s9  }
0x16: {  	s20 =	sadd.s32 s12, s19;
	s22 =	sadd.s32 s12, s5;
	[dreg:$0x8] =	wrdreg s6  }
0x17: {  	s5 =	sadd.s32 s13, s5;
	s15 =	sadd.s32 $0x140, s2;
	[dreg:$0x9] =	wrdreg s20  }
0x18: {  	s16 =	sadd.s32 $0x2800, s14;
	s17 =	sadd.s32 $0x5000, s14;
	[dreg:$0xb] =	wrdreg s22  }
0x19: {  	s25 =	simm.s32 $0x380;
	s9 =	sadd.s32 s13, s19;
	[dreg:$0xc] =	wrdreg s5  }
0x1a: {  	s5 =	sshrl.u32 s23, $0x3;
	s6 =	sadd.s32 $0x190, s2;
	[dreg:$0x15] =	wrdreg s15  }
0x1b: {  	s23 =	smov.u32 s13;
	s22 =	smov.u32 s12;
	[dreg:$0x16] =	wrdreg s16  }
0x1c: {  	[dreg:$0x17] =	wrdreg s17;
	s19 =	sadd.s32 $0xA000, s14;
	s20 =	sadd.s32 $0xC800, s14  }
0x1d: {  	s14 =	simm.s32 $0x280;
	s15 =	simm.s32 $0x2C00;
	s16 =	simm.s32 $0x100  }
0x1e: {  	s17 =	simm.s32 $0x300;
	s2 =	simm.s32 $0x4;
	[dreg:$0xa] =	wrdreg s9  }
0x1f: {  	s5 =	sadd.s32 s0, s5;
	s0 =	sadd.s32 s0, s8;
	[dreg:$0x19] =	wrdreg s19  }
0x20: {  	s8 =	sshrl.u32 s7, $0x3;
	s9 =	sshrl.u32 s6, $0x3;
	[dreg:$0x1a] =	wrdreg s20  }
0x21: {  	s7 =	simm.s32 $0x6;
	[dreg:$0xd] =	wrdreg s5;
	s0 =	sadd.s32 $0x27000, s0  }
0x22: {  	s20 =	simm.s32 $0x0;
	s5 =	sadd.s32 s26, s13;
	[dreg:$0xe] =	wrdreg s0  }
0x23: {  	s10 =	sadd.s32 s8, s13;
	s13 =	sadd.s32 s9, s13;
	[dreg:$0x10] =	wrdreg s5  }
0x24: {  	s24 =	sadd.s32 s9, s12;
	s9 =	simm.s32 $0x400;
	[dreg:$0x12] =	wrdreg s10  }
.Ltmp0:
0x25: {  	s0 =	sadd.s32 s26, s12;
	[dreg:$0x14] =	wrdreg s13;
	(pc) =	sbr.rel .LBB2_1-.Ltmp0, $4  }
0x26: {  	s26 =	sadd.s32 $0x138000, s3;
	s10 =	simm.s32 $0x9;
	s13 =	simm.s32 $0x80  }
0x27: {  	s5 =	simm.s32 $0x8;
	[dreg:$0x11] =	wrdreg s0;
	s0 =	sadd.s32 s8, s12  }
0x28: {  	[dreg:$0x1d] =	wrdreg s26;
	s12 =	simm.s32 $0x50;
	s26 =	simm.s32 $0x180  }
0x29: {  	v0 =	vimm.f32 $0.0e+00;
	s8 =	simm.s32 $0x7;
	[dreg:$0x13] =	wrdreg s0;
	s0 =	simm.s32 $0x5  }
.LBB2_6:
0x2a: {  	_ =	swait.ge [sflag:s8], $0x2800  }
0x2b: {  	[sflag:s8] =	ssyncset.done $0x0  }
0x2c: {  	[sflag:s8] =	ssyncadd.s32 $0xFFFFD800  }
0x2d: {  	_ =	swait.ge [sflag:s5], $0x2800  }
0x2e: {  	[sflag:s5] =	ssyncset.done $0x0  }
0x2f: {  	[sflag:s5] =	ssyncadd.s32 $0xFFFFD800  }
0x30: {  	_ =	swait.ge [sflag:s29], $0x2800  }
0x31: {  	[sflag:s29] =	ssyncset.done $0x0  }
0x32: {  	[sflag:s29] =	ssyncadd.s32 $0xFFFFD800  }
0x33: {  	[spmem:s3] =	stream.indirect.scatter.add.f32 [tilespmem:s9], [sflag:$0x9], $0x80, s11, s12, $0xb8;
	[tilespmem:$0x1DC80] =	vst v63  }
0x34: {  	_ =	swait.ge [sflag:s10], $0x2800  }
0x35: {  	[sflag:s10] =	ssyncset.done $0x0  }
0x36: {  	[sflag:s10] =	ssyncadd.s32 $0xFFFFD800  }
0x37: {  	s6 =	stileid.u32;
	[bflag:$0x0] =	sbarrier.arrive $0xFFFF  }
0x38: {  	s6 =	sshll.u32 s6, $0x6;
	s19 =	rddreg [dreg:$0x4]  }
0x39: {  	s6 =	sor.u32 $0x1C09, s6;
	s20 =	rddreg [dreg:$0xd];
	s19 =	sshrl.u32 s19, $0x3  }
0x3a: {  	[hbm:s20], [sflag:s6] =	dma.local [spmem:s19], $0x2700  }
0x3b: {  	_ =	swait.ge [sflag:s10], $0x2700  }
0x3c: {  	[sflag:s10] =	ssyncset.done $0x0;
	s19 =	rddreg [dreg:$0x1d]  }
0x3d: {  	s20 =	rddreg [dreg:$0xe];
	[sflag:s10] =	ssyncadd.s32 $0xFFFFD900;
	s19 =	sshrl.u32 @!p0 s19, $0x3  }
0x3e: {  	[hbm:s20], [sflag:s6] =	dma.local @!p0 [spmem:s19], $0x100  }
0x3f: {  	s6 =	simm.s32 @!p0 $0x9  }
0x40: {  	_ =	swait.ge @!p0 [sflag:s6], $0x100  }
0x41: {  	s19 =	rddreg [dreg:$0x1e]  }
0x42: {  	s21 =	rddreg [dreg:$0xf];
	s20 =	sadd.s32 $0x1, s19  }
0x43: {  	p1 =	sne.s32 s20, s21  }
.Ltmp1:
0x44: {  	_ = 	snop;
	(pc) =	sbr.rel @!p1 .LBB2_7-.Ltmp1, $3  }
0x45: {  	_ =	sdelay $0x1  }
0x46: {  	[sflag:s6] =	ssyncset.done @!p0 $0x0  }
0x47: {  	[sflag:s6] =	ssyncadd.s32 @!p0 $0xFFFFFF00  }
.LBB2_1:
0x48: {  	s6 =	sand.u32 $0xFE00, s4  }
0x49: {  	[dreg:$0x1e] =	wrdreg s20;
	s19 =	sand.u32 $0x70, s4;
	s21 =	sshrl.u32 s6, $0x2  }
0x4a: {  	s6 =	simm.s32 $0x40;
	s20 =	sor.u32 s19, s21;
	s19 =	simm.s32 $0x0  }
.LBB2_2:
0x4b: {  	p1 =	sne.s32 s6, $0x9FC0  }
0x4c: {  	[tilespmem:s20+$0x400] =	vst v0;
	s19 =	sadd.s32 $0x10, s19;
	s20 =	smov.u32 s6;
	s6 =	sadd.s32 $0x40, s6  }
.Ltmp2:
0x4d: {  	(pc) =	sbr.rel @p1 .LBB2_2-.Ltmp2, $4  }
0x4e: {  	_ = 	snop  }
0x4f: {  	s20 =	sand.u32 $0xFE00, s20  }
0x50: {  	s21 =	sand.u32 $0x70, s19;
	s20 =	sshrl.u32 s20, $0x2  }
0x51: {  	s20 =	sor.u32 s21, s20  }
0x52: {  	[tilespmem:s20+$0x400] =	vst v0;
	s6 =	rddreg [dreg:$0x4]  }
0x53: {  	[spmem:s6] =	stream.linear.scatter [tilespmem:s9], [sflag:$0x9], $0x2800, $0x38;
	[tilespmem:$0x1DC80] =	vst v63  }
0x54: {  	_ =	swait.ge [sflag:s10], $0x2800  }
0x55: {  	[sflag:s10] =	ssyncset.done $0x0  }
0x56: {  	s19 =	rddreg [dreg:$0x16];
	[sflag:s10] =	ssyncadd.s32 $0xFFFFD800  }
0x57: {  	[spmem:s19] =	stream.linear.scatter [tilespmem:s9], [sflag:$0x9], $0x2800, $0x38;
	[tilespmem:$0x1DC80] =	vst v63  }
0x58: {  	_ =	swait.ge [sflag:s10], $0x2800  }
0x59: {  	[sflag:s10] =	ssyncset.done $0x0  }
0x5a: {  	s20 =	rddreg [dreg:$0x17];
	[sflag:s10] =	ssyncadd.s32 $0xFFFFD800  }
0x5b: {  	[spmem:s20] =	stream.linear.scatter [tilespmem:s9], [sflag:$0x9], $0x2800, $0x38;
	[tilespmem:$0x1DC80] =	vst v63  }
0x5c: {  	_ =	swait.ge [sflag:s10], $0x2800  }
0x5d: {  	[sflag:s10] =	ssyncset.done $0x0  }
0x5e: {  	s21 =	rddreg [dreg:$0x18];
	[sflag:s10] =	ssyncadd.s32 $0xFFFFD800  }
0x5f: {  	[spmem:s21] =	stream.linear.scatter [tilespmem:s9], [sflag:$0x9], $0x2800, $0x38;
	[tilespmem:$0x1DC80] =	vst v63  }
0x60: {  	_ =	swait.ge [sflag:s10], $0x2800  }
0x61: {  	[sflag:s10] =	ssyncset.done $0x0  }
0x62: {  	s19 =	rddreg [dreg:$0x19];
	[sflag:s10] =	ssyncadd.s32 $0xFFFFD800  }
0x63: {  	[spmem:s19] =	stream.linear.scatter [tilespmem:s9], [sflag:$0x9], $0x2800, $0x38;
	[tilespmem:$0x1DC80] =	vst v63  }
0x64: {  	_ =	swait.ge [sflag:s10], $0x2800  }
0x65: {  	[sflag:s10] =	ssyncset.done $0x0  }
0x66: {  	s20 =	rddreg [dreg:$0x1a];
	[sflag:s10] =	ssyncadd.s32 $0xFFFFD800  }
0x67: {  	[spmem:s20] =	stream.linear.scatter [tilespmem:s9], [sflag:$0x9], $0x2800, $0x38;
	[tilespmem:$0x1DC80] =	vst v63  }
0x68: {  	_ =	swait.ge [sflag:s10], $0x2800  }
0x69: {  	[sflag:s10] =	ssyncset.done $0x0  }
0x6a: {  	s21 =	rddreg [dreg:$0x1b];
	[sflag:s10] =	ssyncadd.s32 $0xFFFFD800  }
0x6b: {  	[spmem:s21] =	stream.linear.scatter [tilespmem:s9], [sflag:$0x9], $0x2800, $0x38;
	[tilespmem:$0x1DC80] =	vst v63  }
0x6c: {  	_ =	swait.ge [sflag:s10], $0x2800  }
0x6d: {  	[sflag:s10] =	ssyncset.done $0x0  }
0x6e: {  	s19 =	rddreg [dreg:$0x1c];
	[sflag:s10] =	ssyncadd.s32 $0xFFFFD800  }
0x6f: {  	[spmem:s19] =	stream.linear.scatter [tilespmem:s9], [sflag:$0x9], $0x2000, $0x38;
	[tilespmem:$0x1DC80] =	vst v63  }
0x70: {  	_ =	swait.ge [sflag:s10], $0x2000  }
0x71: {  	[sflag:s10] =	ssyncset.done $0x0  }
0x72: {  	s6 =	simm.s32 @!p0 $0x400;
	s19 =	rddreg [dreg:$0x1d];
	[sflag:s10] =	ssyncadd.s32 $0xFFFFE000  }
0x73: {  	[spmem:s19] =	stream.linear.scatter @!p0 [tilespmem:s6], [sflag:$0x9], $0x800, $0x38;
	[tilespmem:$0x1DC80] =	vst v63  }
0x74: {  	s6 =	simm.s32 @!p0 $0x9  }
0x75: {  	_ =	swait.ge @!p0 [sflag:s6], $0x800  }
0x76: {  	[sflag:s6] =	ssyncset.done @!p0 $0x0  }
0x77: {  	[sflag:s6] =	ssyncadd.s32 @!p0 $0xFFFFF800  }
0x78: {  	[bflag:$0x0] =	sbarrier.arrive $0xFFFF  }
0x79: {  	s6 =	simm.s32 $0x0;
	s20 =	rddreg [dreg:$0x5]  }
0x7a: {  	[tilespmem:s6], [sflag:$0x9] =	stream.linear.gather [hbm4b:s20+s6], $0x50, $0x38;
	[tilespmem:$0x1DC80] =	vst v63  }
0x7b: {  	_ =	swait.ge [sflag:s10], $0x50  }
0x7c: {  	[sflag:s10] =	ssyncset.done $0x0  }
0x7d: {  	s21 =	rddreg [dreg:$0x6];
	[sflag:s10] =	ssyncadd.s32 $0xFFFFFFB0  }
0x7e: {  	[tilespmem:s11], [sflag:$0x9] =	stream.linear.gather [hbm4b:s21+s6], $0x50, $0x38;
	[tilespmem:$0x1DC80] =	vst v63  }
0x7f: {  	_ =	swait.ge [sflag:s10], $0x50  }
0x80: {  	[sflag:s10] =	ssyncset.done $0x0  }
0x81: {  	[sflag:s10] =	ssyncadd.s32 $0xFFFFFFB0  }
0x82: {  	[tilespmem:s9], [sflag:$0x1] =	stream.indirect.gather [hbm4b:s1+s12], $0x80, s6, s12, $0xb8;
	[tilespmem:$0x1DC80] =	vst v63  }
0x83: {  	s20 =	rddreg [dreg:$0x7]  }
0x84: {  	[tilespmem:s13], [sflag:$0x9] =	stream.linear.gather [hbm4b:s20+s6], $0x50, $0x38;
	[tilespmem:$0x1DC80] =	vst v63  }
0x85: {  	_ =	swait.ge [sflag:s10], $0x50  }
0x86: {  	[sflag:s10] =	ssyncset.done $0x0  }
0x87: {  	s21 =	rddreg [dreg:$0x8];
	[sflag:s10] =	ssyncadd.s32 $0xFFFFFFB0  }
0x88: {  	[tilespmem:s14], [sflag:$0x9] =	stream.linear.gather [hbm4b:s21+s6], $0x50, $0x38;
	[tilespmem:$0x1DC80] =	vst v63  }
0x89: {  	_ =	swait.ge [sflag:s10], $0x50  }
0x8a: {  	[sflag:s10] =	ssyncset.done $0x0  }
0x8b: {  	[sflag:s10] =	ssyncadd.s32 $0xFFFFFFB0  }
0x8c: {  	[tilespmem:s15], [sflag:$0x2] =	stream.indirect.gather [hbm4b:s1+s12], $0x80, s13, s12, $0xb8;
	[tilespmem:$0x1DC80] =	vst v63  }
0x8d: {  	s20 =	rddreg [dreg:$0x9]  }
0x8e: {  	[tilespmem:s16], [sflag:$0x9] =	stream.linear.gather [hbm4b:s20+s6], $0x50, $0x38;
	[tilespmem:$0x1DC80] =	vst v63  }
0x8f: {  	_ =	swait.ge [sflag:s10], $0x50  }
0x90: {  	[sflag:s10] =	ssyncset.done $0x0  }
0x91: {  	s21 =	rddreg [dreg:$0xa];
	[sflag:s10] =	ssyncadd.s32 $0xFFFFFFB0  }
0x92: {  	[tilespmem:s17], [sflag:$0x9] =	stream.linear.gather [hbm4b:s21+s6], $0x50, $0x38;
	[tilespmem:$0x1DC80] =	vst v63  }
0x93: {  	_ =	swait.ge [sflag:s10], $0x50  }
0x94: {  	[sflag:s10] =	ssyncset.done $0x0  }
0x95: {  	[sflag:s10] =	ssyncadd.s32 $0xFFFFFFB0  }
0x96: {  	[tilespmem:s18], [sflag:$0x3] =	stream.indirect.gather [hbm4b:s1+s12], $0x80, s16, s12, $0xb8;
	[tilespmem:$0x1DC80] =	vst v63  }
0x97: {  	s20 =	rddreg [dreg:$0xb]  }
0x98: {  	[tilespmem:s26], [sflag:$0x9] =	stream.linear.gather [hbm4b:s20+s6], $0x50, $0x38;
	[tilespmem:$0x1DC80] =	vst v63  }
0x99: {  	_ =	swait.ge [sflag:s10], $0x50  }
0x9a: {  	[sflag:s10] =	ssyncset.done $0x0  }
0x9b: {  	s21 =	rddreg [dreg:$0xc];
	[sflag:s10] =	ssyncadd.s32 $0xFFFFFFB0  }
0x9c: {  	[tilespmem:s25], [sflag:$0x9] =	stream.linear.gather [hbm4b:s21+s6], $0x50, $0x38;
	[tilespmem:$0x1DC80] =	vst v63  }
0x9d: {  	_ =	swait.ge [sflag:s10], $0x50  }
0x9e: {  	[sflag:s10] =	ssyncset.done $0x0  }
0x9f: {  	s19 =	rddreg [dreg:$0x15];
	[sflag:s10] =	ssyncadd.s32 $0xFFFFFFB0  }
0xa0: {  	[tilespmem:s28], [sflag:$0x4] =	stream.indirect.gather [hbm4b:s1+s12], $0x80, s26, s12, $0xb8;
	[tilespmem:$0x1DC80] =	vst v63  }
.LBB2_4:
0xa1: {  	_ =	swait.ge [sflag:s29], $0x2800  }
0xa2: {  	[sflag:s29] =	ssyncset.done $0x0  }
0xa3: {  	[sflag:s29] =	ssyncadd.s32 $0xFFFFD800  }
0xa4: {  	[spmem:s3] =	stream.indirect.scatter.add.f32 [tilespmem:s9], [sflag:$0x5], $0x80, s11, s12, $0xb8;
	[tilespmem:$0x1DC80] =	vst v63  }
0xa5: {  	_ =	swait.ge [sflag:s30], $0x2800  }
0xa6: {  	[sflag:s30] =	ssyncset.done $0x0  }
0xa7: {  	[sflag:s30] =	ssyncadd.s32 $0xFFFFD800  }
0xa8: {  	[spmem:s3] =	stream.indirect.scatter.add.f32 [tilespmem:s15], [sflag:$0x6], $0x80, s14, s12, $0xb8;
	[tilespmem:$0x1DC80] =	vst v63  }
0xa9: {  	_ =	swait.ge [sflag:s31], $0x2800  }
0xaa: {  	[sflag:s31] =	ssyncset.done $0x0  }
0xab: {  	[sflag:s31] =	ssyncadd.s32 $0xFFFFD800  }
0xac: {  	[spmem:s3] =	stream.indirect.scatter.add.f32 [tilespmem:s18], [sflag:$0x7], $0x80, s17, s12, $0xb8;
	[tilespmem:$0x1DC80] =	vst v63  }
0xad: {  	_ =	swait.ge [sflag:s2], $0x2800  }
0xae: {  	[sflag:s2] =	ssyncset.done $0x0  }
0xaf: {  	[sflag:s2] =	ssyncadd.s32 $0xFFFFD800  }
0xb0: {  	[spmem:s3] =	stream.indirect.scatter.add.f32 [tilespmem:s28], [sflag:$0x8], $0x80, s25, s12, $0xb8;
	[tilespmem:$0x1DC80] =	vst v63  }
0xb1: {  	_ =	swait.ge [sflag:s0], $0x2800  }
0xb2: {  	s20 =	sshrl.u32 s19, $0x3;
	[sflag:s0] =	ssyncset.done $0x0  }
0xb3: {  	s21 =	sadd.s32 s22, s20;
	[sflag:s0] =	ssyncadd.s32 $0xFFFFD800  }
0xb4: {  	[tilespmem:s4], [sflag:$0x9] =	stream.linear.gather [hbm4b:s21+s4], $0x50, $0x38;
	[tilespmem:$0x1DC80] =	vst v63  }
0xb5: {  	_ =	swait.ge [sflag:s10], $0x50  }
0xb6: {  	[sflag:s10] =	ssyncset.done $0x0  }
0xb7: {  	s20 =	sadd.s32 s23, s20;
	[sflag:s10] =	ssyncadd.s32 $0xFFFFFFB0  }
0xb8: {  	[tilespmem:s11], [sflag:$0x9] =	stream.linear.gather [hbm4b:s20+s4], $0x50, $0x38;
	[tilespmem:$0x1DC80] =	vst v63  }
0xb9: {  	_ =	swait.ge [sflag:s10], $0x50  }
0xba: {  	p1 =	seq.s32 s6, $0x4B0;
	[sflag:s10] =	ssyncset.done $0x0  }
.Ltmp3:
0xbb: {  	[sflag:s10] =	ssyncadd.s32 $0xFFFFFFB0;
	(pc) =	sbr.rel @p1 .LBB2_6-.Ltmp3, $4  }
0xbc: {  	[tilespmem:s9], [sflag:$0x1] =	stream.indirect.gather [hbm4b:s1+s12], $0x80, s4, s12, $0xb8;
	[tilespmem:$0x1DC80] =	vst v63  }
0xbd: {  	_ =	swait.ge [sflag:s7], $0x2800  }
0xbe: {  	[sflag:s7] =	ssyncset.done $0x0  }
0xbf: {  	[sflag:s7] =	ssyncadd.s32 $0xFFFFD800  }
0xc0: {  	s20 =	sadd.s32 s6, s24  }
0xc1: {  	[tilespmem:s13], [sflag:$0x9] =	stream.linear.gather [hbm4b:s20+s4], $0x50, $0x38;
	[tilespmem:$0x1DC80] =	vst v63  }
0xc2: {  	_ =	swait.ge [sflag:s10], $0x50  }
0xc3: {  	[sflag:s10] =	ssyncset.done $0x0;
	s21 =	rddreg [dreg:$0x14]  }
0xc4: {  	[sflag:s10] =	ssyncadd.s32 $0xFFFFFFB0;
	s20 =	sadd.s32 s6, s21  }
0xc5: {  	[tilespmem:s14], [sflag:$0x9] =	stream.linear.gather [hbm4b:s20+s4], $0x50, $0x38;
	[tilespmem:$0x1DC80] =	vst v63  }
0xc6: {  	_ =	swait.ge [sflag:s10], $0x50  }
0xc7: {  	[sflag:s10] =	ssyncset.done $0x0  }
0xc8: {  	[sflag:s10] =	ssyncadd.s32 $0xFFFFFFB0  }
0xc9: {  	[tilespmem:s15], [sflag:$0x2] =	stream.indirect.gather [hbm4b:s1+s12], $0x80, s13, s12, $0xb8;
	[tilespmem:$0x1DC80] =	vst v63  }
0xca: {  	_ =	swait.ge [sflag:s8], $0x2800  }
0xcb: {  	[sflag:s8] =	ssyncset.done $0x0;
	s21 =	rddreg [dreg:$0x13]  }
0xcc: {  	[sflag:s8] =	ssyncadd.s32 $0xFFFFD800;
	s20 =	sadd.s32 s6, s21  }
0xcd: {  	[tilespmem:s16], [sflag:$0x9] =	stream.linear.gather [hbm4b:s20+s4], $0x50, $0x38;
	[tilespmem:$0x1DC80] =	vst v63  }
0xce: {  	_ =	swait.ge [sflag:s10], $0x50  }
0xcf: {  	[sflag:s10] =	ssyncset.done $0x0;
	s21 =	rddreg [dreg:$0x12]  }
0xd0: {  	[sflag:s10] =	ssyncadd.s32 $0xFFFFFFB0;
	s20 =	sadd.s32 s6, s21  }
0xd1: {  	[tilespmem:s17], [sflag:$0x9] =	stream.linear.gather [hbm4b:s20+s4], $0x50, $0x38;
	[tilespmem:$0x1DC80] =	vst v63  }
0xd2: {  	_ =	swait.ge [sflag:s10], $0x50  }
0xd3: {  	[sflag:s10] =	ssyncset.done $0x0  }
0xd4: {  	[sflag:s10] =	ssyncadd.s32 $0xFFFFFFB0  }
0xd5: {  	[tilespmem:s18], [sflag:$0x3] =	stream.indirect.gather [hbm4b:s1+s12], $0x80, s16, s12, $0xb8;
	[tilespmem:$0x1DC80] =	vst v63  }
0xd6: {  	_ =	swait.ge [sflag:s5], $0x2800  }
0xd7: {  	[sflag:s5] =	ssyncset.done $0x0;
	s21 =	rddreg [dreg:$0x11]  }
0xd8: {  	[sflag:s5] =	ssyncadd.s32 $0xFFFFD800;
	s20 =	sadd.s32 s6, s21  }
0xd9: {  	[tilespmem:s26], [sflag:$0x9] =	stream.linear.gather [hbm4b:s20+s4], $0x50, $0x38;
	[tilespmem:$0x1DC80] =	vst v63  }
0xda: {  	_ =	swait.ge [sflag:s10], $0x50  }
0xdb: {  	[sflag:s10] =	ssyncset.done $0x0;
	s21 =	rddreg [dreg:$0x10]  }
0xdc: {  	[sflag:s10] =	ssyncadd.s32 $0xFFFFFFB0;
	s20 =	sadd.s32 s6, s21  }
0xdd: {  	[tilespmem:s25], [sflag:$0x9] =	stream.linear.gather [hbm4b:s20+s4], $0x50, $0x38;
	[tilespmem:$0x1DC80] =	vst v63  }
.Ltmp4:
0xde: {  	_ = 	snop;
	(pc) =	sbr.rel .LBB2_4-.Ltmp4, $4  }
0xdf: {  	_ =	swait.ge [sflag:s10], $0x50  }
0xe0: {  	[sflag:s10] =	ssyncset.done $0x0  }
0xe1: {  	s19 =	sadd.s32 $0x140, s19;
	s6 =	sadd.s32 $0x28, s6;
	[sflag:s10] =	ssyncadd.s32 $0xFFFFFFB0  }
0xe2: {  	[tilespmem:s28], [sflag:$0x4] =	stream.indirect.gather [hbm4b:s1+s12], $0x80, s26, s12, $0xb8;
	[tilespmem:$0x1DC80] =	vst v63  }
.LBB2_7:
0xe3: {  	_ =	sfence.sel $0x180000  }
0xe4: {  	[bflag:$0x0] =	sbarrier.arrive $0xFFFF  }
0xe5: {  	_ =	strace $0x9000004A  }
0xe6: {  	s0 =	stileid.u32;
	[bflag:$0x2] =	sbarrier.arrive $0xFFFF  }
0xe7: {  	p0 =	sne.s32 s0, $0x0;
	s0 =	rddreg [dreg:$0x3]  }
0xe8: {  	s0 =	sadd.s32 @!p0 $0x100000, s0  }
0xe9: {  	[sflag:s0] =	ssyncadd.tile.s32 @!p0 $0x1;
	_ =	shalt  }
.Lfunc_end2:
_tile_overlayer_lowered:
.L_overlay_start_2:
0xea: {  	(tag) =	ssettag $0x2  }
0xeb: {  	s0 =	rddreg [dreg:$0x0];
	s2 =	stileid.u32  }
0xec: {  	s1 =	rddreg [dreg:$0x1];
	p0 =	sne.s32 s2, $0x0  }
0xed: {  	s3 =	rddreg [dreg:$0x2];
	[bflag:$0x3] =	sbarrier.arrive $0xFFFF;
	s2 =	simm.s32 @!p0 $0x1C09  }
0xee: {  	[timem:s3], [sflag:s2] =	dma.local @!p0 [hbm:s0], s1  }
0xef: {  	s0 =	simm.s32 @!p0 $0x9  }
0xf0: {  	_ =	swait.ge @!p0 [sflag:s0], s1  }
0xf1: {  	s1 =	ssub.s32 @!p0 $0x0, s1;
	[sflag:s0] =	ssyncset.done @!p0 $0x0  }
0xf2: {  	[sflag:s0] =	ssyncadd.s32 @!p0 s1  }
0xf3: {  	[bflag:$0x3] =	sbarrier.arrive $0xFFFF  }
0xf4: {  	_ =	shalt  }

// kernel: kernel.14.cloned.1.call-start
scs
__scs_entry_jumppad:
0x0: {  	(pc) =	sbr.rel $0x88, $3  }
0x1: {  	(tag) =	ssettag $0x0;
	lr =	simm.s32 $0x1  }
0x2: {  	[smem:$0x3F9B] =	sst lr;
	_ =	strace $0xD0000000  }
0x3: {  	_ = 	snop  }
0x4: {  	_ = 	snop  }
0x5: {  	_ = 	snop  }
0x6: {  	_ = 	snop  }
0x7: {  	_ = 	snop  }
__scs_overlays_trampoline_lowered:
0x8: {  	[smem:$0x3FAA] =	sst s0  }
0x9: {  	[smem:$0x3FAB] =	sst s1  }
0xa: {  	[smem:$0x3FAC] =	sst s2  }
0xb: {  	[smem:$0x3FAD] =	sst s3  }
0xc: {  	[smem:$0x3FAE] =	sst s4  }
0xd: {  	[smem:$0x3FAF] =	sst s5  }
0xe: {  	[smem:$0x3FB0] =	sst s6  }
0xf: {  	[smem:$0x3FB1] =	sst s7  }
0x10: {  	[smem:$0x3FB2] =	sst s8  }
0x11: {  	[smem:$0x3FB3] =	sst s9;
	s0 =	simm.s32 @!p0 $0x0  }
0x12: {  	s1 =	sld [smem:$0x3F99];
	s0 =	simm.s32 @p0 $0x1  }
0x13: {  	[smem:$0x3FB4] =	sst s0;
	s0 =	simm.s32 @!p1 $0x0  }
0x14: {  	s2 =	sld [smem:$0x3F98];
	s0 =	simm.s32 @p1 $0x1  }
0x15: {  	[smem:$0x3FB5] =	sst s0;
	s0 =	simm.s32 @!p2 $0x0  }
0x16: {  	s3 =	sld [smem:$0x3FDB];
	s0 =	simm.s32 @p2 $0x1  }
0x17: {  	s4 =	simm.s32 $0x1BF5;
	[smem:$0x3FB7] =	sst s0  }
0x18: {  	s0 =	sld [smem:$0x3F9A];
	_ =	swait.ge [sflag:s4], $0x0  }
0x19: {  	s7 =	sld [smem:$0x3F9B]  }
0x1a: {  	s8 =	sadd.s32 $0xFFFFE003, lr  }
0x1b: {  	s9 =	sadd.s32 $0xFFFFFEF7, lr;
	s5 =	simm.s32 $0xFFFFFFFF;
	p2 =	slt.u32 s8, $0xFFFFF086  }
0x1c: {  	p1 =	slt.u32 s9, $0xF7A;
	s5 =	simm.s32 @!p2 $0x0  }
0x1d: {  	s5 =	simm.s32 @p1 $0x1;
	p0 =	seq.s32 s7, s2  }
0x1e: {  	s7 =	smul.u32 @!p0 $0xF7A, s2;
	p2 =	seq.s32 @!p0 s5, $0x0  }
0x1f: {  	s9 =	smul.u32 $0xF7A, s1;
	s8 =	simm.s32 @!p0 $0x1BF5;
	p2 =	por !p2, p0  }
0x20: {  	[sflag:s8] =	ssyncset.s32 @!p0 $0xFFFFF086;
	s6 =	sadd.s32 @!p0 s3, s7;
	s7 =	simm.s32 @!p0 $0x108  }
0x21: {  	s3 =	sadd.s32 s3, s9;
	s6 =	sadd.s32 @!p0 $0x88, s6;
	s7 =	simm.s32 @p2 $0x1082  }
0x22: {  	[simem:s7], [sflag:s8] =	dma.local @!p0 [hbm:s6], $0xF7A  }
0x23: {  	s9 =	sor.u32 $0xD0000000, s2;
	s6 =	simm.s32 $0x108;
	_ =	swait.ge @!p0 [sflag:s8], $0x0  }
0x24: {  	s3 =	sadd.s32 $0x88, s3;
	s6 =	simm.s32 @!p1 $0x1082;
	[sflag:s4] =	ssyncset.s32 $0xFFFFF086  }
0x25: {  	[simem:s6], [sflag:s4] =	dma.local [hbm:s3], $0xF7A  }
0x26: {  	[smem:$0x3F9B] =	sst s1;
	(tag) =	ssettag s2;
	_ =	strace s9  }
0x27: {  	s1 =	sld [smem:$0x3FAB]  }
0x28: {  	s2 =	sld [smem:$0x3FAC]  }
0x29: {  	s4 =	sld [smem:$0x3FAE]  }
0x2a: {  	p0 =	seq.s32 s5, $0x0;
	s5 =	sld [smem:$0x3FAF]  }
0x2b: {  	s6 =	sld [smem:$0x3FB0]  }
0x2c: {  	s7 =	sld [smem:$0x3FB1]  }
0x2d: {  	s3 =	simm.s32 $0x108;
	s8 =	sld [smem:$0x3FB2]  }
0x2e: {  	s3 =	simm.s32 @!p0 $0x1082;
	s9 =	sld [smem:$0x3FB3]  }
0x2f: {  	lr =	sadd.s32 s0, s3;
	s0 =	sld [smem:$0x3FAA]  }
0x30: {  	s3 =	sld [smem:$0x3FAD]  }
0x31: {  	[smem:$0x3FB6] =	sst s10  }
0x32: {  	s10 =	sld [smem:$0x3FB4];
	_ =	sdelay $0x3  }
0x33: {  	p0 =	seq.s32 s10, $0x1;
	s10 =	sld [smem:$0x3FB6];
	_ =	sdelay $0x3  }
0x34: {  	[smem:$0x3FB6] =	sst s10  }
0x35: {  	s10 =	sld [smem:$0x3FB5];
	_ =	sdelay $0x3  }
0x36: {  	p1 =	seq.s32 s10, $0x1;
	s10 =	sld [smem:$0x3FB6];
	_ =	sdelay $0x3  }
0x37: {  	[smem:$0x3FB6] =	sst s10  }
0x38: {  	s10 =	sld [smem:$0x3FB7]  }
0x39: {  	_ = 	snop;
	(pc) =	sbr.ind lr, $3  }
0x3a: {  	_ = 	snop  }
0x3b: {  	_ = 	snop  }
0x3c: {  	p2 =	seq.s32 s10, $0x1;
	s10 =	sld [smem:$0x3FB6]  }
0x3d: {  	_ =	shalt  }
0x3e: {  	_ =	shalt  }
0x3f: {  	_ =	shalt  }
0x40: {  	_ =	shalt  }
0x41: {  	_ =	shalt  }
0x42: {  	_ =	shalt  }
0x43: {  	_ =	shalt  }
0x44: {  	_ =	shalt  }
0x45: {  	_ =	shalt  }
0x46: {  	_ =	shalt  }
0x47: {  	_ =	shalt  }
0x48: {  	_ =	shalt  }
0x49: {  	_ =	shalt  }
0x4a: {  	_ =	shalt  }
0x4b: {  	_ =	shalt  }
0x4c: {  	_ =	shalt  }
0x4d: {  	_ =	shalt  }
0x4e: {  	_ =	shalt  }
0x4f: {  	_ =	shalt  }
0x50: {  	_ =	shalt  }
0x51: {  	_ =	shalt  }
0x52: {  	_ =	shalt  }
0x53: {  	_ =	shalt  }
0x54: {  	_ =	shalt  }
0x55: {  	_ =	shalt  }
0x56: {  	_ =	shalt  }
0x57: {  	_ =	shalt  }
0x58: {  	_ =	shalt  }
0x59: {  	_ =	shalt  }
0x5a: {  	_ =	shalt  }
0x5b: {  	_ =	shalt  }
0x5c: {  	_ =	shalt  }
0x5d: {  	_ =	shalt  }
0x5e: {  	_ =	shalt  }
0x5f: {  	_ =	shalt  }
0x60: {  	_ =	shalt  }
0x61: {  	_ =	shalt  }
0x62: {  	_ =	shalt  }
0x63: {  	_ =	shalt  }
0x64: {  	_ =	shalt  }
0x65: {  	_ =	shalt  }
0x66: {  	_ =	shalt  }
0x67: {  	_ =	shalt  }
0x68: {  	_ =	shalt  }
0x69: {  	_ =	shalt  }
0x6a: {  	_ =	shalt  }
0x6b: {  	_ =	shalt  }
0x6c: {  	_ =	shalt  }
0x6d: {  	_ =	shalt  }
0x6e: {  	_ =	shalt  }
0x6f: {  	_ =	shalt  }
0x70: {  	_ =	shalt  }
0x71: {  	_ =	shalt  }
0x72: {  	_ =	shalt  }
0x73: {  	_ =	shalt  }
0x74: {  	_ =	shalt  }
0x75: {  	_ =	shalt  }
0x76: {  	_ =	shalt  }
0x77: {  	_ =	shalt  }
0x78: {  	_ =	shalt  }
0x79: {  	_ =	shalt  }
0x7a: {  	_ =	shalt  }
0x7b: {  	_ =	shalt  }
0x7c: {  	_ =	shalt  }
0x7d: {  	_ =	shalt  }
0x7e: {  	_ =	shalt  }
0x7f: {  	_ =	shalt  }
0x80: {  	_ =	shalt  }
0x81: {  	_ =	shalt  }
0x82: {  	_ =	shalt  }
0x83: {  	_ =	shalt  }
0x84: {  	_ =	shalt  }
0x85: {  	_ =	shalt  }
0x86: {  	_ =	shalt  }
0x87: {  	_ =	shalt  }
.Lfunc_end0:
.L_simem_size_0:
called_computation.2_lowered:
.L_overlay_start_0:
0x88: {  	s2 =	sld [smem:$0x3FD9]  }
0x89: {  	s3 =	sld [smem:$0x3FFE];
	_ =	sdelay $0x1  }
0x8a: {  	s1 =	srdreg.scid  }
0x8b: {  	s0 =	sand.u32 $0x1, s1  }
0x8c: {  	s17 =	sshll.u32 s0, $0xA;
	s2 =	sadd.s32 s3, s2  }
0x8d: {  	s2 =	sadd.s32 s2, s17  }
0x8e: {  	[smem:$0x3FC2] =	sst s2  }
0x8f: {  	_ = 	snop  }
0x90: {  	s2 =	sld [smem:$0x3FD0];
	(tm) =	ssettm $0x1  }
0x91: {  	s18 =	sld [smem:$0x3FFB];
	_ =	sdelay $0x3  }
0x92: {  	_ =	strace s18  }
0x93: {  	s3 =	sld [smem:$0x3FFC];
	_ =	sdelay $0x3  }
0x94: {  	_ =	strace s3  }
0x95: {  	s3 =	sld [smem:$0x3FFD];
	_ =	sdelay $0x3  }
0x96: {  	_ =	strace s3  }
0x97: {  	_ =	strace $0x8FFFFFFF  }
0x98: {  	s19 =	sld [smem:$0x3FDB];
	_ =	sdelay $0x1  }
0x99: {  	s4 =	simm.s32 $_scs_section_size  }
0x9a: {  	s5 =	simm.s32 $_size__tile_overlayer_lowered;
	s6 =	simm.s32 $_tile_overlayer_lowered  }
0x9b: {  	s22 =	simm.s32 $0x1BFF;
	s21 =	sshll.u32 s6, $0x1;
	s3 =	sadd.s32 s4, s19  }
0x9c: {  	s7 =	simm.s32 $0x0;
	s20 =	sshll.u32 s5, $0x1;
	s5 =	sadd.s32 s21, s3  }
0x9d: {  	[timem:s7], [sflag:s22] =	dma.local [hbm:s5], s20  }
0x9e: {  	_ =	swait.ge [sflag:s22], s20  }
0x9f: {  	s4 =	ssub.s32 $0x0, s20;
	[sflag:s22] =	ssyncset.done $0x0  }
0xa0: {  	[sflag:s22] =	ssyncadd.s32 s4;
	_ =	sdelay $0x1  }
0xa1: {  	s23 =	simm.s32 $0x1B8B  }
0xa2: {  	_ =	swait.ge [sflag:s23], $0x1  }
0xa3: {  	[sflag:s23] =	ssyncset.done $0x0  }
0xa4: {  	s25 =	simm.s32 $0x1B8E;
	s24 =	sld [smem:$0x3FFE];
	[sflag:s23] =	ssyncadd.s32 $0xFFFFFFFF  }
0xa5: {  	s26 =	simm.s32 $execute0_lowered;
	[smem:$0x3FD2] =	sst s25  }
0xa6: {  	s5 =	sshll.u32 s26, $0x1;
	_ =	strace $0x8000004C;
	[dreg:$0x1] =	wrdreg $0xFFFFFFFF  }
0xa7: {  	s28 =	simm.s32 $_size_execute0_lowered;
	s3 =	sadd.s32 s3, s5;
	[dreg:$0x0] =	wrdreg $0x0  }
0xa8: {  	s5 =	sshll.u32 s28, $0x1;
	[dreg:$0x2] =	wrdreg s3  }
0xa9: {  	[dreg:$0x3] =	wrdreg s5  }
0xaa: {  	[dreg:$0x4] =	wrdreg $0xC0  }
0xab: {  	_ =	task [dreg:s7], $0x5FFFF  }
0xac: {  	[dreg:$0x1] =	wrdreg $0xFFFFFFFF  }
0xad: {  	[dreg:$0x0] =	wrdreg $0x60  }
0xae: {  	[dreg:$0x2] =	wrdreg s2  }
0xaf: {  	[dreg:$0x3] =	wrdreg s24  }
0xb0: {  	[dreg:$0x4] =	wrdreg $0xA4000  }
0xb1: {  	[dreg:$0x5] =	wrdreg $0x9  }
0xb2: {  	_ =	task.clear_ibuf [dreg:s7], $0x6FFFF;
	_ =	strace $0x9000004C  }
0xb3: {  	s29 =	simm.s32 $0x9;
	_ =	strace $0x8000004E  }
0xb4: {  	_ =	swait.ge [sflag:s29], $0x1  }
0xb5: {  	[sflag:s29] =	ssyncadd.s32 $0xFFFFFFFF  }
0xb6: {  	_ =	strace $0x9000004E  }
0xb7: {  	_ =	sfence  }
0xb8: {  	s30 =	sld [smem:$0x0];
	_ =	sdelay $0x2  }
0xb9: {  	s31 =	sshll.u32 s1, $0xD;
	s1 =	sshrl.u32 s1, $0x2  }
0xba: {  	s3 =	sand.u32 $0x4000, s31;
	s1 =	sadd.s32 s1, s30  }
0xbb: {  	s0 =	sor.u32 s3, s0;
	s1 =	sshll.u32 s1, $0x11  }
0xbc: {  	s0 =	sor.u32 s1, s0  }
0xbd: {  	s0 =	sadd.s32 $0x8F2B, s0  }
0xbe: {  	[sflag:s0] =	ssyncadd.remote.s32 $0x1  }
0xbf: {  	_ =	sfence.sel $0xFFFF  }
0xc0: {  	[dreg:$0x0] =	wrdreg $0xFFFFFFFF;
	(pc) =	sbr.abs _section_cstart, $3  }
0xc1: {  	[dreg:$0x1] =	wrdreg $0xFFFFFFFF  }
0xc2: {  	_ =	task.clear_ibuf [dreg:s7], $0x2FFFF;
	_ =	strace $0x9FFFFFFF  }
0xc3: {  	(tm) =	ssettm $0x7FFFFFFF  }
tec
execute0_lowered:
.L_overlay_start_1:
0x0: {  	(tag) =	ssettag $0x1  }
0x1: {  	s1 =	rddreg [dreg:$0x0]  }
0x2: {  	s0 =	rddreg [dreg:$0x1]  }
0x3: {  	s2 =	srdreg.scid;
	s11 =	stileid.u32  }
0x4: {  	s3 =	rddreg [dreg:$0x2];
	s4 =	simm.s32 $0x0;
	s28 =	simm.s32 $0x7C00  }
0x5: {  	s29 =	simm.s32 $0x1;
	s30 =	simm.s32 $0x2;
	s31 =	simm.s32 $0x3  }
0x6: {  	s2 =	sand.u32 $0x1, s2;
	s5 =	sshll.u32 s11, $0x1;
	s6 =	smul.u32 $0x4E000, s11  }
0x7: {  	[smem:$0x7FF] =	sst s4;
	s12 =	sadd.s32 $0x2000, s0;
	s10 =	smul.u32 $0x13800, s11  }
0x8: {  	s13 =	sadd.s32 $0xBE00, s0;
	s0 =	sadd.s32 $0x15C00, s0;
	s21 =	smul.u32 $0x4E20, s11  }
0x9: {  	p0 =	sne.s32 s11, $0xF;
	s11 =	simm.s32 $0x200;
	s5 =	sor.u32 s2, s5  }
0xa: {  	_ =	strace $0x8000004D;
	s7 =	ssub.s32 $0x2, s2;
	s18 =	smul.u32 $0x138800, s2  }
0xb: {  	s2 =	smul.u32 $0x2710, s2;
	s8 =	sshrl.u32 s7, $0x1;
	s6 =	sshrl.u32 s6, $0x2  }
0xc: {  	s5 =	smul.u32 $0x2710, s5;
	s7 =	ssub.s32 s7, s8;
	s14 =	sadd.s32 s6, s3  }
0xd: {  	s23 =	sadd.s32 s10, s18;
	s8 =	sshrl.u32 s18, $0x3;
	s2 =	sadd.s32 s2, s21  }
0xe: {  	s5 =	sshrl.u32 s5, $0x3;
	s25 =	smax.u32 s7, $0x1;
	[dreg:$0x4] =	wrdreg s14  }
0xf: {  	s24 =	sadd.s32 $0x230, s2;
	s18 =	sadd.s32 $0x7800, s14;
	[dreg:$0xf] =	wrdreg s25  }
0x10: {  	s7 =	sadd.s32 $0x1E0, s2;
	s21 =	sadd.s32 $0xF000, s14;
	[dreg:$0x18] =	wrdreg s18  }
0x11: {  	s15 =	sadd.s32 s12, s5;
	s16 =	sadd.s32 s13, s5;
	[dreg:$0x1b] =	wrdreg s21  }
0x12: {  	s17 =	sadd.s32 $0xA, s5;
	s19 =	sadd.s32 $0x14, s5;
	[dreg:$0x5] =	wrdreg s15  }
0x13: {  	s5 =	sadd.s32 $0x1E, s5;
	s25 =	sadd.s32 $0x11800, s14;
	[dreg:$0x6] =	wrdreg s16  }
0x14: {  	s26 =	sshrl.u32 s24, $0x3;
	s9 =	sadd.s32 s12, s17;
	[dreg:$0x1c] =	wrdreg s25  }
0x15: {  	s18 =	simm.s32 $0x5400;
	s6 =	sadd.s32 s13, s17;
	[dreg:$0x7] =	wrdreg s9  }
0x16: {  	s20 =	sadd.s32 s12, s19;
	s22 =	sadd.s32 s12, s5;
	[dreg:$0x8] =	wrdreg s6  }
0x17: {  	s5 =	sadd.s32 s13, s5;
	s15 =	sadd.s32 $0x140, s2;
	[dreg:$0x9] =	wrdreg s20  }
0x18: {  	s16 =	sadd.s32 $0x2800, s14;
	s17 =	sadd.s32 $0x5000, s14;
	[dreg:$0xb] =	wrdreg s22  }
0x19: {  	s25 =	simm.s32 $0x380;
	s9 =	sadd.s32 s13, s19;
	[dreg:$0xc] =	wrdreg s5  }
0x1a: {  	s5 =	sshrl.u32 s23, $0x3;
	s6 =	sadd.s32 $0x190, s2;
	[dreg:$0x15] =	wrdreg s15  }
0x1b: {  	s23 =	smov.u32 s13;
	s22 =	smov.u32 s12;
	[dreg:$0x16] =	wrdreg s16  }
0x1c: {  	[dreg:$0x17] =	wrdreg s17;
	s19 =	sadd.s32 $0xA000, s14;
	s20 =	sadd.s32 $0xC800, s14  }
0x1d: {  	s14 =	simm.s32 $0x280;
	s15 =	simm.s32 $0x2C00;
	s16 =	simm.s32 $0x100  }
0x1e: {  	s17 =	simm.s32 $0x300;
	s2 =	simm.s32 $0x4;
	[dreg:$0xa] =	wrdreg s9  }
0x1f: {  	s5 =	sadd.s32 s0, s5;
	s0 =	sadd.s32 s0, s8;
	[dreg:$0x19] =	wrdreg s19  }
0x20: {  	s8 =	sshrl.u32 s7, $0x3;
	s9 =	sshrl.u32 s6, $0x3;
	[dreg:$0x1a] =	wrdreg s20  }
0x21: {  	s7 =	simm.s32 $0x6;
	[dreg:$0xd] =	wrdreg s5;
	s0 =	sadd.s32 $0x27000, s0  }
0x22: {  	s20 =	simm.s32 $0x0;
	s5 =	sadd.s32 s26, s13;
	[dreg:$0xe] =	wrdreg s0  }
0x23: {  	s10 =	sadd.s32 s8, s13;
	s13 =	sadd.s32 s9, s13;
	[dreg:$0x10] =	wrdreg s5  }
0x24: {  	s24 =	sadd.s32 s9, s12;
	s9 =	simm.s32 $0x400;
	[dreg:$0x12] =	wrdreg s10  }
.Ltmp0:
0x25: {  	s0 =	sadd.s32 s26, s12;
	[dreg:$0x14] =	wrdreg s13;
	(pc) =	sbr.rel .LBB2_1-.Ltmp0, $4  }
0x26: {  	s26 =	sadd.s32 $0x138000, s3;
	s10 =	simm.s32 $0x9;
	s13 =	simm.s32 $0x80  }
0x27: {  	s5 =	simm.s32 $0x8;
	[dreg:$0x11] =	wrdreg s0;
	s0 =	sadd.s32 s8, s12  }
0x28: {  	[dreg:$0x1d] =	wrdreg s26;
	s12 =	simm.s32 $0x50;
	s26 =	simm.s32 $0x180  }
0x29: {  	v0 =	vimm.f32 $0.0e+00;
	s8 =	simm.s32 $0x7;
	[dreg:$0x13] =	wrdreg s0;
	s0 =	simm.s32 $0x5  }
.LBB2_6:
0x2a: {  	_ =	swait.ge [sflag:s8], $0x2800  }
0x2b: {  	[sflag:s8] =	ssyncset.done $0x0  }
0x2c: {  	[sflag:s8] =	ssyncadd.s32 $0xFFFFD800  }
0x2d: {  	_ =	swait.ge [sflag:s5], $0x2800  }
0x2e: {  	[sflag:s5] =	ssyncset.done $0x0  }
0x2f: {  	[sflag:s5] =	ssyncadd.s32 $0xFFFFD800  }
0x30: {  	_ =	swait.ge [sflag:s29], $0x2800  }
0x31: {  	[sflag:s29] =	ssyncset.done $0x0  }
0x32: {  	[sflag:s29] =	ssyncadd.s32 $0xFFFFD800  }
0x33: {  	[spmem:s3] =	stream.indirect.scatter.add.f32 [tilespmem:s9], [sflag:$0x9], $0x80, s11, s12, $0xb8;
	[tilespmem:$0x1DC80] =	vst v63  }
0x34: {  	_ =	swait.ge [sflag:s10], $0x2800  }
0x35: {  	[sflag:s10] =	ssyncset.done $0x0  }
0x36: {  	[sflag:s10] =	ssyncadd.s32 $0xFFFFD800  }
0x37: {  	s6 =	stileid.u32;
	[bflag:$0x0] =	sbarrier.arrive $0xFFFF  }
0x38: {  	s6 =	sshll.u32 s6, $0x6;
	s19 =	rddreg [dreg:$0x4]  }
0x39: {  	s6 =	sor.u32 $0x1C09, s6;
	s20 =	rddreg [dreg:$0xd];
	s19 =	sshrl.u32 s19, $0x3  }
0x3a: {  	[hbm:s20], [sflag:s6] =	dma.local [spmem:s19], $0x2700  }
0x3b: {  	_ =	swait.ge [sflag:s10], $0x2700  }
0x3c: {  	[sflag:s10] =	ssyncset.done $0x0;
	s19 =	rddreg [dreg:$0x1d]  }
0x3d: {  	s20 =	rddreg [dreg:$0xe];
	[sflag:s10] =	ssyncadd.s32 $0xFFFFD900;
	s19 =	sshrl.u32 @!p0 s19, $0x3  }
0x3e: {  	[hbm:s20], [sflag:s6] =	dma.local @!p0 [spmem:s19], $0x100  }
0x3f: {  	s6 =	simm.s32 @!p0 $0x9  }
0x40: {  	_ =	swait.ge @!p0 [sflag:s6], $0x100  }
0x41: {  	s19 =	rddreg [dreg:$0x1e]  }
0x42: {  	s21 =	rddreg [dreg:$0xf];
	s20 =	sadd.s32 $0x1, s19  }
0x43: {  	p1 =	sne.s32 s20, s21  }
.Ltmp1:
0x44: {  	_ = 	snop;
	(pc) =	sbr.rel @!p1 .LBB2_7-.Ltmp1, $3  }
0x45: {  	_ =	sdelay $0x1  }
0x46: {  	[sflag:s6] =	ssyncset.done @!p0 $0x0  }
0x47: {  	[sflag:s6] =	ssyncadd.s32 @!p0 $0xFFFFFF00  }
.LBB2_1:
0x48: {  	s6 =	sand.u32 $0xFE00, s4  }
0x49: {  	[dreg:$0x1e] =	wrdreg s20;
	s19 =	sand.u32 $0x70, s4;
	s21 =	sshrl.u32 s6, $0x2  }
0x4a: {  	s6 =	simm.s32 $0x40;
	s20 =	sor.u32 s19, s21;
	s19 =	simm.s32 $0x0  }
.LBB2_2:
0x4b: {  	p1 =	sne.s32 s6, $0x9FC0  }
0x4c: {  	[tilespmem:s20+$0x400] =	vst v0;
	s19 =	sadd.s32 $0x10, s19;
	s20 =	smov.u32 s6;
	s6 =	sadd.s32 $0x40, s6  }
.Ltmp2:
0x4d: {  	(pc) =	sbr.rel @p1 .LBB2_2-.Ltmp2, $4  }
0x4e: {  	_ = 	snop  }
0x4f: {  	s20 =	sand.u32 $0xFE00, s20  }
0x50: {  	s21 =	sand.u32 $0x70, s19;
	s20 =	sshrl.u32 s20, $0x2  }
0x51: {  	s20 =	sor.u32 s21, s20  }
0x52: {  	[tilespmem:s20+$0x400] =	vst v0;
	s6 =	rddreg [dreg:$0x4]  }
0x53: {  	[spmem:s6] =	stream.linear.scatter [tilespmem:s9], [sflag:$0x9], $0x2800, $0x38;
	[tilespmem:$0x1DC80] =	vst v63  }
0x54: {  	_ =	swait.ge [sflag:s10], $0x2800  }
0x55: {  	[sflag:s10] =	ssyncset.done $0x0  }
0x56: {  	s19 =	rddreg [dreg:$0x16];
	[sflag:s10] =	ssyncadd.s32 $0xFFFFD800  }
0x57: {  	[spmem:s19] =	stream.linear.scatter [tilespmem:s9], [sflag:$0x9], $0x2800, $0x38;
	[tilespmem:$0x1DC80] =	vst v63  }
0x58: {  	_ =	swait.ge [sflag:s10], $0x2800  }
0x59: {  	[sflag:s10] =	ssyncset.done $0x0  }
0x5a: {  	s20 =	rddreg [dreg:$0x17];
	[sflag:s10] =	ssyncadd.s32 $0xFFFFD800  }
0x5b: {  	[spmem:s20] =	stream.linear.scatter [tilespmem:s9], [sflag:$0x9], $0x2800, $0x38;
	[tilespmem:$0x1DC80] =	vst v63  }
0x5c: {  	_ =	swait.ge [sflag:s10], $0x2800  }
0x5d: {  	[sflag:s10] =	ssyncset.done $0x0  }
0x5e: {  	s21 =	rddreg [dreg:$0x18];
	[sflag:s10] =	ssyncadd.s32 $0xFFFFD800  }
0x5f: {  	[spmem:s21] =	stream.linear.scatter [tilespmem:s9], [sflag:$0x9], $0x2800, $0x38;
	[tilespmem:$0x1DC80] =	vst v63  }
0x60: {  	_ =	swait.ge [sflag:s10], $0x2800  }
0x61: {  	[sflag:s10] =	ssyncset.done $0x0  }
0x62: {  	s19 =	rddreg [dreg:$0x19];
	[sflag:s10] =	ssyncadd.s32 $0xFFFFD800  }
0x63: {  	[spmem:s19] =	stream.linear.scatter [tilespmem:s9], [sflag:$0x9], $0x2800, $0x38;
	[tilespmem:$0x1DC80] =	vst v63  }
0x64: {  	_ =	swait.ge [sflag:s10], $0x2800  }
0x65: {  	[sflag:s10] =	ssyncset.done $0x0  }
0x66: {  	s20 =	rddreg [dreg:$0x1a];
	[sflag:s10] =	ssyncadd.s32 $0xFFFFD800  }
0x67: {  	[spmem:s20] =	stream.linear.scatter [tilespmem:s9], [sflag:$0x9], $0x2800, $0x38;
	[tilespmem:$0x1DC80] =	vst v63  }
0x68: {  	_ =	swait.ge [sflag:s10], $0x2800  }
0x69: {  	[sflag:s10] =	ssyncset.done $0x0  }
0x6a: {  	s21 =	rddreg [dreg:$0x1b];
	[sflag:s10] =	ssyncadd.s32 $0xFFFFD800  }
0x6b: {  	[spmem:s21] =	stream.linear.scatter [tilespmem:s9], [sflag:$0x9], $0x2800, $0x38;
	[tilespmem:$0x1DC80] =	vst v63  }
0x6c: {  	_ =	swait.ge [sflag:s10], $0x2800  }
0x6d: {  	[sflag:s10] =	ssyncset.done $0x0  }
0x6e: {  	s19 =	rddreg [dreg:$0x1c];
	[sflag:s10] =	ssyncadd.s32 $0xFFFFD800  }
0x6f: {  	[spmem:s19] =	stream.linear.scatter [tilespmem:s9], [sflag:$0x9], $0x2000, $0x38;
	[tilespmem:$0x1DC80] =	vst v63  }
0x70: {  	_ =	swait.ge [sflag:s10], $0x2000  }
0x71: {  	[sflag:s10] =	ssyncset.done $0x0  }
0x72: {  	s6 =	simm.s32 @!p0 $0x400;
	s19 =	rddreg [dreg:$0x1d];
	[sflag:s10] =	ssyncadd.s32 $0xFFFFE000  }
0x73: {  	[spmem:s19] =	stream.linear.scatter @!p0 [tilespmem:s6], [sflag:$0x9], $0x800, $0x38;
	[tilespmem:$0x1DC80] =	vst v63  }
0x74: {  	s6 =	simm.s32 @!p0 $0x9  }
0x75: {  	_ =	swait.ge @!p0 [sflag:s6], $0x800  }
0x76: {  	[sflag:s6] =	ssyncset.done @!p0 $0x0  }
0x77: {  	[sflag:s6] =	ssyncadd.s32 @!p0 $0xFFFFF800  }
0x78: {  	[bflag:$0x0] =	sbarrier.arrive $0xFFFF  }
0x79: {  	s6 =	simm.s32 $0x0;
	s20 =	rddreg [dreg:$0x5]  }
0x7a: {  	[tilespmem:s6], [sflag:$0x9] =	stream.linear.gather [hbm4b:s20+s6], $0x50, $0x38;
	[tilespmem:$0x1DC80] =	vst v63  }
0x7b: {  	_ =	swait.ge [sflag:s10], $0x50  }
0x7c: {  	[sflag:s10] =	ssyncset.done $0x0  }
0x7d: {  	s21 =	rddreg [dreg:$0x6];
	[sflag:s10] =	ssyncadd.s32 $0xFFFFFFB0  }
0x7e: {  	[tilespmem:s11], [sflag:$0x9] =	stream.linear.gather [hbm4b:s21+s6], $0x50, $0x38;
	[tilespmem:$0x1DC80] =	vst v63  }
0x7f: {  	_ =	swait.ge [sflag:s10], $0x50  }
0x80: {  	[sflag:s10] =	ssyncset.done $0x0  }
0x81: {  	[sflag:s10] =	ssyncadd.s32 $0xFFFFFFB0  }
0x82: {  	[tilespmem:s9], [sflag:$0x1] =	stream.indirect.gather [hbm4b:s1+s12], $0x80, s6, s12, $0xb8;
	[tilespmem:$0x1DC80] =	vst v63  }
0x83: {  	s20 =	rddreg [dreg:$0x7]  }
0x84: {  	[tilespmem:s13], [sflag:$0x9] =	stream.linear.gather [hbm4b:s20+s6], $0x50, $0x38;
	[tilespmem:$0x1DC80] =	vst v63  }
0x85: {  	_ =	swait.ge [sflag:s10], $0x50  }
0x86: {  	[sflag:s10] =	ssyncset.done $0x0  }
0x87: {  	s21 =	rddreg [dreg:$0x8];
	[sflag:s10] =	ssyncadd.s32 $0xFFFFFFB0  }
0x88: {  	[tilespmem:s14], [sflag:$0x9] =	stream.linear.gather [hbm4b:s21+s6], $0x50, $0x38;
	[tilespmem:$0x1DC80] =	vst v63  }
0x89: {  	_ =	swait.ge [sflag:s10], $0x50  }
0x8a: {  	[sflag:s10] =	ssyncset.done $0x0  }
0x8b: {  	[sflag:s10] =	ssyncadd.s32 $0xFFFFFFB0  }
0x8c: {  	[tilespmem:s15], [sflag:$0x2] =	stream.indirect.gather [hbm4b:s1+s12], $0x80, s13, s12, $0xb8;
	[tilespmem:$0x1DC80] =	vst v63  }
0x8d: {  	s20 =	rddreg [dreg:$0x9]  }
0x8e: {  	[tilespmem:s16], [sflag:$0x9] =	stream.linear.gather [hbm4b:s20+s6], $0x50, $0x38;
	[tilespmem:$0x1DC80] =	vst v63  }
0x8f: {  	_ =	swait.ge [sflag:s10], $0x50  }
0x90: {  	[sflag:s10] =	ssyncset.done $0x0  }
0x91: {  	s21 =	rddreg [dreg:$0xa];
	[sflag:s10] =	ssyncadd.s32 $0xFFFFFFB0  }
0x92: {  	[tilespmem:s17], [sflag:$0x9] =	stream.linear.gather [hbm4b:s21+s6], $0x50, $0x38;
	[tilespmem:$0x1DC80] =	vst v63  }
0x93: {  	_ =	swait.ge [sflag:s10], $0x50  }
0x94: {  	[sflag:s10] =	ssyncset.done $0x0  }
0x95: {  	[sflag:s10] =	ssyncadd.s32 $0xFFFFFFB0  }
0x96: {  	[tilespmem:s18], [sflag:$0x3] =	stream.indirect.gather [hbm4b:s1+s12], $0x80, s16, s12, $0xb8;
	[tilespmem:$0x1DC80] =	vst v63  }
0x97: {  	s20 =	rddreg [dreg:$0xb]  }
0x98: {  	[tilespmem:s26], [sflag:$0x9] =	stream.linear.gather [hbm4b:s20+s6], $0x50, $0x38;
	[tilespmem:$0x1DC80] =	vst v63  }
0x99: {  	_ =	swait.ge [sflag:s10], $0x50  }
0x9a: {  	[sflag:s10] =	ssyncset.done $0x0  }
0x9b: {  	s21 =	rddreg [dreg:$0xc];
	[sflag:s10] =	ssyncadd.s32 $0xFFFFFFB0  }
0x9c: {  	[tilespmem:s25], [sflag:$0x9] =	stream.linear.gather [hbm4b:s21+s6], $0x50, $0x38;
	[tilespmem:$0x1DC80] =	vst v63  }
0x9d: {  	_ =	swait.ge [sflag:s10], $0x50  }
0x9e: {  	[sflag:s10] =	ssyncset.done $0x0  }
0x9f: {  	s19 =	rddreg [dreg:$0x15];
	[sflag:s10] =	ssyncadd.s32 $0xFFFFFFB0  }
0xa0: {  	[tilespmem:s28], [sflag:$0x4] =	stream.indirect.gather [hbm4b:s1+s12], $0x80, s26, s12, $0xb8;
	[tilespmem:$0x1DC80] =	vst v63  }
.LBB2_4:
0xa1: {  	_ =	swait.ge [sflag:s29], $0x2800  }
0xa2: {  	[sflag:s29] =	ssyncset.done $0x0  }
0xa3: {  	[sflag:s29] =	ssyncadd.s32 $0xFFFFD800  }
0xa4: {  	[spmem:s3] =	stream.indirect.scatter.add.f32 [tilespmem:s9], [sflag:$0x5], $0x80, s11, s12, $0xb8;
	[tilespmem:$0x1DC80] =	vst v63  }
0xa5: {  	_ =	swait.ge [sflag:s30], $0x2800  }
0xa6: {  	[sflag:s30] =	ssyncset.done $0x0  }
0xa7: {  	[sflag:s30] =	ssyncadd.s32 $0xFFFFD800  }
0xa8: {  	[spmem:s3] =	stream.indirect.scatter.add.f32 [tilespmem:s15], [sflag:$0x6], $0x80, s14, s12, $0xb8;
	[tilespmem:$0x1DC80] =	vst v63  }
0xa9: {  	_ =	swait.ge [sflag:s31], $0x2800  }
0xaa: {  	[sflag:s31] =	ssyncset.done $0x0  }
0xab: {  	[sflag:s31] =	ssyncadd.s32 $0xFFFFD800  }
0xac: {  	[spmem:s3] =	stream.indirect.scatter.add.f32 [tilespmem:s18], [sflag:$0x7], $0x80, s17, s12, $0xb8;
	[tilespmem:$0x1DC80] =	vst v63  }
0xad: {  	_ =	swait.ge [sflag:s2], $0x2800  }
0xae: {  	[sflag:s2] =	ssyncset.done $0x0  }
0xaf: {  	[sflag:s2] =	ssyncadd.s32 $0xFFFFD800  }
0xb0: {  	[spmem:s3] =	stream.indirect.scatter.add.f32 [tilespmem:s28], [sflag:$0x8], $0x80, s25, s12, $0xb8;
	[tilespmem:$0x1DC80] =	vst v63  }
0xb1: {  	_ =	swait.ge [sflag:s0], $0x2800  }
0xb2: {  	s20 =	sshrl.u32 s19, $0x3;
	[sflag:s0] =	ssyncset.done $0x0  }
0xb3: {  	s21 =	sadd.s32 s22, s20;
	[sflag:s0] =	ssyncadd.s32 $0xFFFFD800  }
0xb4: {  	[tilespmem:s4], [sflag:$0x9] =	stream.linear.gather [hbm4b:s21+s4], $0x50, $0x38;
	[tilespmem:$0x1DC80] =	vst v63  }
0xb5: {  	_ =	swait.ge [sflag:s10], $0x50  }
0xb6: {  	[sflag:s10] =	ssyncset.done $0x0  }
0xb7: {  	s20 =	sadd.s32 s23, s20;
	[sflag:s10] =	ssyncadd.s32 $0xFFFFFFB0  }
0xb8: {  	[tilespmem:s11], [sflag:$0x9] =	stream.linear.gather [hbm4b:s20+s4], $0x50, $0x38;
	[tilespmem:$0x1DC80] =	vst v63  }
0xb9: {  	_ =	swait.ge [sflag:s10], $0x50  }
0xba: {  	p1 =	seq.s32 s6, $0x4B0;
	[sflag:s10] =	ssyncset.done $0x0  }
.Ltmp3:
0xbb: {  	[sflag:s10] =	ssyncadd.s32 $0xFFFFFFB0;
	(pc) =	sbr.rel @p1 .LBB2_6-.Ltmp3, $4  }
0xbc: {  	[tilespmem:s9], [sflag:$0x1] =	stream.indirect.gather [hbm4b:s1+s12], $0x80, s4, s12, $0xb8;
	[tilespmem:$0x1DC80] =	vst v63  }
0xbd: {  	_ =	swait.ge [sflag:s7], $0x2800  }
0xbe: {  	[sflag:s7] =	ssyncset.done $0x0  }
0xbf: {  	[sflag:s7] =	ssyncadd.s32 $0xFFFFD800  }
0xc0: {  	s20 =	sadd.s32 s6, s24  }
0xc1: {  	[tilespmem:s13], [sflag:$0x9] =	stream.linear.gather [hbm4b:s20+s4], $0x50, $0x38;
	[tilespmem:$0x1DC80] =	vst v63  }
0xc2: {  	_ =	swait.ge [sflag:s10], $0x50  }
0xc3: {  	[sflag:s10] =	ssyncset.done $0x0;
	s21 =	rddreg [dreg:$0x14]  }
0xc4: {  	[sflag:s10] =	ssyncadd.s32 $0xFFFFFFB0;
	s20 =	sadd.s32 s6, s21  }
0xc5: {  	[tilespmem:s14], [sflag:$0x9] =	stream.linear.gather [hbm4b:s20+s4], $0x50, $0x38;
	[tilespmem:$0x1DC80] =	vst v63  }
0xc6: {  	_ =	swait.ge [sflag:s10], $0x50  }
0xc7: {  	[sflag:s10] =	ssyncset.done $0x0  }
0xc8: {  	[sflag:s10] =	ssyncadd.s32 $0xFFFFFFB0  }
0xc9: {  	[tilespmem:s15], [sflag:$0x2] =	stream.indirect.gather [hbm4b:s1+s12], $0x80, s13, s12, $0xb8;
	[tilespmem:$0x1DC80] =	vst v63  }
0xca: {  	_ =	swait.ge [sflag:s8], $0x2800  }
0xcb: {  	[sflag:s8] =	ssyncset.done $0x0;
	s21 =	rddreg [dreg:$0x13]  }
0xcc: {  	[sflag:s8] =	ssyncadd.s32 $0xFFFFD800;
	s20 =	sadd.s32 s6, s21  }
0xcd: {  	[tilespmem:s16], [sflag:$0x9] =	stream.linear.gather [hbm4b:s20+s4], $0x50, $0x38;
	[tilespmem:$0x1DC80] =	vst v63  }
0xce: {  	_ =	swait.ge [sflag:s10], $0x50  }
0xcf: {  	[sflag:s10] =	ssyncset.done $0x0;
	s21 =	rddreg [dreg:$0x12]  }
0xd0: {  	[sflag:s10] =	ssyncadd.s32 $0xFFFFFFB0;
	s20 =	sadd.s32 s6, s21  }
0xd1: {  	[tilespmem:s17], [sflag:$0x9] =	stream.linear.gather [hbm4b:s20+s4], $0x50, $0x38;
	[tilespmem:$0x1DC80] =	vst v63  }
0xd2: {  	_ =	swait.ge [sflag:s10], $0x50  }
0xd3: {  	[sflag:s10] =	ssyncset.done $0x0  }
0xd4: {  	[sflag:s10] =	ssyncadd.s32 $0xFFFFFFB0  }
0xd5: {  	[tilespmem:s18], [sflag:$0x3] =	stream.indirect.gather [hbm4b:s1+s12], $0x80, s16, s12, $0xb8;
	[tilespmem:$0x1DC80] =	vst v63  }
0xd6: {  	_ =	swait.ge [sflag:s5], $0x2800  }
0xd7: {  	[sflag:s5] =	ssyncset.done $0x0;
	s21 =	rddreg [dreg:$0x11]  }
0xd8: {  	[sflag:s5] =	ssyncadd.s32 $0xFFFFD800;
	s20 =	sadd.s32 s6, s21  }
0xd9: {  	[tilespmem:s26], [sflag:$0x9] =	stream.linear.gather [hbm4b:s20+s4], $0x50, $0x38;
	[tilespmem:$0x1DC80] =	vst v63  }
0xda: {  	_ =	swait.ge [sflag:s10], $0x50  }
0xdb: {  	[sflag:s10] =	ssyncset.done $0x0;
	s21 =	rddreg [dreg:$0x10]  }
0xdc: {  	[sflag:s10] =	ssyncadd.s32 $0xFFFFFFB0;
	s20 =	sadd.s32 s6, s21  }
0xdd: {  	[tilespmem:s25], [sflag:$0x9] =	stream.linear.gather [hbm4b:s20+s4], $0x50, $0x38;
	[tilespmem:$0x1DC80] =	vst v63  }
.Ltmp4:
0xde: {  	_ = 	snop;
	(pc) =	sbr.rel .LBB2_4-.Ltmp4, $4  }
0xdf: {  	_ =	swait.ge [sflag:s10], $0x50  }
0xe0: {  	[sflag:s10] =	ssyncset.done $0x0  }
0xe1: {  	s19 =	sadd.s32 $0x140, s19;
	s6 =	sadd.s32 $0x28, s6;
	[sflag:s10] =	ssyncadd.s32 $0xFFFFFFB0  }
0xe2: {  	[tilespmem:s28], [sflag:$0x4] =	stream.indirect.gather [hbm4b:s1+s12], $0x80, s26, s12, $0xb8;
	[tilespmem:$0x1DC80] =	vst v63  }
.LBB2_7:
0xe3: {  	_ =	sfence.sel $0x180000  }
0xe4: {  	[bflag:$0x0] =	sbarrier.arrive $0xFFFF  }
0xe5: {  	_ =	strace $0x9000004D  }
0xe6: {  	s0 =	stileid.u32;
	[bflag:$0x2] =	sbarrier.arrive $0xFFFF  }
0xe7: {  	p0 =	sne.s32 s0, $0x0;
	s0 =	rddreg [dreg:$0x3]  }
0xe8: {  	s0 =	sadd.s32 @!p0 $0x100000, s0  }
0xe9: {  	[sflag:s0] =	ssyncadd.tile.s32 @!p0 $0x1;
	_ =	shalt  }
.Lfunc_end2:
_tile_overlayer_lowered:
.L_overlay_start_2:
0xea: {  	(tag) =	ssettag $0x2  }
0xeb: {  	s0 =	rddreg [dreg:$0x0];
	s2 =	stileid.u32  }
0xec: {  	s1 =	rddreg [dreg:$0x1];
	p0 =	sne.s32 s2, $0x0  }
0xed: {  	s3 =	rddreg [dreg:$0x2];
	[bflag:$0x3] =	sbarrier.arrive $0xFFFF;
	s2 =	simm.s32 @!p0 $0x1C09  }
0xee: {  	[timem:s3], [sflag:s2] =	dma.local @!p0 [hbm:s0], s1  }
0xef: {  	s0 =	simm.s32 @!p0 $0x9  }
0xf0: {  	_ =	swait.ge @!p0 [sflag:s0], s1  }
0xf1: {  	s1 =	ssub.s32 @!p0 $0x0, s1;
	[sflag:s0] =	ssyncset.done @!p0 $0x0  }
0xf2: {  	[sflag:s0] =	ssyncadd.s32 @!p0 s1  }
0xf3: {  	[bflag:$0x3] =	sbarrier.arrive $0xFFFF  }
0xf4: {  	_ =	shalt  }

// kernel: kernel.8.cloned.1.call-start
scs
__scs_entry_jumppad:
0x0: {  	(pc) =	sbr.rel $0x88, $3  }
0x1: {  	(tag) =	ssettag $0x0;
	lr =	simm.s32 $0x1  }
0x2: {  	[smem:$0x3F9B] =	sst lr;
	_ =	strace $0xD0000000  }
0x3: {  	_ = 	snop  }
0x4: {  	_ = 	snop  }
0x5: {  	_ = 	snop  }
0x6: {  	_ = 	snop  }
0x7: {  	_ = 	snop  }
__scs_overlays_trampoline_lowered:
0x8: {  	[smem:$0x3FAA] =	sst s0  }
0x9: {  	[smem:$0x3FAB] =	sst s1  }
0xa: {  	[smem:$0x3FAC] =	sst s2  }
0xb: {  	[smem:$0x3FAD] =	sst s3  }
0xc: {  	[smem:$0x3FAE] =	sst s4  }
0xd: {  	[smem:$0x3FAF] =	sst s5  }
0xe: {  	[smem:$0x3FB0] =	sst s6  }
0xf: {  	[smem:$0x3FB1] =	sst s7  }
0x10: {  	[smem:$0x3FB2] =	sst s8  }
0x11: {  	[smem:$0x3FB3] =	sst s9;
	s0 =	simm.s32 @!p0 $0x0  }
0x12: {  	s1 =	sld [smem:$0x3F99];
	s0 =	simm.s32 @p0 $0x1  }
0x13: {  	[smem:$0x3FB4] =	sst s0;
	s0 =	simm.s32 @!p1 $0x0  }
0x14: {  	s2 =	sld [smem:$0x3F98];
	s0 =	simm.s32 @p1 $0x1  }
0x15: {  	[smem:$0x3FB5] =	sst s0;
	s0 =	simm.s32 @!p2 $0x0  }
0x16: {  	s3 =	sld [smem:$0x3FDB];
	s0 =	simm.s32 @p2 $0x1  }
0x17: {  	s4 =	simm.s32 $0x1BF5;
	[smem:$0x3FB7] =	sst s0  }
0x18: {  	s0 =	sld [smem:$0x3F9A];
	_ =	swait.ge [sflag:s4], $0x0  }
0x19: {  	s7 =	sld [smem:$0x3F9B]  }
0x1a: {  	s8 =	sadd.s32 $0xFFFFE003, lr  }
0x1b: {  	s9 =	sadd.s32 $0xFFFFFEF7, lr;
	s5 =	simm.s32 $0xFFFFFFFF;
	p2 =	slt.u32 s8, $0xFFFFF086  }
0x1c: {  	p1 =	slt.u32 s9, $0xF7A;
	s5 =	simm.s32 @!p2 $0x0  }
0x1d: {  	s5 =	simm.s32 @p1 $0x1;
	p0 =	seq.s32 s7, s2  }
0x1e: {  	s7 =	smul.u32 @!p0 $0xF7A, s2;
	p2 =	seq.s32 @!p0 s5, $0x0  }
0x1f: {  	s9 =	smul.u32 $0xF7A, s1;
	s8 =	simm.s32 @!p0 $0x1BF5;
	p2 =	por !p2, p0  }
0x20: {  	[sflag:s8] =	ssyncset.s32 @!p0 $0xFFFFF086;
	s6 =	sadd.s32 @!p0 s3, s7;
	s7 =	simm.s32 @!p0 $0x108  }
0x21: {  	s3 =	sadd.s32 s3, s9;
	s6 =	sadd.s32 @!p0 $0x88, s6;
	s7 =	simm.s32 @p2 $0x1082  }
0x22: {  	[simem:s7], [sflag:s8] =	dma.local @!p0 [hbm:s6], $0xF7A  }
0x23: {  	s9 =	sor.u32 $0xD0000000, s2;
	s6 =	simm.s32 $0x108;
	_ =	swait.ge @!p0 [sflag:s8], $0x0  }
0x24: {  	s3 =	sadd.s32 $0x88, s3;
	s6 =	simm.s32 @!p1 $0x1082;
	[sflag:s4] =	ssyncset.s32 $0xFFFFF086  }
0x25: {  	[simem:s6], [sflag:s4] =	dma.local [hbm:s3], $0xF7A  }
0x26: {  	[smem:$0x3F9B] =	sst s1;
	(tag) =	ssettag s2;
	_ =	strace s9  }
0x27: {  	s1 =	sld [smem:$0x3FAB]  }
0x28: {  	s2 =	sld [smem:$0x3FAC]  }
0x29: {  	s4 =	sld [smem:$0x3FAE]  }
0x2a: {  	p0 =	seq.s32 s5, $0x0;
	s5 =	sld [smem:$0x3FAF]  }
0x2b: {  	s6 =	sld [smem:$0x3FB0]  }
0x2c: {  	s7 =	sld [smem:$0x3FB1]  }
0x2d: {  	s3 =	simm.s32 $0x108;
	s8 =	sld [smem:$0x3FB2]  }
0x2e: {  	s3 =	simm.s32 @!p0 $0x1082;
	s9 =	sld [smem:$0x3FB3]  }
0x2f: {  	lr =	sadd.s32 s0, s3;
	s0 =	sld [smem:$0x3FAA]  }
0x30: {  	s3 =	sld [smem:$0x3FAD]  }
0x31: {  	[smem:$0x3FB6] =	sst s10  }
0x32: {  	s10 =	sld [smem:$0x3FB4];
	_ =	sdelay $0x3  }
0x33: {  	p0 =	seq.s32 s10, $0x1;
	s10 =	sld [smem:$0x3FB6];
	_ =	sdelay $0x3  }
0x34: {  	[smem:$0x3FB6] =	sst s10  }
0x35: {  	s10 =	sld [smem:$0x3FB5];
	_ =	sdelay $0x3  }
0x36: {  	p1 =	seq.s32 s10, $0x1;
	s10 =	sld [smem:$0x3FB6];
	_ =	sdelay $0x3  }
0x37: {  	[smem:$0x3FB6] =	sst s10  }
0x38: {  	s10 =	sld [smem:$0x3FB7]  }
0x39: {  	_ = 	snop;
	(pc) =	sbr.ind lr, $3  }
0x3a: {  	_ = 	snop  }
0x3b: {  	_ = 	snop  }
0x3c: {  	p2 =	seq.s32 s10, $0x1;
	s10 =	sld [smem:$0x3FB6]  }
0x3d: {  	_ =	shalt  }
0x3e: {  	_ =	shalt  }
0x3f: {  	_ =	shalt  }
0x40: {  	_ =	shalt  }
0x41: {  	_ =	shalt  }
0x42: {  	_ =	shalt  }
0x43: {  	_ =	shalt  }
0x44: {  	_ =	shalt  }
0x45: {  	_ =	shalt  }
0x46: {  	_ =	shalt  }
0x47: {  	_ =	shalt  }
0x48: {  	_ =	shalt  }
0x49: {  	_ =	shalt  }
0x4a: {  	_ =	shalt  }
0x4b: {  	_ =	shalt  }
0x4c: {  	_ =	shalt  }
0x4d: {  	_ =	shalt  }
0x4e: {  	_ =	shalt  }
0x4f: {  	_ =	shalt  }
0x50: {  	_ =	shalt  }
0x51: {  	_ =	shalt  }
0x52: {  	_ =	shalt  }
0x53: {  	_ =	shalt  }
0x54: {  	_ =	shalt  }
0x55: {  	_ =	shalt  }
0x56: {  	_ =	shalt  }
0x57: {  	_ =	shalt  }
0x58: {  	_ =	shalt  }
0x59: {  	_ =	shalt  }
0x5a: {  	_ =	shalt  }
0x5b: {  	_ =	shalt  }
0x5c: {  	_ =	shalt  }
0x5d: {  	_ =	shalt  }
0x5e: {  	_ =	shalt  }
0x5f: {  	_ =	shalt  }
0x60: {  	_ =	shalt  }
0x61: {  	_ =	shalt  }
0x62: {  	_ =	shalt  }
0x63: {  	_ =	shalt  }
0x64: {  	_ =	shalt  }
0x65: {  	_ =	shalt  }
0x66: {  	_ =	shalt  }
0x67: {  	_ =	shalt  }
0x68: {  	_ =	shalt  }
0x69: {  	_ =	shalt  }
0x6a: {  	_ =	shalt  }
0x6b: {  	_ =	shalt  }
0x6c: {  	_ =	shalt  }
0x6d: {  	_ =	shalt  }
0x6e: {  	_ =	shalt  }
0x6f: {  	_ =	shalt  }
0x70: {  	_ =	shalt  }
0x71: {  	_ =	shalt  }
0x72: {  	_ =	shalt  }
0x73: {  	_ =	shalt  }
0x74: {  	_ =	shalt  }
0x75: {  	_ =	shalt  }
0x76: {  	_ =	shalt  }
0x77: {  	_ =	shalt  }
0x78: {  	_ =	shalt  }
0x79: {  	_ =	shalt  }
0x7a: {  	_ =	shalt  }
0x7b: {  	_ =	shalt  }
0x7c: {  	_ =	shalt  }
0x7d: {  	_ =	shalt  }
0x7e: {  	_ =	shalt  }
0x7f: {  	_ =	shalt  }
0x80: {  	_ =	shalt  }
0x81: {  	_ =	shalt  }
0x82: {  	_ =	shalt  }
0x83: {  	_ =	shalt  }
0x84: {  	_ =	shalt  }
0x85: {  	_ =	shalt  }
0x86: {  	_ =	shalt  }
0x87: {  	_ =	shalt  }
.Lfunc_end0:
.L_simem_size_0:
called_computation_lowered:
.L_overlay_start_0:
0x88: {  	s2 =	sld [smem:$0x3FD9]  }
0x89: {  	s3 =	sld [smem:$0x3FFE];
	_ =	sdelay $0x1  }
0x8a: {  	s1 =	srdreg.scid  }
0x8b: {  	s0 =	sand.u32 $0x1, s1  }
0x8c: {  	s16 =	sshll.u32 s0, $0xA;
	s2 =	sadd.s32 s3, s2  }
0x8d: {  	s2 =	sadd.s32 s2, s16  }
0x8e: {  	[smem:$0x3FC2] =	sst s2  }
0x8f: {  	_ = 	snop  }
0x90: {  	(tm) =	ssettm $0x1  }
0x91: {  	s17 =	sld [smem:$0x3FFB];
	_ =	sdelay $0x3  }
0x92: {  	_ =	strace s17  }
0x93: {  	s2 =	sld [smem:$0x3FFC];
	_ =	sdelay $0x3  }
0x94: {  	_ =	strace s2  }
0x95: {  	s2 =	sld [smem:$0x3FFD];
	_ =	sdelay $0x3  }
0x96: {  	_ =	strace s2  }
0x97: {  	_ =	strace $0x8FFFFFFF  }
0x98: {  	s18 =	sld [smem:$0x3FDB];
	_ =	sdelay $0x1  }
0x99: {  	s19 =	simm.s32 $_scs_section_size  }
0x9a: {  	s4 =	simm.s32 $_size__tile_overlayer_lowered;
	s5 =	simm.s32 $_tile_overlayer_lowered  }
0x9b: {  	s22 =	simm.s32 $0x1BFF;
	s21 =	sshll.u32 s5, $0x1;
	s2 =	sadd.s32 s19, s18  }
0x9c: {  	s6 =	simm.s32 $0x0;
	s20 =	sshll.u32 s4, $0x1;
	s4 =	sadd.s32 s21, s2  }
0x9d: {  	[timem:s6], [sflag:s22] =	dma.local [hbm:s4], s20  }
0x9e: {  	_ =	swait.ge [sflag:s22], s20  }
0x9f: {  	s3 =	ssub.s32 $0x0, s20;
	[sflag:s22] =	ssyncset.done $0x0  }
0xa0: {  	[sflag:s22] =	ssyncadd.s32 s3;
	_ =	sdelay $0x1  }
0xa1: {  	s23 =	simm.s32 $0x1B8B  }
0xa2: {  	_ =	swait.ge [sflag:s23], $0x1  }
0xa3: {  	[sflag:s23] =	ssyncset.done $0x0  }
0xa4: {  	s25 =	simm.s32 $0x1B8E;
	s24 =	sld [smem:$0x3FFE];
	[sflag:s23] =	ssyncadd.s32 $0xFFFFFFFF  }
0xa5: {  	s26 =	simm.s32 $execute0_lowered;
	[smem:$0x3FD2] =	sst s25  }
0xa6: {  	s4 =	sshll.u32 s26, $0x1;
	_ =	strace $0x80000046;
	[dreg:$0x1] =	wrdreg $0xFFFFFFFF  }
0xa7: {  	s28 =	simm.s32 $_size_execute0_lowered;
	s2 =	sadd.s32 s2, s4;
	[dreg:$0x0] =	wrdreg $0x0  }
0xa8: {  	s4 =	sshll.u32 s28, $0x1;
	[dreg:$0x2] =	wrdreg s2  }
0xa9: {  	[dreg:$0x3] =	wrdreg s4  }
0xaa: {  	[dreg:$0x4] =	wrdreg $0xC0  }
0xab: {  	_ =	task [dreg:s6], $0x5FFFF  }
0xac: {  	[dreg:$0x1] =	wrdreg $0xFFFFFFFF  }
0xad: {  	[dreg:$0x0] =	wrdreg $0x60  }
0xae: {  	[dreg:$0x2] =	wrdreg s24  }
0xaf: {  	[dreg:$0x3] =	wrdreg $0x69000  }
0xb0: {  	[dreg:$0x4] =	wrdreg $0x9  }
0xb1: {  	_ =	task.clear_ibuf [dreg:s6], $0x5FFFF;
	_ =	strace $0x90000046  }
0xb2: {  	s29 =	simm.s32 $0x9;
	_ =	strace $0x80000048  }
0xb3: {  	_ =	swait.ge [sflag:s29], $0x1  }
0xb4: {  	[sflag:s29] =	ssyncadd.s32 $0xFFFFFFFF  }
0xb5: {  	_ =	strace $0x90000048  }
0xb6: {  	_ =	sfence  }
0xb7: {  	s30 =	sld [smem:$0x0];
	_ =	sdelay $0x2  }
0xb8: {  	s31 =	sshll.u32 s1, $0xD;
	s1 =	sshrl.u32 s1, $0x2  }
0xb9: {  	s3 =	sand.u32 $0x4000, s31;
	s1 =	sadd.s32 s1, s30  }
0xba: {  	s0 =	sor.u32 s3, s0;
	s1 =	sshll.u32 s1, $0x11  }
0xbb: {  	s0 =	sor.u32 s1, s0  }
0xbc: {  	s0 =	sadd.s32 $0x8F2B, s0  }
0xbd: {  	[sflag:s0] =	ssyncadd.remote.s32 $0x1  }
0xbe: {  	_ =	sfence.sel $0xFFFF  }
0xbf: {  	[dreg:$0x0] =	wrdreg $0xFFFFFFFF;
	(pc) =	sbr.abs _section_cstart, $3  }
0xc0: {  	[dreg:$0x1] =	wrdreg $0xFFFFFFFF  }
0xc1: {  	_ =	task.clear_ibuf [dreg:s6], $0x2FFFF;
	_ =	strace $0x9FFFFFFF  }
0xc2: {  	(tm) =	ssettm $0x7FFFFFFF  }
0xc3: {  	_ =	shalt  }
tec
execute0_lowered:
.L_overlay_start_1:
0x0: {  	(tag) =	ssettag $0x1  }
0x1: {  	s5 =	rddreg [dreg:$0x0]  }
0x2: {  	s1 =	rddreg [dreg:$0x1]  }
0x3: {  	s0 =	rddreg [dreg:$0x2];
	s3 =	simm.s32 $0x0  }
0x4: {  	s4 =	srdreg.scid;
	s2 =	stileid.u32;
	s18 =	simm.s32 $0x3  }
0x5: {  	s19 =	simm.s32 $0x50;
	s20 =	simm.s32 $0x100;
	s21 =	simm.s32 $0x80  }
0x6: {  	s22 =	simm.s32 $0x1;
	s23 =	simm.s32 $0x2;
	s24 =	simm.s32 $0x0  }
0x7: {  	[smem:$0x7FF] =	sst s3;
	s9 =	sand.u32 $0x1, s4;
	s7 =	smul.u32 $0x4E000, s2  }
0x8: {  	s6 =	sshll.u32 s2, $0x1;
	s4 =	sadd.s32 $0xBE00, s5;
	s15 =	smul.u32 $0x13800, s2  }
0x9: {  	s12 =	sadd.s32 $0x15C00, s5;
	s16 =	smul.u32 $0x4E20, s2;
	p0 =	sne.s32 s2, $0xF  }
0xa: {  	_ =	strace $0x80000047;
	s30 =	ssub.s32 $0x2, s9;
	s13 =	smul.u32 $0x138800, s9  }
0xb: {  	s6 =	sor.u32 s9, s6;
	s17 =	smul.u32 $0x2710, s9;
	s31 =	sshrl.u32 s30, $0x1  }
0xc: {  	s10 =	smul.u32 $0x2710, s6;
	s7 =	sshrl.u32 s7, $0x2;
	s14 =	ssub.s32 s30, s31  }
0xd: {  	s5 =	sadd.s32 s7, s1;
	s15 =	sadd.s32 s15, s13;
	s13 =	sshrl.u32 s13, $0x3  }
0xe: {  	s16 =	sadd.s32 s17, s16;
	s6 =	sadd.s32 $0x4000, s5;
	s7 =	sadd.s32 $0x8000, s5  }
0xf: {  	s8 =	sadd.s32 $0xC000, s5;
	s11 =	sshrl.u32 s10, $0x3;
	s9 =	sadd.s32 $0x10000, s5  }
0x10: {  	s10 =	sadd.s32 $0x138000, s1;
	s15 =	sshrl.u32 s15, $0x3;
	s13 =	sadd.s32 s12, s13  }
0x11: {  	s17 =	sadd.s32 $0x50, s16;
	s14 =	smax.u32 s14, $0x1;
	s11 =	sadd.s32 s4, s11  }
0x12: {  	s12 =	sadd.s32 s12, s15;
	s13 =	sadd.s32 $0x27000, s13;
	s17 =	sshrl.u32 s17, $0x3  }
0x13: {  	v0 =	vimm.f32 $1.000000000e+00;
	v1 =	vimm.f32 $0.0e+00;
	s15 =	sadd.s32 $0xA0, s16;
	s16 =	sadd.s32 s17, s4;
	s17 =	simm.s32 $0x2900  }
.LBB2_1:
0x14: {  	s25 =	simm.s32 $0x0;
	s26 =	simm.s32 $0x0  }
.LBB2_2:
0x15: {  	p1 =	sne.s32 s26, $0x9FC0  }
.Ltmp0:
0x16: {  	_ = 	snop;
	(pc) =	sbr.rel @p1 .LBB2_2-.Ltmp0, $4  }
0x17: {  	s28 =	sand.u32 $0xFE00, s26  }
0x18: {  	s29 =	sand.u32 $0x70, s25;
	s28 =	sshrl.u32 s28, $0x2  }
0x19: {  	s28 =	sor.u32 s29, s28  }
0x1a: {  	s25 =	sadd.s32 $0x10, s25;
	s26 =	sadd.s32 $0x40, s26;
	[tilespmem:s28+$0x100] =	vst v0  }
0x1b: {  	s25 =	simm.s32 $0x0  }
0x1c: {  	s26 =	sand.u32 $0xFE00, s25  }
0x1d: {  	s28 =	sand.u32 $0x70, s25;
	s29 =	sshrl.u32 s26, $0x2  }
0x1e: {  	s26 =	simm.s32 $0x40;
	s28 =	sor.u32 s28, s29  }
.LBB2_4:
0x1f: {  	p1 =	sne.s32 s26, $0xFFC0  }
0x20: {  	[tilespmem:s28+$0x2900] =	vst v1;
	s25 =	sadd.s32 $0x10, s25;
	s28 =	smov.u32 s26;
	s26 =	sadd.s32 $0x40, s26  }
.Ltmp1:
0x21: {  	(pc) =	sbr.rel @p1 .LBB2_4-.Ltmp1, $4  }
0x22: {  	_ = 	snop  }
0x23: {  	s28 =	sand.u32 $0xFE00, s28  }
0x24: {  	s29 =	sand.u32 $0x70, s25;
	s28 =	sshrl.u32 s28, $0x2  }
0x25: {  	s28 =	sor.u32 s29, s28  }
0x26: {  	[tilespmem:s28+$0x2900] =	vst v1  }
0x27: {  	[spmem:s5] =	stream.linear.scatter [tilespmem:s17], [sflag:$0x3], $0x4000, $0x38;
	[tilespmem:$0x1A180] =	vst v63  }
0x28: {  	_ =	swait.ge [sflag:s18], $0x4000  }
0x29: {  	[sflag:s18] =	ssyncset.done $0x0  }
0x2a: {  	[sflag:s18] =	ssyncadd.s32 $0xFFFFC000  }
0x2b: {  	[spmem:s6] =	stream.linear.scatter [tilespmem:s17], [sflag:$0x3], $0x4000, $0x38;
	[tilespmem:$0x1A180] =	vst v63  }
0x2c: {  	_ =	swait.ge [sflag:s18], $0x4000  }
0x2d: {  	[sflag:s18] =	ssyncset.done $0x0  }
0x2e: {  	[sflag:s18] =	ssyncadd.s32 $0xFFFFC000  }
0x2f: {  	[spmem:s7] =	stream.linear.scatter [tilespmem:s17], [sflag:$0x3], $0x4000, $0x38;
	[tilespmem:$0x1A180] =	vst v63  }
0x30: {  	_ =	swait.ge [sflag:s18], $0x4000  }
0x31: {  	[sflag:s18] =	ssyncset.done $0x0  }
0x32: {  	[sflag:s18] =	ssyncadd.s32 $0xFFFFC000  }
0x33: {  	[spmem:s8] =	stream.linear.scatter [tilespmem:s17], [sflag:$0x3], $0x4000, $0x38;
	[tilespmem:$0x1A180] =	vst v63  }
0x34: {  	_ =	swait.ge [sflag:s18], $0x4000  }
0x35: {  	[sflag:s18] =	ssyncset.done $0x0  }
0x36: {  	[sflag:s18] =	ssyncadd.s32 $0xFFFFC000  }
0x37: {  	[spmem:s9] =	stream.linear.scatter [tilespmem:s17], [sflag:$0x3], $0x3800, $0x38;
	[tilespmem:$0x1A180] =	vst v63  }
0x38: {  	_ =	swait.ge [sflag:s18], $0x3800  }
0x39: {  	[sflag:s18] =	ssyncset.done $0x0  }
0x3a: {  	s25 =	simm.s32 @!p0 $0x2900;
	[sflag:s18] =	ssyncadd.s32 $0xFFFFC800  }
0x3b: {  	[spmem:s10] =	stream.linear.scatter @!p0 [tilespmem:s25], [sflag:$0x3], $0x800, $0x38;
	[tilespmem:$0x1A180] =	vst v63  }
0x3c: {  	s25 =	simm.s32 @!p0 $0x3  }
0x3d: {  	_ =	swait.ge @!p0 [sflag:s25], $0x800  }
0x3e: {  	[sflag:s25] =	ssyncset.done @!p0 $0x0  }
0x3f: {  	[sflag:s25] =	ssyncadd.s32 @!p0 $0xFFFFF800  }
0x40: {  	s29 =	simm.s32 $0x0;
	[bflag:$0x0] =	sbarrier.arrive $0xFFFF  }
0x41: {  	[tilespmem:s29], [sflag:$0x3] =	stream.linear.gather [hbm4b:s11+s29], $0x50, $0x38;
	[tilespmem:$0x1A180] =	vst v63  }
0x42: {  	_ =	swait.ge [sflag:s18], $0x50  }
0x43: {  	[sflag:s18] =	ssyncset.done $0x0  }
0x44: {  	[sflag:s18] =	ssyncadd.s32 $0xFFFFFFB0  }
0x45: {  	[spmem:s1] =	stream.indirect.scatter.add.f32 [tilespmem:s20], [sflag:$0x1], $0x80, s3, s19, $0xb8;
	[tilespmem:$0x1A180] =	vst v63  }
0x46: {  	s30 =	sadd.s32 $0x0, s16  }
0x47: {  	[tilespmem:s21], [sflag:$0x3] =	stream.linear.gather [hbm4b:s30+s3], $0x50, $0x38;
	[tilespmem:$0x1A180] =	vst v63  }
0x48: {  	_ =	swait.ge [sflag:s18], $0x50  }
0x49: {  	[sflag:s18] =	ssyncset.done $0x0  }
0x4a: {  	[sflag:s18] =	ssyncadd.s32 $0xFFFFFFB0  }
0x4b: {  	[spmem:s1] =	stream.indirect.scatter.add.f32 [tilespmem:s20], [sflag:$0x2], $0x80, s21, s19, $0xb8;
	[tilespmem:$0x1A180] =	vst v63  }
0x4c: {  	_ =	swait.ge [sflag:s22], $0x2800  }
0x4d: {  	s31 =	sshrl.u32 s15, $0x3;
	[sflag:s22] =	ssyncset.done $0x0  }
0x4e: {  	s25 =	sadd.s32 s4, s31;
	[sflag:s22] =	ssyncadd.s32 $0xFFFFD800  }
0x4f: {  	[tilespmem:s3], [sflag:$0x3] =	stream.linear.gather [hbm4b:s25+s3], $0x50, $0x38;
	[tilespmem:$0x1A180] =	vst v63  }
0x50: {  	_ =	swait.ge [sflag:s18], $0x50  }
0x51: {  	[sflag:s18] =	ssyncset.done $0x0  }
0x52: {  	[sflag:s18] =	ssyncadd.s32 $0xFFFFFFB0  }
0x53: {  	_ =	swait.ge [sflag:s23], $0x2800  }
0x54: {  	s26 =	smov.u32 s15;
	s25 =	simm.s32 $0x14;
	[sflag:s23] =	ssyncset.done $0x0  }
.LBB2_6:
0x55: {  	p1 =	sne.s32 s25, $0x258;
	[sflag:s23] =	ssyncadd.s32 $0xFFFFD800;
	s26 =	sadd.s32 $0xA0, s26  }
0x56: {  	[spmem:s1] =	stream.indirect.scatter.add.f32 [tilespmem:s20], [sflag:$0x1], $0x80, s3, s19, $0xb8;
	[tilespmem:$0x1A180] =	vst v63  }
0x57: {  	s28 =	sadd.s32 s25, s16;
	s25 =	sadd.s32 $0x14, s25  }
0x58: {  	[tilespmem:s21], [sflag:$0x3] =	stream.linear.gather [hbm4b:s28+s3], $0x50, $0x38;
	[tilespmem:$0x1A180] =	vst v63  }
0x59: {  	_ =	swait.ge [sflag:s18], $0x50  }
0x5a: {  	[sflag:s18] =	ssyncset.done $0x0  }
0x5b: {  	[sflag:s18] =	ssyncadd.s32 $0xFFFFFFB0  }
0x5c: {  	[spmem:s1] =	stream.indirect.scatter.add.f32 [tilespmem:s20], [sflag:$0x2], $0x80, s21, s19, $0xb8;
	[tilespmem:$0x1A180] =	vst v63  }
0x5d: {  	_ =	swait.ge [sflag:s22], $0x2800  }
0x5e: {  	s28 =	sshrl.u32 s26, $0x3;
	[sflag:s22] =	ssyncset.done $0x0  }
0x5f: {  	s28 =	sadd.s32 s4, s28;
	[sflag:s22] =	ssyncadd.s32 $0xFFFFD800  }
0x60: {  	[tilespmem:s3], [sflag:$0x3] =	stream.linear.gather [hbm4b:s28+s3], $0x50, $0x38;
	[tilespmem:$0x1A180] =	vst v63  }
.Ltmp2:
0x61: {  	_ =	swait.ge [sflag:s18], $0x50;
	(pc) =	sbr.rel @p1 .LBB2_6-.Ltmp2, $4  }
0x62: {  	[sflag:s18] =	ssyncset.done $0x0  }
0x63: {  	[sflag:s18] =	ssyncadd.s32 $0xFFFFFFB0  }
0x64: {  	_ =	swait.ge [sflag:s23], $0x2800  }
0x65: {  	[sflag:s23] =	ssyncset.done $0x0  }
0x66: {  	[sflag:s23] =	ssyncadd.s32 $0xFFFFD800  }
0x67: {  	[spmem:s1] =	stream.indirect.scatter.add.f32 [tilespmem:s20], [sflag:$0x3], $0x80, s3, s19, $0xb8;
	[tilespmem:$0x1A180] =	vst v63  }
0x68: {  	_ =	swait.ge [sflag:s18], $0x2800  }
0x69: {  	[sflag:s18] =	ssyncset.done $0x0  }
0x6a: {  	s25 =	sshll.u32 s2, $0x6;
	[sflag:s18] =	ssyncadd.s32 $0xFFFFD800  }
0x6b: {  	s26 =	sshrl.u32 s5, $0x3;
	s25 =	sor.u32 $0x1C03, s25;
	[bflag:$0x0] =	sbarrier.arrive $0xFFFF  }
0x6c: {  	[hbm:s12], [sflag:s25] =	dma.local [spmem:s26], $0x2700  }
0x6d: {  	_ =	swait.ge [sflag:s18], $0x2700  }
0x6e: {  	s24 =	sadd.s32 $0x1, s24;
	[sflag:s18] =	ssyncset.done $0x0  }
0x6f: {  	p1 =	sne.s32 s24, s14;
	s26 =	sshrl.u32 @!p0 s10, $0x3;
	[sflag:s18] =	ssyncadd.s32 $0xFFFFD900  }
0x70: {  	[hbm:s13], [sflag:s25] =	dma.local @!p0 [spmem:s26], $0x100  }
.Ltmp3:
0x71: {  	_ = 	snop;
	(pc) =	sbr.rel @p1 .LBB2_1-.Ltmp3, $4  }
0x72: {  	s25 =	simm.s32 @!p0 $0x3  }
0x73: {  	_ =	swait.ge @!p0 [sflag:s25], $0x100  }
0x74: {  	[sflag:s25] =	ssyncset.done @!p0 $0x0  }
0x75: {  	[sflag:s25] =	ssyncadd.s32 @!p0 $0xFFFFFF00  }
0x76: {  	_ =	sfence.sel $0x180000  }
0x77: {  	[bflag:$0x0] =	sbarrier.arrive $0xFFFF  }
0x78: {  	p0 =	sne.s32 s2, $0x0;
	_ =	strace $0x90000047  }
0x79: {  	s0 =	sadd.s32 @!p0 $0x100000, s0;
	[bflag:$0x2] =	sbarrier.arrive $0xFFFF  }
0x7a: {  	[sflag:s0] =	ssyncadd.tile.s32 @!p0 $0x1;
	_ =	shalt  }
.Lfunc_end2:
_tile_overlayer_lowered:
.L_overlay_start_2:
0x7b: {  	(tag) =	ssettag $0x2  }
0x7c: {  	s0 =	rddreg [dreg:$0x0];
	s2 =	stileid.u32  }
0x7d: {  	s1 =	rddreg [dreg:$0x1];
	p0 =	sne.s32 s2, $0x0  }
0x7e: {  	s3 =	rddreg [dreg:$0x2];
	[bflag:$0x3] =	sbarrier.arrive $0xFFFF;
	s2 =	simm.s32 @!p0 $0x1C03  }
0x7f: {  	[timem:s3], [sflag:s2] =	dma.local @!p0 [hbm:s0], s1  }
0x80: {  	s0 =	simm.s32 @!p0 $0x3  }
0x81: {  	_ =	swait.ge @!p0 [sflag:s0], s1  }
0x82: {  	s1 =	ssub.s32 @!p0 $0x0, s1;
	[sflag:s0] =	ssyncset.done @!p0 $0x0  }
0x83: {  	[sflag:s0] =	ssyncadd.s32 @!p0 s1  }
0x84: {  	[bflag:$0x3] =	sbarrier.arrive $0xFFFF  }
0x85: {  	_ =	shalt  }

</sc_bundles>
